<compile_context>
chip_gen: v7x
topology: tpu7x:2x2x1
jax: 0.10.2.dev20260603
libtpu: 0.0.44.dev20260713+nightly
codegen_flags: <defaults>
</compile_context>

<pallas_src>
import functools

import jax
import jax.numpy as jnp
from jax import lax
from jax.experimental import pallas as pl
from jax.experimental.pallas import tpu as pltpu
from jax.experimental.pallas import tpu_sc as plsc

_NC = 2
_NS = 16
_NW = _NC * _NS
_L = 16


@functools.lru_cache(maxsize=None)
def _make_sc_add(n_batch: int, seq: int, d: int):
    seq_per_w = seq // _NW
    chunk_rows = 8
    n_chunks = seq_per_w // chunk_rows
    assert n_chunks % 2 == 0 and n_chunks >= 4
    mesh = plsc.VectorSubcoreMesh(
        core_axis_name="c", subcore_axis_name="s",
        num_cores=_NC, num_subcores=_NS,
    )
    nb = n_batch

    @functools.partial(
        pl.kernel,
        out_type=jax.ShapeDtypeStruct((n_batch, seq, d), jnp.float32),
        mesh=mesh,
        scratch_types=(
            [pltpu.VMEM((chunk_rows, d), jnp.float32)] * (2 * nb + 2)
            + [pltpu.SemaphoreType.DMA] * (4 * nb + 2)
        ),
    )
    def sc_add(x_hbm, p_hbm, o_hbm, *scratch):
        xb = [[scratch[b * 2 + r] for r in range(2)] for b in range(nb)]
        pb = [scratch[2 * nb], scratch[2 * nb + 1]]
        sems = scratch[2 * nb + 2:]
        sx = [[sems[b * 2 + r] for r in range(2)] for b in range(nb)]
        so = [[sems[2 * nb + b * 2 + r] for r in range(2)] for b in range(nb)]
        sp = [sems[4 * nb], sems[4 * nb + 1]]

        wid = lax.axis_index("s") * _NC + lax.axis_index("c")
        row_base = wid * seq_per_w

        def start_x_in(c, b, r):
            rows = pl.ds(row_base + c * chunk_rows, chunk_rows)
            pltpu.make_async_copy(
                x_hbm.at[b, rows, :], xb[b][r], sx[b][r]).start()

        def start_p_in(c, r):
            rows = pl.ds(row_base + c * chunk_rows, chunk_rows)
            pltpu.make_async_copy(p_hbm.at[rows, :], pb[r], sp[r]).start()

        def wait(sem, buf):
            pltpu.make_async_copy(
                p_hbm.at[pl.ds(0, chunk_rows), :], buf, sem).wait()

        for r in range(2):
            start_p_in(r, r)
        for b in range(nb):
            start_x_in(0, b, 0)

        def pair_body(g, carry):
            for r in range(2):
                c = g * 2 + r
                wait(sp[r], pb[r])
                for b in range(nb):
                    @pl.when(c + 1 < n_chunks)
                    def _():
                        @pl.when(c >= 1)
                        def _():
                            wait(so[b][1 - r], xb[b][1 - r])
                        start_x_in(c + 1, b, 1 - r)

                    wait(sx[b][r], xb[b][r])

                    @plsc.parallel_loop(0, d // _L, unroll=2)
                    def _(i):
                        sl = pl.ds(i * _L, _L)
                        for row in range(chunk_rows):
                            plsc.addupdate(
                                xb[b][r].at[row, sl], pb[r][row, sl])

                    rows = pl.ds(row_base + c * chunk_rows, chunk_rows)
                    pltpu.make_async_copy(
                        xb[b][r], o_hbm.at[b, rows, :], so[b][r]).start()

                @pl.when(c + 2 < n_chunks)
                def _():
                    start_p_in(c + 2, r)
            return carry

        lax.fori_loop(0, n_chunks // 2, pair_body, 0)

        for b in range(nb):
            for r in range(2):
                wait(so[b][r], xb[b][r])

    return sc_add


def kernel(x, pos_table):
    B, S, D = x.shape
    fn = _make_sc_add(B, S, D)
    pos = pos_table if pos_table.shape[0] == S else pos_table[:S]
    return fn(x, pos)

# --- scband reference (transcript-rebuilt; emitter-appended) ---
"""Pipeline reference for scband-learned-positional-encoding-47158740910788 (READ-ONLY COPY).

The authoritative reference and input builder live on the scoring server;
editing this copy changes nothing except your own understanding.
"""

import jax, jax.numpy as jnp
import numpy as np

D_MODEL = 1024
MAX_LEN = 4096
BATCH = 4
SEQ_LEN = 4096


def setup_inputs(seed: int = 0) -> dict:
    key = jax.random.key(seed)
    k_x, k_emb = jax.random.split(key)
    x = jax.random.normal(k_x, (BATCH, SEQ_LEN, D_MODEL), dtype=jnp.float32)
    # learned positional embedding table (nn.Embedding weight), N(0,1) init like torch default
    pos_table = jax.random.normal(k_emb, (MAX_LEN, D_MODEL), dtype=jnp.float32)
    return {"x": x, "pos_table": pos_table}


def reference(x, pos_table):
    # x: (batch, seq_len, d_model)
    seq_len = x.shape[1]
    positions = jnp.arange(seq_len, dtype=jnp.int32)  # (seq_len,)
    # embedding lookup: gather rows of the table
    pos_embeds = jnp.take(pos_table, positions, axis=0)  # (seq_len, d_model)
    # broadcast over batch (torch expands positions to (batch, seq_len) then gathers;
    # result is identical to broadcasting the per-position embeddings)
    out = x + pos_embeds[None, :, :]
    # dropout p=0.0 -> identity
    return out

if __name__ == "__main__":
    import jax
    _d = setup_inputs()
    print(jax.jit(kernel)(*tuple(_d.values())))

</pallas_src>

<mosaic_0001>
#map = affine_map<(d0, d1) -> (0, 0, 0)>
#map1 = affine_map<(d0, d1) -> (0, 0)>
module attributes {stable_mosaic.version = 14 : i64} {
  func.func @sc_add(%arg0: i32, %arg1: i32, %arg2: memref<4x4096x1024xf32, #tpu.memory_space<hbm>>, %arg3: memref<4096x1024xf32, #tpu.memory_space<hbm>>, %arg4: memref<4x4096x1024xf32, #tpu.memory_space<hbm>>, %arg5: memref<8x1024xf32, #tpu.memory_space<vmem>>, %arg6: memref<8x1024xf32, #tpu.memory_space<vmem>>, %arg7: memref<8x1024xf32, #tpu.memory_space<vmem>>, %arg8: memref<8x1024xf32, #tpu.memory_space<vmem>>, %arg9: memref<8x1024xf32, #tpu.memory_space<vmem>>, %arg10: memref<8x1024xf32, #tpu.memory_space<vmem>>, %arg11: memref<8x1024xf32, #tpu.memory_space<vmem>>, %arg12: memref<8x1024xf32, #tpu.memory_space<vmem>>, %arg13: memref<8x1024xf32, #tpu.memory_space<vmem>>, %arg14: memref<8x1024xf32, #tpu.memory_space<vmem>>, %arg15: memref<!tpu.dma_semaphore, #tpu.memory_space<semaphore_mem>>, %arg16: memref<!tpu.dma_semaphore, #tpu.memory_space<semaphore_mem>>, %arg17: memref<!tpu.dma_semaphore, #tpu.memory_space<semaphore_mem>>, %arg18: memref<!tpu.dma_semaphore, #tpu.memory_space<semaphore_mem>>, %arg19: memref<!tpu.dma_semaphore, #tpu.memory_space<semaphore_mem>>, %arg20: memref<!tpu.dma_semaphore, #tpu.memory_space<semaphore_mem>>, %arg21: memref<!tpu.dma_semaphore, #tpu.memory_space<semaphore_mem>>, %arg22: memref<!tpu.dma_semaphore, #tpu.memory_space<semaphore_mem>>, %arg23: memref<!tpu.dma_semaphore, #tpu.memory_space<semaphore_mem>>, %arg24: memref<!tpu.dma_semaphore, #tpu.memory_space<semaphore_mem>>, %arg25: memref<!tpu.dma_semaphore, #tpu.memory_space<semaphore_mem>>, %arg26: memref<!tpu.dma_semaphore, #tpu.memory_space<semaphore_mem>>, %arg27: memref<!tpu.dma_semaphore, #tpu.memory_space<semaphore_mem>>, %arg28: memref<!tpu.dma_semaphore, #tpu.memory_space<semaphore_mem>>, %arg29: memref<!tpu.dma_semaphore, #tpu.memory_space<semaphore_mem>>, %arg30: memref<!tpu.dma_semaphore, #tpu.memory_space<semaphore_mem>>, %arg31: memref<!tpu.dma_semaphore, #tpu.memory_space<semaphore_mem>>, %arg32: memref<!tpu.dma_semaphore, #tpu.memory_space<semaphore_mem>>) attributes {dimension_semantics = [#tpu.dimension_semantics<core_parallel>, #tpu.dimension_semantics<subcore_parallel>], iteration_bounds = array<i64: 2, 16>, scalar_prefetch = 0 : i64, scratch_operands = 28 : i64, tpu.core_type = #tpu.core_type<sc_vector_subcore>, window_params = [{transform_indices = #map}, {transform_indices = #map1}, {transform_indices = #map}]} {
    %mul3A = arith.constant 2 : i32
    %mul3A_0 = arith.muli %arg1, %mul3A : i32
    %add3A = arith.addi %mul3A_0, %arg0 : i32
    %mul3A_1 = arith.constant 128 : i32
    %mul3A_2 = arith.muli %add3A, %mul3A_1 : i32
    %add3A_3 = arith.constant 0 : i32
    %add3A_4 = arith.addi %mul3A_2, %add3A_3 : i32
    %dma_start3A = arith.constant 0 : i32
    %dma_start3A_5 = tpu.memref_slice %arg3[%add3A_4, %dma_start3A] : memref<4096x1024xf32, #tpu.memory_space<hbm>> -> memref<8x1024xf32, #tpu.memory_space<hbm>>
    %dma_start3A_6 = arith.constant 0 : i32
    %dma_start3A_7 = tpu.memref_slice %arg3[%add3A_4, %dma_start3A_6] : memref<4096x1024xf32, #tpu.memory_space<hbm>> -> memref<8x1024xf32, #tpu.memory_space<hbm>>
    tpu.enqueue_dma source(%dma_start3A_7 : memref<8x1024xf32, #tpu.memory_space<hbm>>) target(%arg13 : memref<8x1024xf32, #tpu.memory_space<vmem>>) target_semaphore(%arg31 : memref<!tpu.dma_semaphore, #tpu.memory_space<semaphore_mem>>)
    %add3A_8 = arith.constant 8 : i32
    %add3A_9 = arith.addi %mul3A_2, %add3A_8 : i32
    %dma_start3A_10 = arith.constant 0 : i32
    %dma_start3A_11 = tpu.memref_slice %arg3[%add3A_9, %dma_start3A_10] : memref<4096x1024xf32, #tpu.memory_space<hbm>> -> memref<8x1024xf32, #tpu.memory_space<hbm>>
    %dma_start3A_12 = arith.constant 0 : i32
    %dma_start3A_13 = tpu.memref_slice %arg3[%add3A_9, %dma_start3A_12] : memref<4096x1024xf32, #tpu.memory_space<hbm>> -> memref<8x1024xf32, #tpu.memory_space<hbm>>
    tpu.enqueue_dma source(%dma_start3A_13 : memref<8x1024xf32, #tpu.memory_space<hbm>>) target(%arg14 : memref<8x1024xf32, #tpu.memory_space<vmem>>) target_semaphore(%arg32 : memref<!tpu.dma_semaphore, #tpu.memory_space<semaphore_mem>>)
    %add3A_14 = arith.constant 0 : i32
    %add3A_15 = arith.addi %mul3A_2, %add3A_14 : i32
    %dma_start3A_16 = arith.constant 0 : i32
    %dma_start3A_17 = arith.constant 0 : i32
    %dma_start3A_18 = tpu.memref_slice %arg2[%dma_start3A_16, %add3A_15, %dma_start3A_17] : memref<4x4096x1024xf32, #tpu.memory_space<hbm>> -> memref<1x8x1024xf32, #tpu.memory_space<hbm>>
    %dma_start3A_19 = tpu.memref_squeeze %dma_start3A_18 : memref<1x8x1024xf32, #tpu.memory_space<hbm>> -> memref<8x1024xf32, #tpu.memory_space<hbm>>
    %dma_start3A_20 = arith.constant 0 : i32
    %dma_start3A_21 = tpu.memref_slice %arg2[%dma_start3A_16, %add3A_15, %dma_start3A_20] : memref<4x4096x1024xf32, #tpu.memory_space<hbm>> -> memref<1x8x1024xf32, #tpu.memory_space<hbm>>
    %dma_start3A_22 = tpu.memref_squeeze %dma_start3A_21 : memref<1x8x1024xf32, #tpu.memory_space<hbm>> -> memref<8x1024xf32, #tpu.memory_space<hbm>>
    tpu.enqueue_dma source(%dma_start3A_22 : memref<8x1024xf32, #tpu.memory_space<hbm>>) target(%arg5 : memref<8x1024xf32, #tpu.memory_space<vmem>>) target_semaphore(%arg15 : memref<!tpu.dma_semaphore, #tpu.memory_space<semaphore_mem>>)
    %add3A_23 = arith.constant 0 : i32
    %add3A_24 = arith.addi %mul3A_2, %add3A_23 : i32
    %dma_start3A_25 = arith.constant 1 : i32
    %dma_start3A_26 = arith.constant 0 : i32
    %dma_start3A_27 = tpu.memref_slice %arg2[%dma_start3A_25, %add3A_24, %dma_start3A_26] : memref<4x4096x1024xf32, #tpu.memory_space<hbm>> -> memref<1x8x1024xf32, #tpu.memory_space<hbm>>
    %dma_start3A_28 = tpu.memref_squeeze %dma_start3A_27 : memref<1x8x1024xf32, #tpu.memory_space<hbm>> -> memref<8x1024xf32, #tpu.memory_space<hbm>>
    %dma_start3A_29 = arith.constant 0 : i32
    %dma_start3A_30 = tpu.memref_slice %arg2[%dma_start3A_25, %add3A_24, %dma_start3A_29] : memref<4x4096x1024xf32, #tpu.memory_space<hbm>> -> memref<1x8x1024xf32, #tpu.memory_space<hbm>>
    %dma_start3A_31 = tpu.memref_squeeze %dma_start3A_30 : memref<1x8x1024xf32, #tpu.memory_space<hbm>> -> memref<8x1024xf32, #tpu.memory_space<hbm>>
    tpu.enqueue_dma source(%dma_start3A_31 : memref<8x1024xf32, #tpu.memory_space<hbm>>) target(%arg7 : memref<8x1024xf32, #tpu.memory_space<vmem>>) target_semaphore(%arg17 : memref<!tpu.dma_semaphore, #tpu.memory_space<semaphore_mem>>)
    %add3A_32 = arith.constant 0 : i32
    %add3A_33 = arith.addi %mul3A_2, %add3A_32 : i32
    %dma_start3A_34 = arith.constant 2 : i32
    %dma_start3A_35 = arith.constant 0 : i32
    %dma_start3A_36 = tpu.memref_slice %arg2[%dma_start3A_34, %add3A_33, %dma_start3A_35] : memref<4x4096x1024xf32, #tpu.memory_space<hbm>> -> memref<1x8x1024xf32, #tpu.memory_space<hbm>>
    %dma_start3A_37 = tpu.memref_squeeze %dma_start3A_36 : memref<1x8x1024xf32, #tpu.memory_space<hbm>> -> memref<8x1024xf32, #tpu.memory_space<hbm>>
    %dma_start3A_38 = arith.constant 0 : i32
    %dma_start3A_39 = tpu.memref_slice %arg2[%dma_start3A_34, %add3A_33, %dma_start3A_38] : memref<4x4096x1024xf32, #tpu.memory_space<hbm>> -> memref<1x8x1024xf32, #tpu.memory_space<hbm>>
    %dma_start3A_40 = tpu.memref_squeeze %dma_start3A_39 : memref<1x8x1024xf32, #tpu.memory_space<hbm>> -> memref<8x1024xf32, #tpu.memory_space<hbm>>
    tpu.enqueue_dma source(%dma_start3A_40 : memref<8x1024xf32, #tpu.memory_space<hbm>>) target(%arg9 : memref<8x1024xf32, #tpu.memory_space<vmem>>) target_semaphore(%arg19 : memref<!tpu.dma_semaphore, #tpu.memory_space<semaphore_mem>>)
    %add3A_41 = arith.constant 0 : i32
    %add3A_42 = arith.addi %mul3A_2, %add3A_41 : i32
    %dma_start3A_43 = arith.constant 3 : i32
    %dma_start3A_44 = arith.constant 0 : i32
    %dma_start3A_45 = tpu.memref_slice %arg2[%dma_start3A_43, %add3A_42, %dma_start3A_44] : memref<4x4096x1024xf32, #tpu.memory_space<hbm>> -> memref<1x8x1024xf32, #tpu.memory_space<hbm>>
    %dma_start3A_46 = tpu.memref_squeeze %dma_start3A_45 : memref<1x8x1024xf32, #tpu.memory_space<hbm>> -> memref<8x1024xf32, #tpu.memory_space<hbm>>
    %dma_start3A_47 = arith.constant 0 : i32
    %dma_start3A_48 = tpu.memref_slice %arg2[%dma_start3A_43, %add3A_42, %dma_start3A_47] : memref<4x4096x1024xf32, #tpu.memory_space<hbm>> -> memref<1x8x1024xf32, #tpu.memory_space<hbm>>
    %dma_start3A_49 = tpu.memref_squeeze %dma_start3A_48 : memref<1x8x1024xf32, #tpu.memory_space<hbm>> -> memref<8x1024xf32, #tpu.memory_space<hbm>>
    tpu.enqueue_dma source(%dma_start3A_49 : memref<8x1024xf32, #tpu.memory_space<hbm>>) target(%arg11 : memref<8x1024xf32, #tpu.memory_space<vmem>>) target_semaphore(%arg21 : memref<!tpu.dma_semaphore, #tpu.memory_space<semaphore_mem>>)
    %scan3A = arith.constant 0 : i32
    %scan3A_50 = arith.constant 0 : i32
    %scan3A_51 = arith.constant 8 : i32
    %scan3A_52 = arith.addi %scan3A_50, %scan3A_51 : i32
    %scan3A_53 = arith.constant 1 : i32
    scf.for %scan3A_102 = %scan3A_50 to %scan3A_52 step %scan3A_53  : i32 {
      %mul3A_103 = arith.constant 2 : i32
      %mul3A_104 = arith.muli %scan3A_102, %mul3A_103 : i32
      %add3A_105 = arith.constant 0 : i32
      %add3A_106 = arith.addi %mul3A_104, %add3A_105 : i32
      %dma_wait3A_107 = arith.constant 0 : i32
      %dma_wait3A_108 = arith.constant 0 : i32
      %dma_wait3A_109 = tpu.memref_slice %arg3[%dma_wait3A_107, %dma_wait3A_108] : memref<4096x1024xf32, #tpu.memory_space<hbm>> -> memref<8x1024xf32, #tpu.memory_space<hbm>>
      %dma_wait3A_110 = arith.constant 0 : i32
      %dma_wait3A_111 = arith.constant 0 : i32
      %dma_wait3A_112 = tpu.memref_slice %arg3[%dma_wait3A_110, %dma_wait3A_111] : memref<4096x1024xf32, #tpu.memory_space<hbm>> -> memref<8x1024xf32, #tpu.memory_space<hbm>>
      tpu.wait_dma2 semaphore(%arg31 : memref<!tpu.dma_semaphore, #tpu.memory_space<semaphore_mem>>) src(%dma_wait3A_112 : memref<8x1024xf32, #tpu.memory_space<hbm>>) dst(%arg13 : memref<8x1024xf32, #tpu.memory_space<vmem>>)
      %add3A_113 = arith.constant 1 : i32
      %add3A_114 = arith.addi %add3A_106, %add3A_113 : i32
      %lt3A = arith.constant 16 : i32
      %lt3A_115 = arith.cmpi slt, %add3A_114, %lt3A : i32
      %convert_element_type3A = arith.extui %lt3A_115 : i1 to i32
      %cond3A = arith.constant 0 : i32
      %cond3A_116 = arith.cmpi ne, %convert_element_type3A, %cond3A : i32
      scf.if %cond3A_116 {
        %ge3A = arith.constant 1 : i32
        %ge3A_341 = arith.cmpi sge, %add3A_106, %ge3A : i32
        %convert_element_type3A_342 = arith.extui %ge3A_341 : i1 to i32
        %cond3A_343 = arith.constant 0 : i32
        %cond3A_344 = arith.cmpi ne, %convert_element_type3A_342, %cond3A_343 : i32
        scf.if %cond3A_344 {
          %dma_wait3A_357 = arith.constant 0 : i32
          %dma_wait3A_358 = arith.constant 0 : i32
          %dma_wait3A_359 = tpu.memref_slice %arg3[%dma_wait3A_357, %dma_wait3A_358] : memref<4096x1024xf32, #tpu.memory_space<hbm>> -> memref<8x1024xf32, #tpu.memory_space<hbm>>
          %dma_wait3A_360 = arith.constant 0 : i32
          %dma_wait3A_361 = arith.constant 0 : i32
          %dma_wait3A_362 = tpu.memref_slice %arg3[%dma_wait3A_360, %dma_wait3A_361] : memref<4096x1024xf32, #tpu.memory_space<hbm>> -> memref<8x1024xf32, #tpu.memory_space<hbm>>
          tpu.wait_dma2 semaphore(%arg24 : memref<!tpu.dma_semaphore, #tpu.memory_space<semaphore_mem>>) src(%dma_wait3A_362 : memref<8x1024xf32, #tpu.memory_space<hbm>>) dst(%arg6 : memref<8x1024xf32, #tpu.memory_space<vmem>>)
        } else {
        }
        %add3A_345 = arith.constant 1 : i32
        %add3A_346 = arith.addi %add3A_106, %add3A_345 : i32
        %mul3A_347 = arith.constant 8 : i32
        %mul3A_348 = arith.muli %add3A_346, %mul3A_347 : i32
        %add3A_349 = arith.addi %mul3A_2, %mul3A_348 : i32
        %dma_start3A_350 = arith.constant 0 : i32
        %dma_start3A_351 = arith.constant 0 : i32
        %dma_start3A_352 = tpu.memref_slice %arg2[%dma_start3A_350, %add3A_349, %dma_start3A_351] : memref<4x4096x1024xf32, #tpu.memory_space<hbm>> -> memref<1x8x1024xf32, #tpu.memory_space<hbm>>
        %dma_start3A_353 = tpu.memref_squeeze %dma_start3A_352 : memref<1x8x1024xf32, #tpu.memory_space<hbm>> -> memref<8x1024xf32, #tpu.memory_space<hbm>>
        %dma_start3A_354 = arith.constant 0 : i32
        %dma_start3A_355 = tpu.memref_slice %arg2[%dma_start3A_350, %add3A_349, %dma_start3A_354] : memref<4x4096x1024xf32, #tpu.memory_space<hbm>> -> memref<1x8x1024xf32, #tpu.memory_space<hbm>>
        %dma_start3A_356 = tpu.memref_squeeze %dma_start3A_355 : memref<1x8x1024xf32, #tpu.memory_space<hbm>> -> memref<8x1024xf32, #tpu.memory_space<hbm>>
        tpu.enqueue_dma source(%dma_start3A_356 : memref<8x1024xf32, #tpu.memory_space<hbm>>) target(%arg6 : memref<8x1024xf32, #tpu.memory_space<vmem>>) target_semaphore(%arg16 : memref<!tpu.dma_semaphore, #tpu.memory_space<semaphore_mem>>)
      } else {
      }
      %dma_wait3A_117 = arith.constant 0 : i32
      %dma_wait3A_118 = arith.constant 0 : i32
      %dma_wait3A_119 = tpu.memref_slice %arg3[%dma_wait3A_117, %dma_wait3A_118] : memref<4096x1024xf32, #tpu.memory_space<hbm>> -> memref<8x1024xf32, #tpu.memory_space<hbm>>
      %dma_wait3A_120 = arith.constant 0 : i32
      %dma_wait3A_121 = arith.constant 0 : i32
      %dma_wait3A_122 = tpu.memref_slice %arg3[%dma_wait3A_120, %dma_wait3A_121] : memref<4096x1024xf32, #tpu.memory_space<hbm>> -> memref<8x1024xf32, #tpu.memory_space<hbm>>
      tpu.wait_dma2 semaphore(%arg15 : memref<!tpu.dma_semaphore, #tpu.memory_space<semaphore_mem>>) src(%dma_wait3A_122 : memref<8x1024xf32, #tpu.memory_space<hbm>>) dst(%arg5 : memref<8x1024xf32, #tpu.memory_space<vmem>>)
      %parallel_loop3A = arith.constant 0 : i32
      %parallel_loop3A_123 = arith.constant 64 : i32
      %parallel_loop3A_124 = arith.constant 1 : i32
      scf.for %parallel_loop3A_341 = %parallel_loop3A to %parallel_loop3A_123 step %parallel_loop3A_124  : i32 {
        %parallel_loop3A_342 = arith.constant 16 : i32
        %parallel_loop3A_343 = arith.muli %parallel_loop3A_341, %parallel_loop3A_342 : i32
        %parallel_loop3A_344 = arith.constant 0 : i32
        %parallel_loop3A_345 = arith.index_cast %parallel_loop3A_344 : i32 to index
        %parallel_loop3A_346 = arith.index_cast %parallel_loop3A_343 : i32 to index
        %parallel_loop3A_347 = tpu.vector_load %arg13[%parallel_loop3A_345, %parallel_loop3A_346] {strides = array<i32>} : memref<8x1024xf32, #tpu.memory_space<vmem>>, vector<1x16xf32>,
        %parallel_loop3A_348 = vector.shape_cast %parallel_loop3A_347 : vector<1x16xf32> to vector<16xf32>
        %parallel_loop3A_349 = arith.constant 0 : i32
        %parallel_loop3A_350 = arith.index_cast %parallel_loop3A_349 : i32 to index
        %parallel_loop3A_351 = arith.index_cast %parallel_loop3A_343 : i32 to index
        %parallel_loop3A_352 = tpu.vector_load %arg5[%parallel_loop3A_350, %parallel_loop3A_351] {strides = array<i32>} : memref<8x1024xf32, #tpu.memory_space<vmem>>, vector<1x16xf32>,
        %parallel_loop3A_353 = vector.shape_cast %parallel_loop3A_352 : vector<1x16xf32> to vector<16xf32>
        %parallel_loop3A_354 = vector.shape_cast %parallel_loop3A_348 : vector<16xf32> to vector<1x16xf32>
        tpu.vector_store %arg5[%parallel_loop3A_350, %parallel_loop3A_351], %parallel_loop3A_354 {add = true, strides = array<i32>} : memref<8x1024xf32, #tpu.memory_space<vmem>>, vector<1x16xf32>,
        %parallel_loop3A_355 = arith.constant 1 : i32
        %parallel_loop3A_356 = arith.index_cast %parallel_loop3A_355 : i32 to index
        %parallel_loop3A_357 = arith.index_cast %parallel_loop3A_343 : i32 to index
        %parallel_loop3A_358 = tpu.vector_load %arg13[%parallel_loop3A_356, %parallel_loop3A_357] {strides = array<i32>} : memref<8x1024xf32, #tpu.memory_space<vmem>>, vector<1x16xf32>,
        %parallel_loop3A_359 = vector.shape_cast %parallel_loop3A_358 : vector<1x16xf32> to vector<16xf32>
        %parallel_loop3A_360 = arith.constant 1 : i32
        %parallel_loop3A_361 = arith.index_cast %parallel_loop3A_360 : i32 to index
        %parallel_loop3A_362 = arith.index_cast %parallel_loop3A_343 : i32 to index
        %parallel_loop3A_363 = tpu.vector_load %arg5[%parallel_loop3A_361, %parallel_loop3A_362] {strides = array<i32>} : memref<8x1024xf32, #tpu.memory_space<vmem>>, vector<1x16xf32>,
        %parallel_loop3A_364 = vector.shape_cast %parallel_loop3A_363 : vector<1x16xf32> to vector<16xf32>
        %parallel_loop3A_365 = vector.shape_cast %parallel_loop3A_359 : vector<16xf32> to vector<1x16xf32>
        tpu.vector_store %arg5[%parallel_loop3A_361, %parallel_loop3A_362], %parallel_loop3A_365 {add = true, strides = array<i32>} : memref<8x1024xf32, #tpu.memory_space<vmem>>, vector<1x16xf32>,
        %parallel_loop3A_366 = arith.constant 2 : i32
        %parallel_loop3A_367 = arith.index_cast %parallel_loop3A_366 : i32 to index
        %parallel_loop3A_368 = arith.index_cast %parallel_loop3A_343 : i32 to index
        %parallel_loop3A_369 = tpu.vector_load %arg13[%parallel_loop3A_367, %parallel_loop3A_368] {strides = array<i32>} : memref<8x1024xf32, #tpu.memory_space<vmem>>, vector<1x16xf32>,
        %parallel_loop3A_370 = vector.shape_cast %parallel_loop3A_369 : vector<1x16xf32> to vector<16xf32>
        %parallel_loop3A_371 = arith.constant 2 : i32
        %parallel_loop3A_372 = arith.index_cast %parallel_loop3A_371 : i32 to index
        %parallel_loop3A_373 = arith.index_cast %parallel_loop3A_343 : i32 to index
        %parallel_loop3A_374 = tpu.vector_load %arg5[%parallel_loop3A_372, %parallel_loop3A_373] {strides = array<i32>} : memref<8x1024xf32, #tpu.memory_space<vmem>>, vector<1x16xf32>,
        %parallel_loop3A_375 = vector.shape_cast %parallel_loop3A_374 : vector<1x16xf32> to vector<16xf32>
        %parallel_loop3A_376 = vector.shape_cast %parallel_loop3A_370 : vector<16xf32> to vector<1x16xf32>
        tpu.vector_store %arg5[%parallel_loop3A_372, %parallel_loop3A_373], %parallel_loop3A_376 {add = true, strides = array<i32>} : memref<8x1024xf32, #tpu.memory_space<vmem>>, vector<1x16xf32>,
        %parallel_loop3A_377 = arith.constant 3 : i32
        %parallel_loop3A_378 = arith.index_cast %parallel_loop3A_377 : i32 to index
        %parallel_loop3A_379 = arith.index_cast %parallel_loop3A_343 : i32 to index
        %parallel_loop3A_380 = tpu.vector_load %arg13[%parallel_loop3A_378, %parallel_loop3A_379] {strides = array<i32>} : memref<8x1024xf32, #tpu.memory_space<vmem>>, vector<1x16xf32>,
        %parallel_loop3A_381 = vector.shape_cast %parallel_loop3A_380 : vector<1x16xf32> to vector<16xf32>
        %parallel_loop3A_382 = arith.constant 3 : i32
        %parallel_loop3A_383 = arith.index_cast %parallel_loop3A_382 : i32 to index
        %parallel_loop3A_384 = arith.index_cast %parallel_loop3A_343 : i32 to index
        %parallel_loop3A_385 = tpu.vector_load %arg5[%parallel_loop3A_383, %parallel_loop3A_384] {strides = array<i32>} : memref<8x1024xf32, #tpu.memory_space<vmem>>, vector<1x16xf32>,
        %parallel_loop3A_386 = vector.shape_cast %parallel_loop3A_385 : vector<1x16xf32> to vector<16xf32>
        %parallel_loop3A_387 = vector.shape_cast %parallel_loop3A_381 : vector<16xf32> to vector<1x16xf32>
        tpu.vector_store %arg5[%parallel_loop3A_383, %parallel_loop3A_384], %parallel_loop3A_387 {add = true, strides = array<i32>} : memref<8x1024xf32, #tpu.memory_space<vmem>>, vector<1x16xf32>,
        %parallel_loop3A_388 = arith.constant 4 : i32
        %parallel_loop3A_389 = arith.index_cast %parallel_loop3A_388 : i32 to index
        %parallel_loop3A_390 = arith.index_cast %parallel_loop3A_343 : i32 to index
        %parallel_loop3A_391 = tpu.vector_load %arg13[%parallel_loop3A_389, %parallel_loop3A_390] {strides = array<i32>} : memref<8x1024xf32, #tpu.memory_space<vmem>>, vector<1x16xf32>,
        %parallel_loop3A_392 = vector.shape_cast %parallel_loop3A_391 : vector<1x16xf32> to vector<16xf32>
        %parallel_loop3A_393 = arith.constant 4 : i32
        %parallel_loop3A_394 = arith.index_cast %parallel_loop3A_393 : i32 to index
        %parallel_loop3A_395 = arith.index_cast %parallel_loop3A_343 : i32 to index
        %parallel_loop3A_396 = tpu.vector_load %arg5[%parallel_loop3A_394, %parallel_loop3A_395] {strides = array<i32>} : memref<8x1024xf32, #tpu.memory_space<vmem>>, vector<1x16xf32>,
        %parallel_loop3A_397 = vector.shape_cast %parallel_loop3A_396 : vector<1x16xf32> to vector<16xf32>
        %parallel_loop3A_398 = vector.shape_cast %parallel_loop3A_392 : vector<16xf32> to vector<1x16xf32>
        tpu.vector_store %arg5[%parallel_loop3A_394, %parallel_loop3A_395], %parallel_loop3A_398 {add = true, strides = array<i32>} : memref<8x1024xf32, #tpu.memory_space<vmem>>, vector<1x16xf32>,
        %parallel_loop3A_399 = arith.constant 5 : i32
        %parallel_loop3A_400 = arith.index_cast %parallel_loop3A_399 : i32 to index
        %parallel_loop3A_401 = arith.index_cast %parallel_loop3A_343 : i32 to index
        %parallel_loop3A_402 = tpu.vector_load %arg13[%parallel_loop3A_400, %parallel_loop3A_401] {strides = array<i32>} : memref<8x1024xf32, #tpu.memory_space<vmem>>, vector<1x16xf32>,
        %parallel_loop3A_403 = vector.shape_cast %parallel_loop3A_402 : vector<1x16xf32> to vector<16xf32>
        %parallel_loop3A_404 = arith.constant 5 : i32
        %parallel_loop3A_405 = arith.index_cast %parallel_loop3A_404 : i32 to index
        %parallel_loop3A_406 = arith.index_cast %parallel_loop3A_343 : i32 to index
        %parallel_loop3A_407 = tpu.vector_load %arg5[%parallel_loop3A_405, %parallel_loop3A_406] {strides = array<i32>} : memref<8x1024xf32, #tpu.memory_space<vmem>>, vector<1x16xf32>,
        %parallel_loop3A_408 = vector.shape_cast %parallel_loop3A_407 : vector<1x16xf32> to vector<16xf32>
        %parallel_loop3A_409 = vector.shape_cast %parallel_loop3A_403 : vector<16xf32> to vector<1x16xf32>
        tpu.vector_store %arg5[%parallel_loop3A_405, %parallel_loop3A_406], %parallel_loop3A_409 {add = true, strides = array<i32>} : memref<8x1024xf32, #tpu.memory_space<vmem>>, vector<1x16xf32>,
        %parallel_loop3A_410 = arith.constant 6 : i32
        %parallel_loop3A_411 = arith.index_cast %parallel_loop3A_410 : i32 to index
        %parallel_loop3A_412 = arith.index_cast %parallel_loop3A_343 : i32 to index
        %parallel_loop3A_413 = tpu.vector_load %arg13[%parallel_loop3A_411, %parallel_loop3A_412] {strides = array<i32>} : memref<8x1024xf32, #tpu.memory_space<vmem>>, vector<1x16xf32>,
        %parallel_loop3A_414 = vector.shape_cast %parallel_loop3A_413 : vector<1x16xf32> to vector<16xf32>
        %parallel_loop3A_415 = arith.constant 6 : i32
        %parallel_loop3A_416 = arith.index_cast %parallel_loop3A_415 : i32 to index
        %parallel_loop3A_417 = arith.index_cast %parallel_loop3A_343 : i32 to index
        %parallel_loop3A_418 = tpu.vector_load %arg5[%parallel_loop3A_416, %parallel_loop3A_417] {strides = array<i32>} : memref<8x1024xf32, #tpu.memory_space<vmem>>, vector<1x16xf32>,
        %parallel_loop3A_419 = vector.shape_cast %parallel_loop3A_418 : vector<1x16xf32> to vector<16xf32>
        %parallel_loop3A_420 = vector.shape_cast %parallel_loop3A_414 : vector<16xf32> to vector<1x16xf32>
        tpu.vector_store %arg5[%parallel_loop3A_416, %parallel_loop3A_417], %parallel_loop3A_420 {add = true, strides = array<i32>} : memref<8x1024xf32, #tpu.memory_space<vmem>>, vector<1x16xf32>,
        %parallel_loop3A_421 = arith.constant 7 : i32
        %parallel_loop3A_422 = arith.index_cast %parallel_loop3A_421 : i32 to index
        %parallel_loop3A_423 = arith.index_cast %parallel_loop3A_343 : i32 to index
        %parallel_loop3A_424 = tpu.vector_load %arg13[%parallel_loop3A_422, %parallel_loop3A_423] {strides = array<i32>} : memref<8x1024xf32, #tpu.memory_space<vmem>>, vector<1x16xf32>,
        %parallel_loop3A_425 = vector.shape_cast %parallel_loop3A_424 : vector<1x16xf32> to vector<16xf32>
        %parallel_loop3A_426 = arith.constant 7 : i32
        %parallel_loop3A_427 = arith.index_cast %parallel_loop3A_426 : i32 to index
        %parallel_loop3A_428 = arith.index_cast %parallel_loop3A_343 : i32 to index
        %parallel_loop3A_429 = tpu.vector_load %arg5[%parallel_loop3A_427, %parallel_loop3A_428] {strides = array<i32>} : memref<8x1024xf32, #tpu.memory_space<vmem>>, vector<1x16xf32>,
        %parallel_loop3A_430 = vector.shape_cast %parallel_loop3A_429 : vector<1x16xf32> to vector<16xf32>
        %parallel_loop3A_431 = vector.shape_cast %parallel_loop3A_425 : vector<16xf32> to vector<1x16xf32>
        tpu.vector_store %arg5[%parallel_loop3A_427, %parallel_loop3A_428], %parallel_loop3A_431 {add = true, strides = array<i32>} : memref<8x1024xf32, #tpu.memory_space<vmem>>, vector<1x16xf32>,
      } {sc.loop_unroll_factor = 2 : i64, sc.parallel_access}
      %mul3A_125 = arith.constant 8 : i32
      %mul3A_126 = arith.muli %add3A_106, %mul3A_125 : i32
      %add3A_127 = arith.addi %mul3A_2, %mul3A_126 : i32
      %dma_start3A_128 = arith.constant 0 : i32
      %dma_start3A_129 = arith.constant 0 : i32
      %dma_start3A_130 = tpu.memref_slice %arg4[%dma_start3A_128, %add3A_127, %dma_start3A_129] : memref<4x4096x1024xf32, #tpu.memory_space<hbm>> -> memref<1x8x1024xf32, #tpu.memory_space<hbm>>
      %dma_start3A_131 = tpu.memref_squeeze %dma_start3A_130 : memref<1x8x1024xf32, #tpu.memory_space<hbm>> -> memref<8x1024xf32, #tpu.memory_space<hbm>>
      %dma_start3A_132 = arith.constant 0 : i32
      %dma_start3A_133 = tpu.memref_slice %arg4[%dma_start3A_128, %add3A_127, %dma_start3A_132] : memref<4x4096x1024xf32, #tpu.memory_space<hbm>> -> memref<1x8x1024xf32, #tpu.memory_space<hbm>>
      %dma_start3A_134 = tpu.memref_squeeze %dma_start3A_133 : memref<1x8x1024xf32, #tpu.memory_space<hbm>> -> memref<8x1024xf32, #tpu.memory_space<hbm>>
      tpu.enqueue_dma source(%arg5 : memref<8x1024xf32, #tpu.memory_space<vmem>>) target(%dma_start3A_134 : memref<8x1024xf32, #tpu.memory_space<hbm>>) target_semaphore(%arg23 : memref<!tpu.dma_semaphore, #tpu.memory_space<semaphore_mem>>)
      %add3A_135 = arith.constant 1 : i32
      %add3A_136 = arith.addi %add3A_106, %add3A_135 : i32
      %lt3A_137 = arith.constant 16 : i32
      %lt3A_138 = arith.cmpi slt, %add3A_136, %lt3A_137 : i32
      %convert_element_type3A_139 = arith.extui %lt3A_138 : i1 to i32
      %cond3A_140 = arith.constant 0 : i32
      %cond3A_141 = arith.cmpi ne, %convert_element_type3A_139, %cond3A_140 : i32
      scf.if %cond3A_141 {
        %ge3A = arith.constant 1 : i32
        %ge3A_341 = arith.cmpi sge, %add3A_106, %ge3A : i32
        %convert_element_type3A_342 = arith.extui %ge3A_341 : i1 to i32
        %cond3A_343 = arith.constant 0 : i32
        %cond3A_344 = arith.cmpi ne, %convert_element_type3A_342, %cond3A_343 : i32
        scf.if %cond3A_344 {
          %dma_wait3A_357 = arith.constant 0 : i32
          %dma_wait3A_358 = arith.constant 0 : i32
          %dma_wait3A_359 = tpu.memref_slice %arg3[%dma_wait3A_357, %dma_wait3A_358] : memref<4096x1024xf32, #tpu.memory_space<hbm>> -> memref<8x1024xf32, #tpu.memory_space<hbm>>
          %dma_wait3A_360 = arith.constant 0 : i32
          %dma_wait3A_361 = arith.constant 0 : i32
          %dma_wait3A_362 = tpu.memref_slice %arg3[%dma_wait3A_360, %dma_wait3A_361] : memref<4096x1024xf32, #tpu.memory_space<hbm>> -> memref<8x1024xf32, #tpu.memory_space<hbm>>
          tpu.wait_dma2 semaphore(%arg26 : memref<!tpu.dma_semaphore, #tpu.memory_space<semaphore_mem>>) src(%dma_wait3A_362 : memref<8x1024xf32, #tpu.memory_space<hbm>>) dst(%arg8 : memref<8x1024xf32, #tpu.memory_space<vmem>>)
        } else {
        }
        %add3A_345 = arith.constant 1 : i32
        %add3A_346 = arith.addi %add3A_106, %add3A_345 : i32
        %mul3A_347 = arith.constant 8 : i32
        %mul3A_348 = arith.muli %add3A_346, %mul3A_347 : i32
        %add3A_349 = arith.addi %mul3A_2, %mul3A_348 : i32
        %dma_start3A_350 = arith.constant 1 : i32
        %dma_start3A_351 = arith.constant 0 : i32
        %dma_start3A_352 = tpu.memref_slice %arg2[%dma_start3A_350, %add3A_349, %dma_start3A_351] : memref<4x4096x1024xf32, #tpu.memory_space<hbm>> -> memref<1x8x1024xf32, #tpu.memory_space<hbm>>
        %dma_start3A_353 = tpu.memref_squeeze %dma_start3A_352 : memref<1x8x1024xf32, #tpu.memory_space<hbm>> -> memref<8x1024xf32, #tpu.memory_space<hbm>>
        %dma_start3A_354 = arith.constant 0 : i32
        %dma_start3A_355 = tpu.memref_slice %arg2[%dma_start3A_350, %add3A_349, %dma_start3A_354] : memref<4x4096x1024xf32, #tpu.memory_space<hbm>> -> memref<1x8x1024xf32, #tpu.memory_space<hbm>>
        %dma_start3A_356 = tpu.memref_squeeze %dma_start3A_355 : memref<1x8x1024xf32, #tpu.memory_space<hbm>> -> memref<8x1024xf32, #tpu.memory_space<hbm>>
        tpu.enqueue_dma source(%dma_start3A_356 : memref<8x1024xf32, #tpu.memory_space<hbm>>) target(%arg8 : memref<8x1024xf32, #tpu.memory_space<vmem>>) target_semaphore(%arg18 : memref<!tpu.dma_semaphore, #tpu.memory_space<semaphore_mem>>)
      } else {
      }
      %dma_wait3A_142 = arith.constant 0 : i32
      %dma_wait3A_143 = arith.constant 0 : i32
      %dma_wait3A_144 = tpu.memref_slice %arg3[%dma_wait3A_142, %dma_wait3A_143] : memref<4096x1024xf32, #tpu.memory_space<hbm>> -> memref<8x1024xf32, #tpu.memory_space<hbm>>
      %dma_wait3A_145 = arith.constant 0 : i32
      %dma_wait3A_146 = arith.constant 0 : i32
      %dma_wait3A_147 = tpu.memref_slice %arg3[%dma_wait3A_145, %dma_wait3A_146] : memref<4096x1024xf32, #tpu.memory_space<hbm>> -> memref<8x1024xf32, #tpu.memory_space<hbm>>
      tpu.wait_dma2 semaphore(%arg17 : memref<!tpu.dma_semaphore, #tpu.memory_space<semaphore_mem>>) src(%dma_wait3A_147 : memref<8x1024xf32, #tpu.memory_space<hbm>>) dst(%arg7 : memref<8x1024xf32, #tpu.memory_space<vmem>>)
      %parallel_loop3A_148 = arith.constant 0 : i32
      %parallel_loop3A_149 = arith.constant 64 : i32
      %parallel_loop3A_150 = arith.constant 1 : i32
      scf.for %parallel_loop3A_341 = %parallel_loop3A_148 to %parallel_loop3A_149 step %parallel_loop3A_150  : i32 {
        %parallel_loop3A_342 = arith.constant 16 : i32
        %parallel_loop3A_343 = arith.muli %parallel_loop3A_341, %parallel_loop3A_342 : i32
        %parallel_loop3A_344 = arith.constant 0 : i32
        %parallel_loop3A_345 = arith.index_cast %parallel_loop3A_344 : i32 to index
        %parallel_loop3A_346 = arith.index_cast %parallel_loop3A_343 : i32 to index
        %parallel_loop3A_347 = tpu.vector_load %arg13[%parallel_loop3A_345, %parallel_loop3A_346] {strides = array<i32>} : memref<8x1024xf32, #tpu.memory_space<vmem>>, vector<1x16xf32>,
        %parallel_loop3A_348 = vector.shape_cast %parallel_loop3A_347 : vector<1x16xf32> to vector<16xf32>
        %parallel_loop3A_349 = arith.constant 0 : i32
        %parallel_loop3A_350 = arith.index_cast %parallel_loop3A_349 : i32 to index
        %parallel_loop3A_351 = arith.index_cast %parallel_loop3A_343 : i32 to index
        %parallel_loop3A_352 = tpu.vector_load %arg7[%parallel_loop3A_350, %parallel_loop3A_351] {strides = array<i32>} : memref<8x1024xf32, #tpu.memory_space<vmem>>, vector<1x16xf32>,
        %parallel_loop3A_353 = vector.shape_cast %parallel_loop3A_352 : vector<1x16xf32> to vector<16xf32>
        %parallel_loop3A_354 = vector.shape_cast %parallel_loop3A_348 : vector<16xf32> to vector<1x16xf32>
        tpu.vector_store %arg7[%parallel_loop3A_350, %parallel_loop3A_351], %parallel_loop3A_354 {add = true, strides = array<i32>} : memref<8x1024xf32, #tpu.memory_space<vmem>>, vector<1x16xf32>,
        %parallel_loop3A_355 = arith.constant 1 : i32
        %parallel_loop3A_356 = arith.index_cast %parallel_loop3A_355 : i32 to index
        %parallel_loop3A_357 = arith.index_cast %parallel_loop3A_343 : i32 to index
        %parallel_loop3A_358 = tpu.vector_load %arg13[%parallel_loop3A_356, %parallel_loop3A_357] {strides = array<i32>} : memref<8x1024xf32, #tpu.memory_space<vmem>>, vector<1x16xf32>,
        %parallel_loop3A_359 = vector.shape_cast %parallel_loop3A_358 : vector<1x16xf32> to vector<16xf32>
        %parallel_loop3A_360 = arith.constant 1 : i32
        %parallel_loop3A_361 = arith.index_cast %parallel_loop3A_360 : i32 to index
        %parallel_loop3A_362 = arith.index_cast %parallel_loop3A_343 : i32 to index
        %parallel_loop3A_363 = tpu.vector_load %arg7[%parallel_loop3A_361, %parallel_loop3A_362] {strides = array<i32>} : memref<8x1024xf32, #tpu.memory_space<vmem>>, vector<1x16xf32>,
        %parallel_loop3A_364 = vector.shape_cast %parallel_loop3A_363 : vector<1x16xf32> to vector<16xf32>
        %parallel_loop3A_365 = vector.shape_cast %parallel_loop3A_359 : vector<16xf32> to vector<1x16xf32>
        tpu.vector_store %arg7[%parallel_loop3A_361, %parallel_loop3A_362], %parallel_loop3A_365 {add = true, strides = array<i32>} : memref<8x1024xf32, #tpu.memory_space<vmem>>, vector<1x16xf32>,
        %parallel_loop3A_366 = arith.constant 2 : i32
        %parallel_loop3A_367 = arith.index_cast %parallel_loop3A_366 : i32 to index
        %parallel_loop3A_368 = arith.index_cast %parallel_loop3A_343 : i32 to index
        %parallel_loop3A_369 = tpu.vector_load %arg13[%parallel_loop3A_367, %parallel_loop3A_368] {strides = array<i32>} : memref<8x1024xf32, #tpu.memory_space<vmem>>, vector<1x16xf32>,
        %parallel_loop3A_370 = vector.shape_cast %parallel_loop3A_369 : vector<1x16xf32> to vector<16xf32>
        %parallel_loop3A_371 = arith.constant 2 : i32
        %parallel_loop3A_372 = arith.index_cast %parallel_loop3A_371 : i32 to index
        %parallel_loop3A_373 = arith.index_cast %parallel_loop3A_343 : i32 to index
        %parallel_loop3A_374 = tpu.vector_load %arg7[%parallel_loop3A_372, %parallel_loop3A_373] {strides = array<i32>} : memref<8x1024xf32, #tpu.memory_space<vmem>>, vector<1x16xf32>,
        %parallel_loop3A_375 = vector.shape_cast %parallel_loop3A_374 : vector<1x16xf32> to vector<16xf32>
        %parallel_loop3A_376 = vector.shape_cast %parallel_loop3A_370 : vector<16xf32> to vector<1x16xf32>
        tpu.vector_store %arg7[%parallel_loop3A_372, %parallel_loop3A_373], %parallel_loop3A_376 {add = true, strides = array<i32>} : memref<8x1024xf32, #tpu.memory_space<vmem>>, vector<1x16xf32>,
        %parallel_loop3A_377 = arith.constant 3 : i32
        %parallel_loop3A_378 = arith.index_cast %parallel_loop3A_377 : i32 to index
        %parallel_loop3A_379 = arith.index_cast %parallel_loop3A_343 : i32 to index
        %parallel_loop3A_380 = tpu.vector_load %arg13[%parallel_loop3A_378, %parallel_loop3A_379] {strides = array<i32>} : memref<8x1024xf32, #tpu.memory_space<vmem>>, vector<1x16xf32>,
        %parallel_loop3A_381 = vector.shape_cast %parallel_loop3A_380 : vector<1x16xf32> to vector<16xf32>
        %parallel_loop3A_382 = arith.constant 3 : i32
        %parallel_loop3A_383 = arith.index_cast %parallel_loop3A_382 : i32 to index
        %parallel_loop3A_384 = arith.index_cast %parallel_loop3A_343 : i32 to index
        %parallel_loop3A_385 = tpu.vector_load %arg7[%parallel_loop3A_383, %parallel_loop3A_384] {strides = array<i32>} : memref<8x1024xf32, #tpu.memory_space<vmem>>, vector<1x16xf32>,
        %parallel_loop3A_386 = vector.shape_cast %parallel_loop3A_385 : vector<1x16xf32> to vector<16xf32>
        %parallel_loop3A_387 = vector.shape_cast %parallel_loop3A_381 : vector<16xf32> to vector<1x16xf32>
        tpu.vector_store %arg7[%parallel_loop3A_383, %parallel_loop3A_384], %parallel_loop3A_387 {add = true, strides = array<i32>} : memref<8x1024xf32, #tpu.memory_space<vmem>>, vector<1x16xf32>,
        %parallel_loop3A_388 = arith.constant 4 : i32
        %parallel_loop3A_389 = arith.index_cast %parallel_loop3A_388 : i32 to index
        %parallel_loop3A_390 = arith.index_cast %parallel_loop3A_343 : i32 to index
        %parallel_loop3A_391 = tpu.vector_load %arg13[%parallel_loop3A_389, %parallel_loop3A_390] {strides = array<i32>} : memref<8x1024xf32, #tpu.memory_space<vmem>>, vector<1x16xf32>,
        %parallel_loop3A_392 = vector.shape_cast %parallel_loop3A_391 : vector<1x16xf32> to vector<16xf32>
        %parallel_loop3A_393 = arith.constant 4 : i32
        %parallel_loop3A_394 = arith.index_cast %parallel_loop3A_393 : i32 to index
        %parallel_loop3A_395 = arith.index_cast %parallel_loop3A_343 : i32 to index
        %parallel_loop3A_396 = tpu.vector_load %arg7[%parallel_loop3A_394, %parallel_loop3A_395] {strides = array<i32>} : memref<8x1024xf32, #tpu.memory_space<vmem>>, vector<1x16xf32>,
        %parallel_loop3A_397 = vector.shape_cast %parallel_loop3A_396 : vector<1x16xf32> to vector<16xf32>
        %parallel_loop3A_398 = vector.shape_cast %parallel_loop3A_392 : vector<16xf32> to vector<1x16xf32>
        tpu.vector_store %arg7[%parallel_loop3A_394, %parallel_loop3A_395], %parallel_loop3A_398 {add = true, strides = array<i32>} : memref<8x1024xf32, #tpu.memory_space<vmem>>, vector<1x16xf32>,
        %parallel_loop3A_399 = arith.constant 5 : i32
        %parallel_loop3A_400 = arith.index_cast %parallel_loop3A_399 : i32 to index
        %parallel_loop3A_401 = arith.index_cast %parallel_loop3A_343 : i32 to index
        %parallel_loop3A_402 = tpu.vector_load %arg13[%parallel_loop3A_400, %parallel_loop3A_401] {strides = array<i32>} : memref<8x1024xf32, #tpu.memory_space<vmem>>, vector<1x16xf32>,
        %parallel_loop3A_403 = vector.shape_cast %parallel_loop3A_402 : vector<1x16xf32> to vector<16xf32>
        %parallel_loop3A_404 = arith.constant 5 : i32
        %parallel_loop3A_405 = arith.index_cast %parallel_loop3A_404 : i32 to index
        %parallel_loop3A_406 = arith.index_cast %parallel_loop3A_343 : i32 to index
        %parallel_loop3A_407 = tpu.vector_load %arg7[%parallel_loop3A_405, %parallel_loop3A_406] {strides = array<i32>} : memref<8x1024xf32, #tpu.memory_space<vmem>>, vector<1x16xf32>,
        %parallel_loop3A_408 = vector.shape_cast %parallel_loop3A_407 : vector<1x16xf32> to vector<16xf32>
        %parallel_loop3A_409 = vector.shape_cast %parallel_loop3A_403 : vector<16xf32> to vector<1x16xf32>
        tpu.vector_store %arg7[%parallel_loop3A_405, %parallel_loop3A_406], %parallel_loop3A_409 {add = true, strides = array<i32>} : memref<8x1024xf32, #tpu.memory_space<vmem>>, vector<1x16xf32>,
        %parallel_loop3A_410 = arith.constant 6 : i32
        %parallel_loop3A_411 = arith.index_cast %parallel_loop3A_410 : i32 to index
        %parallel_loop3A_412 = arith.index_cast %parallel_loop3A_343 : i32 to index
        %parallel_loop3A_413 = tpu.vector_load %arg13[%parallel_loop3A_411, %parallel_loop3A_412] {strides = array<i32>} : memref<8x1024xf32, #tpu.memory_space<vmem>>, vector<1x16xf32>,
        %parallel_loop3A_414 = vector.shape_cast %parallel_loop3A_413 : vector<1x16xf32> to vector<16xf32>
        %parallel_loop3A_415 = arith.constant 6 : i32
        %parallel_loop3A_416 = arith.index_cast %parallel_loop3A_415 : i32 to index
        %parallel_loop3A_417 = arith.index_cast %parallel_loop3A_343 : i32 to index
        %parallel_loop3A_418 = tpu.vector_load %arg7[%parallel_loop3A_416, %parallel_loop3A_417] {strides = array<i32>} : memref<8x1024xf32, #tpu.memory_space<vmem>>, vector<1x16xf32>,
        %parallel_loop3A_419 = vector.shape_cast %parallel_loop3A_418 : vector<1x16xf32> to vector<16xf32>
        %parallel_loop3A_420 = vector.shape_cast %parallel_loop3A_414 : vector<16xf32> to vector<1x16xf32>
        tpu.vector_store %arg7[%parallel_loop3A_416, %parallel_loop3A_417], %parallel_loop3A_420 {add = true, strides = array<i32>} : memref<8x1024xf32, #tpu.memory_space<vmem>>, vector<1x16xf32>,
        %parallel_loop3A_421 = arith.constant 7 : i32
        %parallel_loop3A_422 = arith.index_cast %parallel_loop3A_421 : i32 to index
        %parallel_loop3A_423 = arith.index_cast %parallel_loop3A_343 : i32 to index
        %parallel_loop3A_424 = tpu.vector_load %arg13[%parallel_loop3A_422, %parallel_loop3A_423] {strides = array<i32>} : memref<8x1024xf32, #tpu.memory_space<vmem>>, vector<1x16xf32>,
        %parallel_loop3A_425 = vector.shape_cast %parallel_loop3A_424 : vector<1x16xf32> to vector<16xf32>
        %parallel_loop3A_426 = arith.constant 7 : i32
        %parallel_loop3A_427 = arith.index_cast %parallel_loop3A_426 : i32 to index
        %parallel_loop3A_428 = arith.index_cast %parallel_loop3A_343 : i32 to index
        %parallel_loop3A_429 = tpu.vector_load %arg7[%parallel_loop3A_427, %parallel_loop3A_428] {strides = array<i32>} : memref<8x1024xf32, #tpu.memory_space<vmem>>, vector<1x16xf32>,
        %parallel_loop3A_430 = vector.shape_cast %parallel_loop3A_429 : vector<1x16xf32> to vector<16xf32>
        %parallel_loop3A_431 = vector.shape_cast %parallel_loop3A_425 : vector<16xf32> to vector<1x16xf32>
        tpu.vector_store %arg7[%parallel_loop3A_427, %parallel_loop3A_428], %parallel_loop3A_431 {add = true, strides = array<i32>} : memref<8x1024xf32, #tpu.memory_space<vmem>>, vector<1x16xf32>,
      } {sc.loop_unroll_factor = 2 : i64, sc.parallel_access}
      %mul3A_151 = arith.constant 8 : i32
      %mul3A_152 = arith.muli %add3A_106, %mul3A_151 : i32
      %add3A_153 = arith.addi %mul3A_2, %mul3A_152 : i32
      %dma_start3A_154 = arith.constant 1 : i32
      %dma_start3A_155 = arith.constant 0 : i32
      %dma_start3A_156 = tpu.memref_slice %arg4[%dma_start3A_154, %add3A_153, %dma_start3A_155] : memref<4x4096x1024xf32, #tpu.memory_space<hbm>> -> memref<1x8x1024xf32, #tpu.memory_space<hbm>>
      %dma_start3A_157 = tpu.memref_squeeze %dma_start3A_156 : memref<1x8x1024xf32, #tpu.memory_space<hbm>> -> memref<8x1024xf32, #tpu.memory_space<hbm>>
      %dma_start3A_158 = arith.constant 0 : i32
      %dma_start3A_159 = tpu.memref_slice %arg4[%dma_start3A_154, %add3A_153, %dma_start3A_158] : memref<4x4096x1024xf32, #tpu.memory_space<hbm>> -> memref<1x8x1024xf32, #tpu.memory_space<hbm>>
      %dma_start3A_160 = tpu.memref_squeeze %dma_start3A_159 : memref<1x8x1024xf32, #tpu.memory_space<hbm>> -> memref<8x1024xf32, #tpu.memory_space<hbm>>
      tpu.enqueue_dma source(%arg7 : memref<8x1024xf32, #tpu.memory_space<vmem>>) target(%dma_start3A_160 : memref<8x1024xf32, #tpu.memory_space<hbm>>) target_semaphore(%arg25 : memref<!tpu.dma_semaphore, #tpu.memory_space<semaphore_mem>>)
      %add3A_161 = arith.constant 1 : i32
      %add3A_162 = arith.addi %add3A_106, %add3A_161 : i32
      %lt3A_163 = arith.constant 16 : i32
      %lt3A_164 = arith.cmpi slt, %add3A_162, %lt3A_163 : i32
      %convert_element_type3A_165 = arith.extui %lt3A_164 : i1 to i32
      %cond3A_166 = arith.constant 0 : i32
      %cond3A_167 = arith.cmpi ne, %convert_element_type3A_165, %cond3A_166 : i32
      scf.if %cond3A_167 {
        %ge3A = arith.constant 1 : i32
        %ge3A_341 = arith.cmpi sge, %add3A_106, %ge3A : i32
        %convert_element_type3A_342 = arith.extui %ge3A_341 : i1 to i32
        %cond3A_343 = arith.constant 0 : i32
        %cond3A_344 = arith.cmpi ne, %convert_element_type3A_342, %cond3A_343 : i32
        scf.if %cond3A_344 {
          %dma_wait3A_357 = arith.constant 0 : i32
          %dma_wait3A_358 = arith.constant 0 : i32
          %dma_wait3A_359 = tpu.memref_slice %arg3[%dma_wait3A_357, %dma_wait3A_358] : memref<4096x1024xf32, #tpu.memory_space<hbm>> -> memref<8x1024xf32, #tpu.memory_space<hbm>>
          %dma_wait3A_360 = arith.constant 0 : i32
          %dma_wait3A_361 = arith.constant 0 : i32
          %dma_wait3A_362 = tpu.memref_slice %arg3[%dma_wait3A_360, %dma_wait3A_361] : memref<4096x1024xf32, #tpu.memory_space<hbm>> -> memref<8x1024xf32, #tpu.memory_space<hbm>>
          tpu.wait_dma2 semaphore(%arg28 : memref<!tpu.dma_semaphore, #tpu.memory_space<semaphore_mem>>) src(%dma_wait3A_362 : memref<8x1024xf32, #tpu.memory_space<hbm>>) dst(%arg10 : memref<8x1024xf32, #tpu.memory_space<vmem>>)
        } else {
        }
        %add3A_345 = arith.constant 1 : i32
        %add3A_346 = arith.addi %add3A_106, %add3A_345 : i32
        %mul3A_347 = arith.constant 8 : i32
        %mul3A_348 = arith.muli %add3A_346, %mul3A_347 : i32
        %add3A_349 = arith.addi %mul3A_2, %mul3A_348 : i32
        %dma_start3A_350 = arith.constant 2 : i32
        %dma_start3A_351 = arith.constant 0 : i32
        %dma_start3A_352 = tpu.memref_slice %arg2[%dma_start3A_350, %add3A_349, %dma_start3A_351] : memref<4x4096x1024xf32, #tpu.memory_space<hbm>> -> memref<1x8x1024xf32, #tpu.memory_space<hbm>>
        %dma_start3A_353 = tpu.memref_squeeze %dma_start3A_352 : memref<1x8x1024xf32, #tpu.memory_space<hbm>> -> memref<8x1024xf32, #tpu.memory_space<hbm>>
        %dma_start3A_354 = arith.constant 0 : i32
        %dma_start3A_355 = tpu.memref_slice %arg2[%dma_start3A_350, %add3A_349, %dma_start3A_354] : memref<4x4096x1024xf32, #tpu.memory_space<hbm>> -> memref<1x8x1024xf32, #tpu.memory_space<hbm>>
        %dma_start3A_356 = tpu.memref_squeeze %dma_start3A_355 : memref<1x8x1024xf32, #tpu.memory_space<hbm>> -> memref<8x1024xf32, #tpu.memory_space<hbm>>
        tpu.enqueue_dma source(%dma_start3A_356 : memref<8x1024xf32, #tpu.memory_space<hbm>>) target(%arg10 : memref<8x1024xf32, #tpu.memory_space<vmem>>) target_semaphore(%arg20 : memref<!tpu.dma_semaphore, #tpu.memory_space<semaphore_mem>>)
      } else {
      }
      %dma_wait3A_168 = arith.constant 0 : i32
      %dma_wait3A_169 = arith.constant 0 : i32
      %dma_wait3A_170 = tpu.memref_slice %arg3[%dma_wait3A_168, %dma_wait3A_169] : memref<4096x1024xf32, #tpu.memory_space<hbm>> -> memref<8x1024xf32, #tpu.memory_space<hbm>>
      %dma_wait3A_171 = arith.constant 0 : i32
      %dma_wait3A_172 = arith.constant 0 : i32
      %dma_wait3A_173 = tpu.memref_slice %arg3[%dma_wait3A_171, %dma_wait3A_172] : memref<4096x1024xf32, #tpu.memory_space<hbm>> -> memref<8x1024xf32, #tpu.memory_space<hbm>>
      tpu.wait_dma2 semaphore(%arg19 : memref<!tpu.dma_semaphore, #tpu.memory_space<semaphore_mem>>) src(%dma_wait3A_173 : memref<8x1024xf32, #tpu.memory_space<hbm>>) dst(%arg9 : memref<8x1024xf32, #tpu.memory_space<vmem>>)
      %parallel_loop3A_174 = arith.constant 0 : i32
      %parallel_loop3A_175 = arith.constant 64 : i32
      %parallel_loop3A_176 = arith.constant 1 : i32
      scf.for %parallel_loop3A_341 = %parallel_loop3A_174 to %parallel_loop3A_175 step %parallel_loop3A_176  : i32 {
        %parallel_loop3A_342 = arith.constant 16 : i32
        %parallel_loop3A_343 = arith.muli %parallel_loop3A_341, %parallel_loop3A_342 : i32
        %parallel_loop3A_344 = arith.constant 0 : i32
        %parallel_loop3A_345 = arith.index_cast %parallel_loop3A_344 : i32 to index
        %parallel_loop3A_346 = arith.index_cast %parallel_loop3A_343 : i32 to index
        %parallel_loop3A_347 = tpu.vector_load %arg13[%parallel_loop3A_345, %parallel_loop3A_346] {strides = array<i32>} : memref<8x1024xf32, #tpu.memory_space<vmem>>, vector<1x16xf32>,
        %parallel_loop3A_348 = vector.shape_cast %parallel_loop3A_347 : vector<1x16xf32> to vector<16xf32>
        %parallel_loop3A_349 = arith.constant 0 : i32
        %parallel_loop3A_350 = arith.index_cast %parallel_loop3A_349 : i32 to index
        %parallel_loop3A_351 = arith.index_cast %parallel_loop3A_343 : i32 to index
        %parallel_loop3A_352 = tpu.vector_load %arg9[%parallel_loop3A_350, %parallel_loop3A_351] {strides = array<i32>} : memref<8x1024xf32, #tpu.memory_space<vmem>>, vector<1x16xf32>,
        %parallel_loop3A_353 = vector.shape_cast %parallel_loop3A_352 : vector<1x16xf32> to vector<16xf32>
        %parallel_loop3A_354 = vector.shape_cast %parallel_loop3A_348 : vector<16xf32> to vector<1x16xf32>
        tpu.vector_store %arg9[%parallel_loop3A_350, %parallel_loop3A_351], %parallel_loop3A_354 {add = true, strides = array<i32>} : memref<8x1024xf32, #tpu.memory_space<vmem>>, vector<1x16xf32>,
        %parallel_loop3A_355 = arith.constant 1 : i32
        %parallel_loop3A_356 = arith.index_cast %parallel_loop3A_355 : i32 to index
        %parallel_loop3A_357 = arith.index_cast %parallel_loop3A_343 : i32 to index
        %parallel_loop3A_358 = tpu.vector_load %arg13[%parallel_loop3A_356, %parallel_loop3A_357] {strides = array<i32>} : memref<8x1024xf32, #tpu.memory_space<vmem>>, vector<1x16xf32>,
        %parallel_loop3A_359 = vector.shape_cast %parallel_loop3A_358 : vector<1x16xf32> to vector<16xf32>
        %parallel_loop3A_360 = arith.constant 1 : i32
        %parallel_loop3A_361 = arith.index_cast %parallel_loop3A_360 : i32 to index
        %parallel_loop3A_362 = arith.index_cast %parallel_loop3A_343 : i32 to index
        %parallel_loop3A_363 = tpu.vector_load %arg9[%parallel_loop3A_361, %parallel_loop3A_362] {strides = array<i32>} : memref<8x1024xf32, #tpu.memory_space<vmem>>, vector<1x16xf32>,
        %parallel_loop3A_364 = vector.shape_cast %parallel_loop3A_363 : vector<1x16xf32> to vector<16xf32>
        %parallel_loop3A_365 = vector.shape_cast %parallel_loop3A_359 : vector<16xf32> to vector<1x16xf32>
        tpu.vector_store %arg9[%parallel_loop3A_361, %parallel_loop3A_362], %parallel_loop3A_365 {add = true, strides = array<i32>} : memref<8x1024xf32, #tpu.memory_space<vmem>>, vector<1x16xf32>,
        %parallel_loop3A_366 = arith.constant 2 : i32
        %parallel_loop3A_367 = arith.index_cast %parallel_loop3A_366 : i32 to index
        %parallel_loop3A_368 = arith.index_cast %parallel_loop3A_343 : i32 to index
        %parallel_loop3A_369 = tpu.vector_load %arg13[%parallel_loop3A_367, %parallel_loop3A_368] {strides = array<i32>} : memref<8x1024xf32, #tpu.memory_space<vmem>>, vector<1x16xf32>,
        %parallel_loop3A_370 = vector.shape_cast %parallel_loop3A_369 : vector<1x16xf32> to vector<16xf32>
        %parallel_loop3A_371 = arith.constant 2 : i32
        %parallel_loop3A_372 = arith.index_cast %parallel_loop3A_371 : i32 to index
        %parallel_loop3A_373 = arith.index_cast %parallel_loop3A_343 : i32 to index
        %parallel_loop3A_374 = tpu.vector_load %arg9[%parallel_loop3A_372, %parallel_loop3A_373] {strides = array<i32>} : memref<8x1024xf32, #tpu.memory_space<vmem>>, vector<1x16xf32>,
        %parallel_loop3A_375 = vector.shape_cast %parallel_loop3A_374 : vector<1x16xf32> to vector<16xf32>
        %parallel_loop3A_376 = vector.shape_cast %parallel_loop3A_370 : vector<16xf32> to vector<1x16xf32>
        tpu.vector_store %arg9[%parallel_loop3A_372, %parallel_loop3A_373], %parallel_loop3A_376 {add = true, strides = array<i32>} : memref<8x1024xf32, #tpu.memory_space<vmem>>, vector<1x16xf32>,
        %parallel_loop3A_377 = arith.constant 3 : i32
        %parallel_loop3A_378 = arith.index_cast %parallel_loop3A_377 : i32 to index
        %parallel_loop3A_379 = arith.index_cast %parallel_loop3A_343 : i32 to index
        %parallel_loop3A_380 = tpu.vector_load %arg13[%parallel_loop3A_378, %parallel_loop3A_379] {strides = array<i32>} : memref<8x1024xf32, #tpu.memory_space<vmem>>, vector<1x16xf32>,
        %parallel_loop3A_381 = vector.shape_cast %parallel_loop3A_380 : vector<1x16xf32> to vector<16xf32>
        %parallel_loop3A_382 = arith.constant 3 : i32
        %parallel_loop3A_383 = arith.index_cast %parallel_loop3A_382 : i32 to index
        %parallel_loop3A_384 = arith.index_cast %parallel_loop3A_343 : i32 to index
        %parallel_loop3A_385 = tpu.vector_load %arg9[%parallel_loop3A_383, %parallel_loop3A_384] {strides = array<i32>} : memref<8x1024xf32, #tpu.memory_space<vmem>>, vector<1x16xf32>,
        %parallel_loop3A_386 = vector.shape_cast %parallel_loop3A_385 : vector<1x16xf32> to vector<16xf32>
        %parallel_loop3A_387 = vector.shape_cast %parallel_loop3A_381 : vector<16xf32> to vector<1x16xf32>
        tpu.vector_store %arg9[%parallel_loop3A_383, %parallel_loop3A_384], %parallel_loop3A_387 {add = true, strides = array<i32>} : memref<8x1024xf32, #tpu.memory_space<vmem>>, vector<1x16xf32>,
        %parallel_loop3A_388 = arith.constant 4 : i32
        %parallel_loop3A_389 = arith.index_cast %parallel_loop3A_388 : i32 to index
        %parallel_loop3A_390 = arith.index_cast %parallel_loop3A_343 : i32 to index
        %parallel_loop3A_391 = tpu.vector_load %arg13[%parallel_loop3A_389, %parallel_loop3A_390] {strides = array<i32>} : memref<8x1024xf32, #tpu.memory_space<vmem>>, vector<1x16xf32>,
        %parallel_loop3A_392 = vector.shape_cast %parallel_loop3A_391 : vector<1x16xf32> to vector<16xf32>
        %parallel_loop3A_393 = arith.constant 4 : i32
        %parallel_loop3A_394 = arith.index_cast %parallel_loop3A_393 : i32 to index
        %parallel_loop3A_395 = arith.index_cast %parallel_loop3A_343 : i32 to index
        %parallel_loop3A_396 = tpu.vector_load %arg9[%parallel_loop3A_394, %parallel_loop3A_395] {strides = array<i32>} : memref<8x1024xf32, #tpu.memory_space<vmem>>, vector<1x16xf32>,
        %parallel_loop3A_397 = vector.shape_cast %parallel_loop3A_396 : vector<1x16xf32> to vector<16xf32>
        %parallel_loop3A_398 = vector.shape_cast %parallel_loop3A_392 : vector<16xf32> to vector<1x16xf32>
        tpu.vector_store %arg9[%parallel_loop3A_394, %parallel_loop3A_395], %parallel_loop3A_398 {add = true, strides = array<i32>} : memref<8x1024xf32, #tpu.memory_space<vmem>>, vector<1x16xf32>,
        %parallel_loop3A_399 = arith.constant 5 : i32
        %parallel_loop3A_400 = arith.index_cast %parallel_loop3A_399 : i32 to index
        %parallel_loop3A_401 = arith.index_cast %parallel_loop3A_343 : i32 to index
        %parallel_loop3A_402 = tpu.vector_load %arg13[%parallel_loop3A_400, %parallel_loop3A_401] {strides = array<i32>} : memref<8x1024xf32, #tpu.memory_space<vmem>>, vector<1x16xf32>,
        %parallel_loop3A_403 = vector.shape_cast %parallel_loop3A_402 : vector<1x16xf32> to vector<16xf32>
        %parallel_loop3A_404 = arith.constant 5 : i32
        %parallel_loop3A_405 = arith.index_cast %parallel_loop3A_404 : i32 to index
        %parallel_loop3A_406 = arith.index_cast %parallel_loop3A_343 : i32 to index
        %parallel_loop3A_407 = tpu.vector_load %arg9[%parallel_loop3A_405, %parallel_loop3A_406] {strides = array<i32>} : memref<8x1024xf32, #tpu.memory_space<vmem>>, vector<1x16xf32>,
        %parallel_loop3A_408 = vector.shape_cast %parallel_loop3A_407 : vector<1x16xf32> to vector<16xf32>
        %parallel_loop3A_409 = vector.shape_cast %parallel_loop3A_403 : vector<16xf32> to vector<1x16xf32>
        tpu.vector_store %arg9[%parallel_loop3A_405, %parallel_loop3A_406], %parallel_loop3A_409 {add = true, strides = array<i32>} : memref<8x1024xf32, #tpu.memory_space<vmem>>, vector<1x16xf32>,
        %parallel_loop3A_410 = arith.constant 6 : i32
        %parallel_loop3A_411 = arith.index_cast %parallel_loop3A_410 : i32 to index
        %parallel_loop3A_412 = arith.index_cast %parallel_loop3A_343 : i32 to index
        %parallel_loop3A_413 = tpu.vector_load %arg13[%parallel_loop3A_411, %parallel_loop3A_412] {strides = array<i32>} : memref<8x1024xf32, #tpu.memory_space<vmem>>, vector<1x16xf32>,
        %parallel_loop3A_414 = vector.shape_cast %parallel_loop3A_413 : vector<1x16xf32> to vector<16xf32>
        %parallel_loop3A_415 = arith.constant 6 : i32
        %parallel_loop3A_416 = arith.index_cast %parallel_loop3A_415 : i32 to index
        %parallel_loop3A_417 = arith.index_cast %parallel_loop3A_343 : i32 to index
        %parallel_loop3A_418 = tpu.vector_load %arg9[%parallel_loop3A_416, %parallel_loop3A_417] {strides = array<i32>} : memref<8x1024xf32, #tpu.memory_space<vmem>>, vector<1x16xf32>,
        %parallel_loop3A_419 = vector.shape_cast %parallel_loop3A_418 : vector<1x16xf32> to vector<16xf32>
        %parallel_loop3A_420 = vector.shape_cast %parallel_loop3A_414 : vector<16xf32> to vector<1x16xf32>
        tpu.vector_store %arg9[%parallel_loop3A_416, %parallel_loop3A_417], %parallel_loop3A_420 {add = true, strides = array<i32>} : memref<8x1024xf32, #tpu.memory_space<vmem>>, vector<1x16xf32>,
        %parallel_loop3A_421 = arith.constant 7 : i32
        %parallel_loop3A_422 = arith.index_cast %parallel_loop3A_421 : i32 to index
        %parallel_loop3A_423 = arith.index_cast %parallel_loop3A_343 : i32 to index
        %parallel_loop3A_424 = tpu.vector_load %arg13[%parallel_loop3A_422, %parallel_loop3A_423] {strides = array<i32>} : memref<8x1024xf32, #tpu.memory_space<vmem>>, vector<1x16xf32>,
        %parallel_loop3A_425 = vector.shape_cast %parallel_loop3A_424 : vector<1x16xf32> to vector<16xf32>
        %parallel_loop3A_426 = arith.constant 7 : i32
        %parallel_loop3A_427 = arith.index_cast %parallel_loop3A_426 : i32 to index
        %parallel_loop3A_428 = arith.index_cast %parallel_loop3A_343 : i32 to index
        %parallel_loop3A_429 = tpu.vector_load %arg9[%parallel_loop3A_427, %parallel_loop3A_428] {strides = array<i32>} : memref<8x1024xf32, #tpu.memory_space<vmem>>, vector<1x16xf32>,
        %parallel_loop3A_430 = vector.shape_cast %parallel_loop3A_429 : vector<1x16xf32> to vector<16xf32>
        %parallel_loop3A_431 = vector.shape_cast %parallel_loop3A_425 : vector<16xf32> to vector<1x16xf32>
        tpu.vector_store %arg9[%parallel_loop3A_427, %parallel_loop3A_428], %parallel_loop3A_431 {add = true, strides = array<i32>} : memref<8x1024xf32, #tpu.memory_space<vmem>>, vector<1x16xf32>,
      } {sc.loop_unroll_factor = 2 : i64, sc.parallel_access}
      %mul3A_177 = arith.constant 8 : i32
      %mul3A_178 = arith.muli %add3A_106, %mul3A_177 : i32
      %add3A_179 = arith.addi %mul3A_2, %mul3A_178 : i32
      %dma_start3A_180 = arith.constant 2 : i32
      %dma_start3A_181 = arith.constant 0 : i32
      %dma_start3A_182 = tpu.memref_slice %arg4[%dma_start3A_180, %add3A_179, %dma_start3A_181] : memref<4x4096x1024xf32, #tpu.memory_space<hbm>> -> memref<1x8x1024xf32, #tpu.memory_space<hbm>>
      %dma_start3A_183 = tpu.memref_squeeze %dma_start3A_182 : memref<1x8x1024xf32, #tpu.memory_space<hbm>> -> memref<8x1024xf32, #tpu.memory_space<hbm>>
      %dma_start3A_184 = arith.constant 0 : i32
      %dma_start3A_185 = tpu.memref_slice %arg4[%dma_start3A_180, %add3A_179, %dma_start3A_184] : memref<4x4096x1024xf32, #tpu.memory_space<hbm>> -> memref<1x8x1024xf32, #tpu.memory_space<hbm>>
      %dma_start3A_186 = tpu.memref_squeeze %dma_start3A_185 : memref<1x8x1024xf32, #tpu.memory_space<hbm>> -> memref<8x1024xf32, #tpu.memory_space<hbm>>
      tpu.enqueue_dma source(%arg9 : memref<8x1024xf32, #tpu.memory_space<vmem>>) target(%dma_start3A_186 : memref<8x1024xf32, #tpu.memory_space<hbm>>) target_semaphore(%arg27 : memref<!tpu.dma_semaphore, #tpu.memory_space<semaphore_mem>>)
      %add3A_187 = arith.constant 1 : i32
      %add3A_188 = arith.addi %add3A_106, %add3A_187 : i32
      %lt3A_189 = arith.constant 16 : i32
      %lt3A_190 = arith.cmpi slt, %add3A_188, %lt3A_189 : i32
      %convert_element_type3A_191 = arith.extui %lt3A_190 : i1 to i32
      %cond3A_192 = arith.constant 0 : i32
      %cond3A_193 = arith.cmpi ne, %convert_element_type3A_191, %cond3A_192 : i32
      scf.if %cond3A_193 {
        %ge3A = arith.constant 1 : i32
        %ge3A_341 = arith.cmpi sge, %add3A_106, %ge3A : i32
        %convert_element_type3A_342 = arith.extui %ge3A_341 : i1 to i32
        %cond3A_343 = arith.constant 0 : i32
        %cond3A_344 = arith.cmpi ne, %convert_element_type3A_342, %cond3A_343 : i32
        scf.if %cond3A_344 {
          %dma_wait3A_357 = arith.constant 0 : i32
          %dma_wait3A_358 = arith.constant 0 : i32
          %dma_wait3A_359 = tpu.memref_slice %arg3[%dma_wait3A_357, %dma_wait3A_358] : memref<4096x1024xf32, #tpu.memory_space<hbm>> -> memref<8x1024xf32, #tpu.memory_space<hbm>>
          %dma_wait3A_360 = arith.constant 0 : i32
          %dma_wait3A_361 = arith.constant 0 : i32
          %dma_wait3A_362 = tpu.memref_slice %arg3[%dma_wait3A_360, %dma_wait3A_361] : memref<4096x1024xf32, #tpu.memory_space<hbm>> -> memref<8x1024xf32, #tpu.memory_space<hbm>>
          tpu.wait_dma2 semaphore(%arg30 : memref<!tpu.dma_semaphore, #tpu.memory_space<semaphore_mem>>) src(%dma_wait3A_362 : memref<8x1024xf32, #tpu.memory_space<hbm>>) dst(%arg12 : memref<8x1024xf32, #tpu.memory_space<vmem>>)
        } else {
        }
        %add3A_345 = arith.constant 1 : i32
        %add3A_346 = arith.addi %add3A_106, %add3A_345 : i32
        %mul3A_347 = arith.constant 8 : i32
        %mul3A_348 = arith.muli %add3A_346, %mul3A_347 : i32
        %add3A_349 = arith.addi %mul3A_2, %mul3A_348 : i32
        %dma_start3A_350 = arith.constant 3 : i32
        %dma_start3A_351 = arith.constant 0 : i32
        %dma_start3A_352 = tpu.memref_slice %arg2[%dma_start3A_350, %add3A_349, %dma_start3A_351] : memref<4x4096x1024xf32, #tpu.memory_space<hbm>> -> memref<1x8x1024xf32, #tpu.memory_space<hbm>>
        %dma_start3A_353 = tpu.memref_squeeze %dma_start3A_352 : memref<1x8x1024xf32, #tpu.memory_space<hbm>> -> memref<8x1024xf32, #tpu.memory_space<hbm>>
        %dma_start3A_354 = arith.constant 0 : i32
        %dma_start3A_355 = tpu.memref_slice %arg2[%dma_start3A_350, %add3A_349, %dma_start3A_354] : memref<4x4096x1024xf32, #tpu.memory_space<hbm>> -> memref<1x8x1024xf32, #tpu.memory_space<hbm>>
        %dma_start3A_356 = tpu.memref_squeeze %dma_start3A_355 : memref<1x8x1024xf32, #tpu.memory_space<hbm>> -> memref<8x1024xf32, #tpu.memory_space<hbm>>
        tpu.enqueue_dma source(%dma_start3A_356 : memref<8x1024xf32, #tpu.memory_space<hbm>>) target(%arg12 : memref<8x1024xf32, #tpu.memory_space<vmem>>) target_semaphore(%arg22 : memref<!tpu.dma_semaphore, #tpu.memory_space<semaphore_mem>>)
      } else {
      }
      %dma_wait3A_194 = arith.constant 0 : i32
      %dma_wait3A_195 = arith.constant 0 : i32
      %dma_wait3A_196 = tpu.memref_slice %arg3[%dma_wait3A_194, %dma_wait3A_195] : memref<4096x1024xf32, #tpu.memory_space<hbm>> -> memref<8x1024xf32, #tpu.memory_space<hbm>>
      %dma_wait3A_197 = arith.constant 0 : i32
      %dma_wait3A_198 = arith.constant 0 : i32
      %dma_wait3A_199 = tpu.memref_slice %arg3[%dma_wait3A_197, %dma_wait3A_198] : memref<4096x1024xf32, #tpu.memory_space<hbm>> -> memref<8x1024xf32, #tpu.memory_space<hbm>>
      tpu.wait_dma2 semaphore(%arg21 : memref<!tpu.dma_semaphore, #tpu.memory_space<semaphore_mem>>) src(%dma_wait3A_199 : memref<8x1024xf32, #tpu.memory_space<hbm>>) dst(%arg11 : memref<8x1024xf32, #tpu.memory_space<vmem>>)
      %parallel_loop3A_200 = arith.constant 0 : i32
      %parallel_loop3A_201 = arith.constant 64 : i32
      %parallel_loop3A_202 = arith.constant 1 : i32
      scf.for %parallel_loop3A_341 = %parallel_loop3A_200 to %parallel_loop3A_201 step %parallel_loop3A_202  : i32 {
        %parallel_loop3A_342 = arith.constant 16 : i32
        %parallel_loop3A_343 = arith.muli %parallel_loop3A_341, %parallel_loop3A_342 : i32
        %parallel_loop3A_344 = arith.constant 0 : i32
        %parallel_loop3A_345 = arith.index_cast %parallel_loop3A_344 : i32 to index
        %parallel_loop3A_346 = arith.index_cast %parallel_loop3A_343 : i32 to index
        %parallel_loop3A_347 = tpu.vector_load %arg13[%parallel_loop3A_345, %parallel_loop3A_346] {strides = array<i32>} : memref<8x1024xf32, #tpu.memory_space<vmem>>, vector<1x16xf32>,
        %parallel_loop3A_348 = vector.shape_cast %parallel_loop3A_347 : vector<1x16xf32> to vector<16xf32>
        %parallel_loop3A_349 = arith.constant 0 : i32
        %parallel_loop3A_350 = arith.index_cast %parallel_loop3A_349 : i32 to index
        %parallel_loop3A_351 = arith.index_cast %parallel_loop3A_343 : i32 to index
        %parallel_loop3A_352 = tpu.vector_load %arg11[%parallel_loop3A_350, %parallel_loop3A_351] {strides = array<i32>} : memref<8x1024xf32, #tpu.memory_space<vmem>>, vector<1x16xf32>,
        %parallel_loop3A_353 = vector.shape_cast %parallel_loop3A_352 : vector<1x16xf32> to vector<16xf32>
        %parallel_loop3A_354 = vector.shape_cast %parallel_loop3A_348 : vector<16xf32> to vector<1x16xf32>
        tpu.vector_store %arg11[%parallel_loop3A_350, %parallel_loop3A_351], %parallel_loop3A_354 {add = true, strides = array<i32>} : memref<8x1024xf32, #tpu.memory_space<vmem>>, vector<1x16xf32>,
        %parallel_loop3A_355 = arith.constant 1 : i32
        %parallel_loop3A_356 = arith.index_cast %parallel_loop3A_355 : i32 to index
        %parallel_loop3A_357 = arith.index_cast %parallel_loop3A_343 : i32 to index
        %parallel_loop3A_358 = tpu.vector_load %arg13[%parallel_loop3A_356, %parallel_loop3A_357] {strides = array<i32>} : memref<8x1024xf32, #tpu.memory_space<vmem>>, vector<1x16xf32>,
        %parallel_loop3A_359 = vector.shape_cast %parallel_loop3A_358 : vector<1x16xf32> to vector<16xf32>
        %parallel_loop3A_360 = arith.constant 1 : i32
        %parallel_loop3A_361 = arith.index_cast %parallel_loop3A_360 : i32 to index
        %parallel_loop3A_362 = arith.index_cast %parallel_loop3A_343 : i32 to index
        %parallel_loop3A_363 = tpu.vector_load %arg11[%parallel_loop3A_361, %parallel_loop3A_362] {strides = array<i32>} : memref<8x1024xf32, #tpu.memory_space<vmem>>, vector<1x16xf32>,
        %parallel_loop3A_364 = vector.shape_cast %parallel_loop3A_363 : vector<1x16xf32> to vector<16xf32>
        %parallel_loop3A_365 = vector.shape_cast %parallel_loop3A_359 : vector<16xf32> to vector<1x16xf32>
        tpu.vector_store %arg11[%parallel_loop3A_361, %parallel_loop3A_362], %parallel_loop3A_365 {add = true, strides = array<i32>} : memref<8x1024xf32, #tpu.memory_space<vmem>>, vector<1x16xf32>,
        %parallel_loop3A_366 = arith.constant 2 : i32
        %parallel_loop3A_367 = arith.index_cast %parallel_loop3A_366 : i32 to index
        %parallel_loop3A_368 = arith.index_cast %parallel_loop3A_343 : i32 to index
        %parallel_loop3A_369 = tpu.vector_load %arg13[%parallel_loop3A_367, %parallel_loop3A_368] {strides = array<i32>} : memref<8x1024xf32, #tpu.memory_space<vmem>>, vector<1x16xf32>,
        %parallel_loop3A_370 = vector.shape_cast %parallel_loop3A_369 : vector<1x16xf32> to vector<16xf32>
        %parallel_loop3A_371 = arith.constant 2 : i32
        %parallel_loop3A_372 = arith.index_cast %parallel_loop3A_371 : i32 to index
        %parallel_loop3A_373 = arith.index_cast %parallel_loop3A_343 : i32 to index
        %parallel_loop3A_374 = tpu.vector_load %arg11[%parallel_loop3A_372, %parallel_loop3A_373] {strides = array<i32>} : memref<8x1024xf32, #tpu.memory_space<vmem>>, vector<1x16xf32>,
        %parallel_loop3A_375 = vector.shape_cast %parallel_loop3A_374 : vector<1x16xf32> to vector<16xf32>
        %parallel_loop3A_376 = vector.shape_cast %parallel_loop3A_370 : vector<16xf32> to vector<1x16xf32>
        tpu.vector_store %arg11[%parallel_loop3A_372, %parallel_loop3A_373], %parallel_loop3A_376 {add = true, strides = array<i32>} : memref<8x1024xf32, #tpu.memory_space<vmem>>, vector<1x16xf32>,
        %parallel_loop3A_377 = arith.constant 3 : i32
        %parallel_loop3A_378 = arith.index_cast %parallel_loop3A_377 : i32 to index
        %parallel_loop3A_379 = arith.index_cast %parallel_loop3A_343 : i32 to index
        %parallel_loop3A_380 = tpu.vector_load %arg13[%parallel_loop3A_378, %parallel_loop3A_379] {strides = array<i32>} : memref<8x1024xf32, #tpu.memory_space<vmem>>, vector<1x16xf32>,
        %parallel_loop3A_381 = vector.shape_cast %parallel_loop3A_380 : vector<1x16xf32> to vector<16xf32>
        %parallel_loop3A_382 = arith.constant 3 : i32
        %parallel_loop3A_383 = arith.index_cast %parallel_loop3A_382 : i32 to index
        %parallel_loop3A_384 = arith.index_cast %parallel_loop3A_343 : i32 to index
        %parallel_loop3A_385 = tpu.vector_load %arg11[%parallel_loop3A_383, %parallel_loop3A_384] {strides = array<i32>} : memref<8x1024xf32, #tpu.memory_space<vmem>>, vector<1x16xf32>,
        %parallel_loop3A_386 = vector.shape_cast %parallel_loop3A_385 : vector<1x16xf32> to vector<16xf32>
        %parallel_loop3A_387 = vector.shape_cast %parallel_loop3A_381 : vector<16xf32> to vector<1x16xf32>
        tpu.vector_store %arg11[%parallel_loop3A_383, %parallel_loop3A_384], %parallel_loop3A_387 {add = true, strides = array<i32>} : memref<8x1024xf32, #tpu.memory_space<vmem>>, vector<1x16xf32>,
        %parallel_loop3A_388 = arith.constant 4 : i32
        %parallel_loop3A_389 = arith.index_cast %parallel_loop3A_388 : i32 to index
        %parallel_loop3A_390 = arith.index_cast %parallel_loop3A_343 : i32 to index
        %parallel_loop3A_391 = tpu.vector_load %arg13[%parallel_loop3A_389, %parallel_loop3A_390] {strides = array<i32>} : memref<8x1024xf32, #tpu.memory_space<vmem>>, vector<1x16xf32>,
        %parallel_loop3A_392 = vector.shape_cast %parallel_loop3A_391 : vector<1x16xf32> to vector<16xf32>
        %parallel_loop3A_393 = arith.constant 4 : i32
        %parallel_loop3A_394 = arith.index_cast %parallel_loop3A_393 : i32 to index
        %parallel_loop3A_395 = arith.index_cast %parallel_loop3A_343 : i32 to index
        %parallel_loop3A_396 = tpu.vector_load %arg11[%parallel_loop3A_394, %parallel_loop3A_395] {strides = array<i32>} : memref<8x1024xf32, #tpu.memory_space<vmem>>, vector<1x16xf32>,
        %parallel_loop3A_397 = vector.shape_cast %parallel_loop3A_396 : vector<1x16xf32> to vector<16xf32>
        %parallel_loop3A_398 = vector.shape_cast %parallel_loop3A_392 : vector<16xf32> to vector<1x16xf32>
        tpu.vector_store %arg11[%parallel_loop3A_394, %parallel_loop3A_395], %parallel_loop3A_398 {add = true, strides = array<i32>} : memref<8x1024xf32, #tpu.memory_space<vmem>>, vector<1x16xf32>,
        %parallel_loop3A_399 = arith.constant 5 : i32
        %parallel_loop3A_400 = arith.index_cast %parallel_loop3A_399 : i32 to index
        %parallel_loop3A_401 = arith.index_cast %parallel_loop3A_343 : i32 to index
        %parallel_loop3A_402 = tpu.vector_load %arg13[%parallel_loop3A_400, %parallel_loop3A_401] {strides = array<i32>} : memref<8x1024xf32, #tpu.memory_space<vmem>>, vector<1x16xf32>,
        %parallel_loop3A_403 = vector.shape_cast %parallel_loop3A_402 : vector<1x16xf32> to vector<16xf32>
        %parallel_loop3A_404 = arith.constant 5 : i32
        %parallel_loop3A_405 = arith.index_cast %parallel_loop3A_404 : i32 to index
        %parallel_loop3A_406 = arith.index_cast %parallel_loop3A_343 : i32 to index
        %parallel_loop3A_407 = tpu.vector_load %arg11[%parallel_loop3A_405, %parallel_loop3A_406] {strides = array<i32>} : memref<8x1024xf32, #tpu.memory_space<vmem>>, vector<1x16xf32>,
        %parallel_loop3A_408 = vector.shape_cast %parallel_loop3A_407 : vector<1x16xf32> to vector<16xf32>
        %parallel_loop3A_409 = vector.shape_cast %parallel_loop3A_403 : vector<16xf32> to vector<1x16xf32>
        tpu.vector_store %arg11[%parallel_loop3A_405, %parallel_loop3A_406], %parallel_loop3A_409 {add = true, strides = array<i32>} : memref<8x1024xf32, #tpu.memory_space<vmem>>, vector<1x16xf32>,
        %parallel_loop3A_410 = arith.constant 6 : i32
        %parallel_loop3A_411 = arith.index_cast %parallel_loop3A_410 : i32 to index
        %parallel_loop3A_412 = arith.index_cast %parallel_loop3A_343 : i32 to index
        %parallel_loop3A_413 = tpu.vector_load %arg13[%parallel_loop3A_411, %parallel_loop3A_412] {strides = array<i32>} : memref<8x1024xf32, #tpu.memory_space<vmem>>, vector<1x16xf32>,
        %parallel_loop3A_414 = vector.shape_cast %parallel_loop3A_413 : vector<1x16xf32> to vector<16xf32>
        %parallel_loop3A_415 = arith.constant 6 : i32
        %parallel_loop3A_416 = arith.index_cast %parallel_loop3A_415 : i32 to index
        %parallel_loop3A_417 = arith.index_cast %parallel_loop3A_343 : i32 to index
        %parallel_loop3A_418 = tpu.vector_load %arg11[%parallel_loop3A_416, %parallel_loop3A_417] {strides = array<i32>} : memref<8x1024xf32, #tpu.memory_space<vmem>>, vector<1x16xf32>,
        %parallel_loop3A_419 = vector.shape_cast %parallel_loop3A_418 : vector<1x16xf32> to vector<16xf32>
        %parallel_loop3A_420 = vector.shape_cast %parallel_loop3A_414 : vector<16xf32> to vector<1x16xf32>
        tpu.vector_store %arg11[%parallel_loop3A_416, %parallel_loop3A_417], %parallel_loop3A_420 {add = true, strides = array<i32>} : memref<8x1024xf32, #tpu.memory_space<vmem>>, vector<1x16xf32>,
        %parallel_loop3A_421 = arith.constant 7 : i32
        %parallel_loop3A_422 = arith.index_cast %parallel_loop3A_421 : i32 to index
        %parallel_loop3A_423 = arith.index_cast %parallel_loop3A_343 : i32 to index
        %parallel_loop3A_424 = tpu.vector_load %arg13[%parallel_loop3A_422, %parallel_loop3A_423] {strides = array<i32>} : memref<8x1024xf32, #tpu.memory_space<vmem>>, vector<1x16xf32>,
        %parallel_loop3A_425 = vector.shape_cast %parallel_loop3A_424 : vector<1x16xf32> to vector<16xf32>
        %parallel_loop3A_426 = arith.constant 7 : i32
        %parallel_loop3A_427 = arith.index_cast %parallel_loop3A_426 : i32 to index
        %parallel_loop3A_428 = arith.index_cast %parallel_loop3A_343 : i32 to index
        %parallel_loop3A_429 = tpu.vector_load %arg11[%parallel_loop3A_427, %parallel_loop3A_428] {strides = array<i32>} : memref<8x1024xf32, #tpu.memory_space<vmem>>, vector<1x16xf32>,
        %parallel_loop3A_430 = vector.shape_cast %parallel_loop3A_429 : vector<1x16xf32> to vector<16xf32>
        %parallel_loop3A_431 = vector.shape_cast %parallel_loop3A_425 : vector<16xf32> to vector<1x16xf32>
        tpu.vector_store %arg11[%parallel_loop3A_427, %parallel_loop3A_428], %parallel_loop3A_431 {add = true, strides = array<i32>} : memref<8x1024xf32, #tpu.memory_space<vmem>>, vector<1x16xf32>,
      } {sc.loop_unroll_factor = 2 : i64, sc.parallel_access}
      %mul3A_203 = arith.constant 8 : i32
      %mul3A_204 = arith.muli %add3A_106, %mul3A_203 : i32
      %add3A_205 = arith.addi %mul3A_2, %mul3A_204 : i32
      %dma_start3A_206 = arith.constant 3 : i32
      %dma_start3A_207 = arith.constant 0 : i32
      %dma_start3A_208 = tpu.memref_slice %arg4[%dma_start3A_206, %add3A_205, %dma_start3A_207] : memref<4x4096x1024xf32, #tpu.memory_space<hbm>> -> memref<1x8x1024xf32, #tpu.memory_space<hbm>>
      %dma_start3A_209 = tpu.memref_squeeze %dma_start3A_208 : memref<1x8x1024xf32, #tpu.memory_space<hbm>> -> memref<8x1024xf32, #tpu.memory_space<hbm>>
      %dma_start3A_210 = arith.constant 0 : i32
      %dma_start3A_211 = tpu.memref_slice %arg4[%dma_start3A_206, %add3A_205, %dma_start3A_210] : memref<4x4096x1024xf32, #tpu.memory_space<hbm>> -> memref<1x8x1024xf32, #tpu.memory_space<hbm>>
      %dma_start3A_212 = tpu.memref_squeeze %dma_start3A_211 : memref<1x8x1024xf32, #tpu.memory_space<hbm>> -> memref<8x1024xf32, #tpu.memory_space<hbm>>
      tpu.enqueue_dma source(%arg11 : memref<8x1024xf32, #tpu.memory_space<vmem>>) target(%dma_start3A_212 : memref<8x1024xf32, #tpu.memory_space<hbm>>) target_semaphore(%arg29 : memref<!tpu.dma_semaphore, #tpu.memory_space<semaphore_mem>>)
      %add3A_213 = arith.constant 2 : i32
      %add3A_214 = arith.addi %add3A_106, %add3A_213 : i32
      %lt3A_215 = arith.constant 16 : i32
      %lt3A_216 = arith.cmpi slt, %add3A_214, %lt3A_215 : i32
      %convert_element_type3A_217 = arith.extui %lt3A_216 : i1 to i32
      %cond3A_218 = arith.constant 0 : i32
      %cond3A_219 = arith.cmpi ne, %convert_element_type3A_217, %cond3A_218 : i32
      scf.if %cond3A_219 {
        %add3A_341 = arith.constant 2 : i32
        %add3A_342 = arith.addi %add3A_106, %add3A_341 : i32
        %mul3A_343 = arith.constant 8 : i32
        %mul3A_344 = arith.muli %add3A_342, %mul3A_343 : i32
        %add3A_345 = arith.addi %mul3A_2, %mul3A_344 : i32
        %dma_start3A_346 = arith.constant 0 : i32
        %dma_start3A_347 = tpu.memref_slice %arg3[%add3A_345, %dma_start3A_346] : memref<4096x1024xf32, #tpu.memory_space<hbm>> -> memref<8x1024xf32, #tpu.memory_space<hbm>>
        %dma_start3A_348 = arith.constant 0 : i32
        %dma_start3A_349 = tpu.memref_slice %arg3[%add3A_345, %dma_start3A_348] : memref<4096x1024xf32, #tpu.memory_space<hbm>> -> memref<8x1024xf32, #tpu.memory_space<hbm>>
        tpu.enqueue_dma source(%dma_start3A_349 : memref<8x1024xf32, #tpu.memory_space<hbm>>) target(%arg13 : memref<8x1024xf32, #tpu.memory_space<vmem>>) target_semaphore(%arg31 : memref<!tpu.dma_semaphore, #tpu.memory_space<semaphore_mem>>)
      } else {
      }
      %mul3A_220 = arith.constant 2 : i32
      %mul3A_221 = arith.muli %scan3A_102, %mul3A_220 : i32
      %add3A_222 = arith.constant 1 : i32
      %add3A_223 = arith.addi %mul3A_221, %add3A_222 : i32
      %dma_wait3A_224 = arith.constant 0 : i32
      %dma_wait3A_225 = arith.constant 0 : i32
      %dma_wait3A_226 = tpu.memref_slice %arg3[%dma_wait3A_224, %dma_wait3A_225] : memref<4096x1024xf32, #tpu.memory_space<hbm>> -> memref<8x1024xf32, #tpu.memory_space<hbm>>
      %dma_wait3A_227 = arith.constant 0 : i32
      %dma_wait3A_228 = arith.constant 0 : i32
      %dma_wait3A_229 = tpu.memref_slice %arg3[%dma_wait3A_227, %dma_wait3A_228] : memref<4096x1024xf32, #tpu.memory_space<hbm>> -> memref<8x1024xf32, #tpu.memory_space<hbm>>
      tpu.wait_dma2 semaphore(%arg32 : memref<!tpu.dma_semaphore, #tpu.memory_space<semaphore_mem>>) src(%dma_wait3A_229 : memref<8x1024xf32, #tpu.memory_space<hbm>>) dst(%arg14 : memref<8x1024xf32, #tpu.memory_space<vmem>>)
      %add3A_230 = arith.constant 1 : i32
      %add3A_231 = arith.addi %add3A_223, %add3A_230 : i32
      %lt3A_232 = arith.constant 16 : i32
      %lt3A_233 = arith.cmpi slt, %add3A_231, %lt3A_232 : i32
      %convert_element_type3A_234 = arith.extui %lt3A_233 : i1 to i32
      %cond3A_235 = arith.constant 0 : i32
      %cond3A_236 = arith.cmpi ne, %convert_element_type3A_234, %cond3A_235 : i32
      scf.if %cond3A_236 {
        %ge3A = arith.constant 1 : i32
        %ge3A_341 = arith.cmpi sge, %add3A_223, %ge3A : i32
        %convert_element_type3A_342 = arith.extui %ge3A_341 : i1 to i32
        %cond3A_343 = arith.constant 0 : i32
        %cond3A_344 = arith.cmpi ne, %convert_element_type3A_342, %cond3A_343 : i32
        scf.if %cond3A_344 {
          %dma_wait3A_357 = arith.constant 0 : i32
          %dma_wait3A_358 = arith.constant 0 : i32
          %dma_wait3A_359 = tpu.memref_slice %arg3[%dma_wait3A_357, %dma_wait3A_358] : memref<4096x1024xf32, #tpu.memory_space<hbm>> -> memref<8x1024xf32, #tpu.memory_space<hbm>>
          %dma_wait3A_360 = arith.constant 0 : i32
          %dma_wait3A_361 = arith.constant 0 : i32
          %dma_wait3A_362 = tpu.memref_slice %arg3[%dma_wait3A_360, %dma_wait3A_361] : memref<4096x1024xf32, #tpu.memory_space<hbm>> -> memref<8x1024xf32, #tpu.memory_space<hbm>>
          tpu.wait_dma2 semaphore(%arg23 : memref<!tpu.dma_semaphore, #tpu.memory_space<semaphore_mem>>) src(%dma_wait3A_362 : memref<8x1024xf32, #tpu.memory_space<hbm>>) dst(%arg5 : memref<8x1024xf32, #tpu.memory_space<vmem>>)
        } else {
        }
        %add3A_345 = arith.constant 1 : i32
        %add3A_346 = arith.addi %add3A_223, %add3A_345 : i32
        %mul3A_347 = arith.constant 8 : i32
        %mul3A_348 = arith.muli %add3A_346, %mul3A_347 : i32
        %add3A_349 = arith.addi %mul3A_2, %mul3A_348 : i32
        %dma_start3A_350 = arith.constant 0 : i32
        %dma_start3A_351 = arith.constant 0 : i32
        %dma_start3A_352 = tpu.memref_slice %arg2[%dma_start3A_350, %add3A_349, %dma_start3A_351] : memref<4x4096x1024xf32, #tpu.memory_space<hbm>> -> memref<1x8x1024xf32, #tpu.memory_space<hbm>>
        %dma_start3A_353 = tpu.memref_squeeze %dma_start3A_352 : memref<1x8x1024xf32, #tpu.memory_space<hbm>> -> memref<8x1024xf32, #tpu.memory_space<hbm>>
        %dma_start3A_354 = arith.constant 0 : i32
        %dma_start3A_355 = tpu.memref_slice %arg2[%dma_start3A_350, %add3A_349, %dma_start3A_354] : memref<4x4096x1024xf32, #tpu.memory_space<hbm>> -> memref<1x8x1024xf32, #tpu.memory_space<hbm>>
        %dma_start3A_356 = tpu.memref_squeeze %dma_start3A_355 : memref<1x8x1024xf32, #tpu.memory_space<hbm>> -> memref<8x1024xf32, #tpu.memory_space<hbm>>
        tpu.enqueue_dma source(%dma_start3A_356 : memref<8x1024xf32, #tpu.memory_space<hbm>>) target(%arg5 : memref<8x1024xf32, #tpu.memory_space<vmem>>) target_semaphore(%arg15 : memref<!tpu.dma_semaphore, #tpu.memory_space<semaphore_mem>>)
      } else {
      }
      %dma_wait3A_237 = arith.constant 0 : i32
      %dma_wait3A_238 = arith.constant 0 : i32
      %dma_wait3A_239 = tpu.memref_slice %arg3[%dma_wait3A_237, %dma_wait3A_238] : memref<4096x1024xf32, #tpu.memory_space<hbm>> -> memref<8x1024xf32, #tpu.memory_space<hbm>>
      %dma_wait3A_240 = arith.constant 0 : i32
      %dma_wait3A_241 = arith.constant 0 : i32
      %dma_wait3A_242 = tpu.memref_slice %arg3[%dma_wait3A_240, %dma_wait3A_241] : memref<4096x1024xf32, #tpu.memory_space<hbm>> -> memref<8x1024xf32, #tpu.memory_space<hbm>>
      tpu.wait_dma2 semaphore(%arg16 : memref<!tpu.dma_semaphore, #tpu.memory_space<semaphore_mem>>) src(%dma_wait3A_242 : memref<8x1024xf32, #tpu.memory_space<hbm>>) dst(%arg6 : memref<8x1024xf32, #tpu.memory_space<vmem>>)
      %parallel_loop3A_243 = arith.constant 0 : i32
      %parallel_loop3A_244 = arith.constant 64 : i32
      %parallel_loop3A_245 = arith.constant 1 : i32
      scf.for %parallel_loop3A_341 = %parallel_loop3A_243 to %parallel_loop3A_244 step %parallel_loop3A_245  : i32 {
        %parallel_loop3A_342 = arith.constant 16 : i32
        %parallel_loop3A_343 = arith.muli %parallel_loop3A_341, %parallel_loop3A_342 : i32
        %parallel_loop3A_344 = arith.constant 0 : i32
        %parallel_loop3A_345 = arith.index_cast %parallel_loop3A_344 : i32 to index
        %parallel_loop3A_346 = arith.index_cast %parallel_loop3A_343 : i32 to index
        %parallel_loop3A_347 = tpu.vector_load %arg14[%parallel_loop3A_345, %parallel_loop3A_346] {strides = array<i32>} : memref<8x1024xf32, #tpu.memory_space<vmem>>, vector<1x16xf32>,
        %parallel_loop3A_348 = vector.shape_cast %parallel_loop3A_347 : vector<1x16xf32> to vector<16xf32>
        %parallel_loop3A_349 = arith.constant 0 : i32
        %parallel_loop3A_350 = arith.index_cast %parallel_loop3A_349 : i32 to index
        %parallel_loop3A_351 = arith.index_cast %parallel_loop3A_343 : i32 to index
        %parallel_loop3A_352 = tpu.vector_load %arg6[%parallel_loop3A_350, %parallel_loop3A_351] {strides = array<i32>} : memref<8x1024xf32, #tpu.memory_space<vmem>>, vector<1x16xf32>,
        %parallel_loop3A_353 = vector.shape_cast %parallel_loop3A_352 : vector<1x16xf32> to vector<16xf32>
        %parallel_loop3A_354 = vector.shape_cast %parallel_loop3A_348 : vector<16xf32> to vector<1x16xf32>
        tpu.vector_store %arg6[%parallel_loop3A_350, %parallel_loop3A_351], %parallel_loop3A_354 {add = true, strides = array<i32>} : memref<8x1024xf32, #tpu.memory_space<vmem>>, vector<1x16xf32>,
        %parallel_loop3A_355 = arith.constant 1 : i32
        %parallel_loop3A_356 = arith.index_cast %parallel_loop3A_355 : i32 to index
        %parallel_loop3A_357 = arith.index_cast %parallel_loop3A_343 : i32 to index
        %parallel_loop3A_358 = tpu.vector_load %arg14[%parallel_loop3A_356, %parallel_loop3A_357] {strides = array<i32>} : memref<8x1024xf32, #tpu.memory_space<vmem>>, vector<1x16xf32>,
        %parallel_loop3A_359 = vector.shape_cast %parallel_loop3A_358 : vector<1x16xf32> to vector<16xf32>
        %parallel_loop3A_360 = arith.constant 1 : i32
        %parallel_loop3A_361 = arith.index_cast %parallel_loop3A_360 : i32 to index
        %parallel_loop3A_362 = arith.index_cast %parallel_loop3A_343 : i32 to index
        %parallel_loop3A_363 = tpu.vector_load %arg6[%parallel_loop3A_361, %parallel_loop3A_362] {strides = array<i32>} : memref<8x1024xf32, #tpu.memory_space<vmem>>, vector<1x16xf32>,
        %parallel_loop3A_364 = vector.shape_cast %parallel_loop3A_363 : vector<1x16xf32> to vector<16xf32>
        %parallel_loop3A_365 = vector.shape_cast %parallel_loop3A_359 : vector<16xf32> to vector<1x16xf32>
        tpu.vector_store %arg6[%parallel_loop3A_361, %parallel_loop3A_362], %parallel_loop3A_365 {add = true, strides = array<i32>} : memref<8x1024xf32, #tpu.memory_space<vmem>>, vector<1x16xf32>,
        %parallel_loop3A_366 = arith.constant 2 : i32
        %parallel_loop3A_367 = arith.index_cast %parallel_loop3A_366 : i32 to index
        %parallel_loop3A_368 = arith.index_cast %parallel_loop3A_343 : i32 to index
        %parallel_loop3A_369 = tpu.vector_load %arg14[%parallel_loop3A_367, %parallel_loop3A_368] {strides = array<i32>} : memref<8x1024xf32, #tpu.memory_space<vmem>>, vector<1x16xf32>,
        %parallel_loop3A_370 = vector.shape_cast %parallel_loop3A_369 : vector<1x16xf32> to vector<16xf32>
        %parallel_loop3A_371 = arith.constant 2 : i32
        %parallel_loop3A_372 = arith.index_cast %parallel_loop3A_371 : i32 to index
        %parallel_loop3A_373 = arith.index_cast %parallel_loop3A_343 : i32 to index
        %parallel_loop3A_374 = tpu.vector_load %arg6[%parallel_loop3A_372, %parallel_loop3A_373] {strides = array<i32>} : memref<8x1024xf32, #tpu.memory_space<vmem>>, vector<1x16xf32>,
        %parallel_loop3A_375 = vector.shape_cast %parallel_loop3A_374 : vector<1x16xf32> to vector<16xf32>
        %parallel_loop3A_376 = vector.shape_cast %parallel_loop3A_370 : vector<16xf32> to vector<1x16xf32>
        tpu.vector_store %arg6[%parallel_loop3A_372, %parallel_loop3A_373], %parallel_loop3A_376 {add = true, strides = array<i32>} : memref<8x1024xf32, #tpu.memory_space<vmem>>, vector<1x16xf32>,
        %parallel_loop3A_377 = arith.constant 3 : i32
        %parallel_loop3A_378 = arith.index_cast %parallel_loop3A_377 : i32 to index
        %parallel_loop3A_379 = arith.index_cast %parallel_loop3A_343 : i32 to index
        %parallel_loop3A_380 = tpu.vector_load %arg14[%parallel_loop3A_378, %parallel_loop3A_379] {strides = array<i32>} : memref<8x1024xf32, #tpu.memory_space<vmem>>, vector<1x16xf32>,
        %parallel_loop3A_381 = vector.shape_cast %parallel_loop3A_380 : vector<1x16xf32> to vector<16xf32>
        %parallel_loop3A_382 = arith.constant 3 : i32
        %parallel_loop3A_383 = arith.index_cast %parallel_loop3A_382 : i32 to index
        %parallel_loop3A_384 = arith.index_cast %parallel_loop3A_343 : i32 to index
        %parallel_loop3A_385 = tpu.vector_load %arg6[%parallel_loop3A_383, %parallel_loop3A_384] {strides = array<i32>} : memref<8x1024xf32, #tpu.memory_space<vmem>>, vector<1x16xf32>,
        %parallel_loop3A_386 = vector.shape_cast %parallel_loop3A_385 : vector<1x16xf32> to vector<16xf32>
        %parallel_loop3A_387 = vector.shape_cast %parallel_loop3A_381 : vector<16xf32> to vector<1x16xf32>
        tpu.vector_store %arg6[%parallel_loop3A_383, %parallel_loop3A_384], %parallel_loop3A_387 {add = true, strides = array<i32>} : memref<8x1024xf32, #tpu.memory_space<vmem>>, vector<1x16xf32>,
        %parallel_loop3A_388 = arith.constant 4 : i32
        %parallel_loop3A_389 = arith.index_cast %parallel_loop3A_388 : i32 to index
        %parallel_loop3A_390 = arith.index_cast %parallel_loop3A_343 : i32 to index
        %parallel_loop3A_391 = tpu.vector_load %arg14[%parallel_loop3A_389, %parallel_loop3A_390] {strides = array<i32>} : memref<8x1024xf32, #tpu.memory_space<vmem>>, vector<1x16xf32>,
        %parallel_loop3A_392 = vector.shape_cast %parallel_loop3A_391 : vector<1x16xf32> to vector<16xf32>
        %parallel_loop3A_393 = arith.constant 4 : i32
        %parallel_loop3A_394 = arith.index_cast %parallel_loop3A_393 : i32 to index
        %parallel_loop3A_395 = arith.index_cast %parallel_loop3A_343 : i32 to index
        %parallel_loop3A_396 = tpu.vector_load %arg6[%parallel_loop3A_394, %parallel_loop3A_395] {strides = array<i32>} : memref<8x1024xf32, #tpu.memory_space<vmem>>, vector<1x16xf32>,
        %parallel_loop3A_397 = vector.shape_cast %parallel_loop3A_396 : vector<1x16xf32> to vector<16xf32>
        %parallel_loop3A_398 = vector.shape_cast %parallel_loop3A_392 : vector<16xf32> to vector<1x16xf32>
        tpu.vector_store %arg6[%parallel_loop3A_394, %parallel_loop3A_395], %parallel_loop3A_398 {add = true, strides = array<i32>} : memref<8x1024xf32, #tpu.memory_space<vmem>>, vector<1x16xf32>,
        %parallel_loop3A_399 = arith.constant 5 : i32
        %parallel_loop3A_400 = arith.index_cast %parallel_loop3A_399 : i32 to index
        %parallel_loop3A_401 = arith.index_cast %parallel_loop3A_343 : i32 to index
        %parallel_loop3A_402 = tpu.vector_load %arg14[%parallel_loop3A_400, %parallel_loop3A_401] {strides = array<i32>} : memref<8x1024xf32, #tpu.memory_space<vmem>>, vector<1x16xf32>,
        %parallel_loop3A_403 = vector.shape_cast %parallel_loop3A_402 : vector<1x16xf32> to vector<16xf32>
        %parallel_loop3A_404 = arith.constant 5 : i32
        %parallel_loop3A_405 = arith.index_cast %parallel_loop3A_404 : i32 to index
        %parallel_loop3A_406 = arith.index_cast %parallel_loop3A_343 : i32 to index
        %parallel_loop3A_407 = tpu.vector_load %arg6[%parallel_loop3A_405, %parallel_loop3A_406] {strides = array<i32>} : memref<8x1024xf32, #tpu.memory_space<vmem>>, vector<1x16xf32>,
        %parallel_loop3A_408 = vector.shape_cast %parallel_loop3A_407 : vector<1x16xf32> to vector<16xf32>
        %parallel_loop3A_409 = vector.shape_cast %parallel_loop3A_403 : vector<16xf32> to vector<1x16xf32>
        tpu.vector_store %arg6[%parallel_loop3A_405, %parallel_loop3A_406], %parallel_loop3A_409 {add = true, strides = array<i32>} : memref<8x1024xf32, #tpu.memory_space<vmem>>, vector<1x16xf32>,
        %parallel_loop3A_410 = arith.constant 6 : i32
        %parallel_loop3A_411 = arith.index_cast %parallel_loop3A_410 : i32 to index
        %parallel_loop3A_412 = arith.index_cast %parallel_loop3A_343 : i32 to index
        %parallel_loop3A_413 = tpu.vector_load %arg14[%parallel_loop3A_411, %parallel_loop3A_412] {strides = array<i32>} : memref<8x1024xf32, #tpu.memory_space<vmem>>, vector<1x16xf32>,
        %parallel_loop3A_414 = vector.shape_cast %parallel_loop3A_413 : vector<1x16xf32> to vector<16xf32>
        %parallel_loop3A_415 = arith.constant 6 : i32
        %parallel_loop3A_416 = arith.index_cast %parallel_loop3A_415 : i32 to index
        %parallel_loop3A_417 = arith.index_cast %parallel_loop3A_343 : i32 to index
        %parallel_loop3A_418 = tpu.vector_load %arg6[%parallel_loop3A_416, %parallel_loop3A_417] {strides = array<i32>} : memref<8x1024xf32, #tpu.memory_space<vmem>>, vector<1x16xf32>,
        %parallel_loop3A_419 = vector.shape_cast %parallel_loop3A_418 : vector<1x16xf32> to vector<16xf32>
        %parallel_loop3A_420 = vector.shape_cast %parallel_loop3A_414 : vector<16xf32> to vector<1x16xf32>
        tpu.vector_store %arg6[%parallel_loop3A_416, %parallel_loop3A_417], %parallel_loop3A_420 {add = true, strides = array<i32>} : memref<8x1024xf32, #tpu.memory_space<vmem>>, vector<1x16xf32>,
        %parallel_loop3A_421 = arith.constant 7 : i32
        %parallel_loop3A_422 = arith.index_cast %parallel_loop3A_421 : i32 to index
        %parallel_loop3A_423 = arith.index_cast %parallel_loop3A_343 : i32 to index
        %parallel_loop3A_424 = tpu.vector_load %arg14[%parallel_loop3A_422, %parallel_loop3A_423] {strides = array<i32>} : memref<8x1024xf32, #tpu.memory_space<vmem>>, vector<1x16xf32>,
        %parallel_loop3A_425 = vector.shape_cast %parallel_loop3A_424 : vector<1x16xf32> to vector<16xf32>
        %parallel_loop3A_426 = arith.constant 7 : i32
        %parallel_loop3A_427 = arith.index_cast %parallel_loop3A_426 : i32 to index
        %parallel_loop3A_428 = arith.index_cast %parallel_loop3A_343 : i32 to index
        %parallel_loop3A_429 = tpu.vector_load %arg6[%parallel_loop3A_427, %parallel_loop3A_428] {strides = array<i32>} : memref<8x1024xf32, #tpu.memory_space<vmem>>, vector<1x16xf32>,
        %parallel_loop3A_430 = vector.shape_cast %parallel_loop3A_429 : vector<1x16xf32> to vector<16xf32>
        %parallel_loop3A_431 = vector.shape_cast %parallel_loop3A_425 : vector<16xf32> to vector<1x16xf32>
        tpu.vector_store %arg6[%parallel_loop3A_427, %parallel_loop3A_428], %parallel_loop3A_431 {add = true, strides = array<i32>} : memref<8x1024xf32, #tpu.memory_space<vmem>>, vector<1x16xf32>,
      } {sc.loop_unroll_factor = 2 : i64, sc.parallel_access}
      %mul3A_246 = arith.constant 8 : i32
      %mul3A_247 = arith.muli %add3A_223, %mul3A_246 : i32
      %add3A_248 = arith.addi %mul3A_2, %mul3A_247 : i32
      %dma_start3A_249 = arith.constant 0 : i32
      %dma_start3A_250 = arith.constant 0 : i32
      %dma_start3A_251 = tpu.memref_slice %arg4[%dma_start3A_249, %add3A_248, %dma_start3A_250] : memref<4x4096x1024xf32, #tpu.memory_space<hbm>> -> memref<1x8x1024xf32, #tpu.memory_space<hbm>>
      %dma_start3A_252 = tpu.memref_squeeze %dma_start3A_251 : memref<1x8x1024xf32, #tpu.memory_space<hbm>> -> memref<8x1024xf32, #tpu.memory_space<hbm>>
      %dma_start3A_253 = arith.constant 0 : i32
      %dma_start3A_254 = tpu.memref_slice %arg4[%dma_start3A_249, %add3A_248, %dma_start3A_253] : memref<4x4096x1024xf32, #tpu.memory_space<hbm>> -> memref<1x8x1024xf32, #tpu.memory_space<hbm>>
      %dma_start3A_255 = tpu.memref_squeeze %dma_start3A_254 : memref<1x8x1024xf32, #tpu.memory_space<hbm>> -> memref<8x1024xf32, #tpu.memory_space<hbm>>
      tpu.enqueue_dma source(%arg6 : memref<8x1024xf32, #tpu.memory_space<vmem>>) target(%dma_start3A_255 : memref<8x1024xf32, #tpu.memory_space<hbm>>) target_semaphore(%arg24 : memref<!tpu.dma_semaphore, #tpu.memory_space<semaphore_mem>>)
      %add3A_256 = arith.constant 1 : i32
      %add3A_257 = arith.addi %add3A_223, %add3A_256 : i32
      %lt3A_258 = arith.constant 16 : i32
      %lt3A_259 = arith.cmpi slt, %add3A_257, %lt3A_258 : i32
      %convert_element_type3A_260 = arith.extui %lt3A_259 : i1 to i32
      %cond3A_261 = arith.constant 0 : i32
      %cond3A_262 = arith.cmpi ne, %convert_element_type3A_260, %cond3A_261 : i32
      scf.if %cond3A_262 {
        %ge3A = arith.constant 1 : i32
        %ge3A_341 = arith.cmpi sge, %add3A_223, %ge3A : i32
        %convert_element_type3A_342 = arith.extui %ge3A_341 : i1 to i32
        %cond3A_343 = arith.constant 0 : i32
        %cond3A_344 = arith.cmpi ne, %convert_element_type3A_342, %cond3A_343 : i32
        scf.if %cond3A_344 {
          %dma_wait3A_357 = arith.constant 0 : i32
          %dma_wait3A_358 = arith.constant 0 : i32
          %dma_wait3A_359 = tpu.memref_slice %arg3[%dma_wait3A_357, %dma_wait3A_358] : memref<4096x1024xf32, #tpu.memory_space<hbm>> -> memref<8x1024xf32, #tpu.memory_space<hbm>>
          %dma_wait3A_360 = arith.constant 0 : i32
          %dma_wait3A_361 = arith.constant 0 : i32
          %dma_wait3A_362 = tpu.memref_slice %arg3[%dma_wait3A_360, %dma_wait3A_361] : memref<4096x1024xf32, #tpu.memory_space<hbm>> -> memref<8x1024xf32, #tpu.memory_space<hbm>>
          tpu.wait_dma2 semaphore(%arg25 : memref<!tpu.dma_semaphore, #tpu.memory_space<semaphore_mem>>) src(%dma_wait3A_362 : memref<8x1024xf32, #tpu.memory_space<hbm>>) dst(%arg7 : memref<8x1024xf32, #tpu.memory_space<vmem>>)
        } else {
        }
        %add3A_345 = arith.constant 1 : i32
        %add3A_346 = arith.addi %add3A_223, %add3A_345 : i32
        %mul3A_347 = arith.constant 8 : i32
        %mul3A_348 = arith.muli %add3A_346, %mul3A_347 : i32
        %add3A_349 = arith.addi %mul3A_2, %mul3A_348 : i32
        %dma_start3A_350 = arith.constant 1 : i32
        %dma_start3A_351 = arith.constant 0 : i32
        %dma_start3A_352 = tpu.memref_slice %arg2[%dma_start3A_350, %add3A_349, %dma_start3A_351] : memref<4x4096x1024xf32, #tpu.memory_space<hbm>> -> memref<1x8x1024xf32, #tpu.memory_space<hbm>>
        %dma_start3A_353 = tpu.memref_squeeze %dma_start3A_352 : memref<1x8x1024xf32, #tpu.memory_space<hbm>> -> memref<8x1024xf32, #tpu.memory_space<hbm>>
        %dma_start3A_354 = arith.constant 0 : i32
        %dma_start3A_355 = tpu.memref_slice %arg2[%dma_start3A_350, %add3A_349, %dma_start3A_354] : memref<4x4096x1024xf32, #tpu.memory_space<hbm>> -> memref<1x8x1024xf32, #tpu.memory_space<hbm>>
        %dma_start3A_356 = tpu.memref_squeeze %dma_start3A_355 : memref<1x8x1024xf32, #tpu.memory_space<hbm>> -> memref<8x1024xf32, #tpu.memory_space<hbm>>
        tpu.enqueue_dma source(%dma_start3A_356 : memref<8x1024xf32, #tpu.memory_space<hbm>>) target(%arg7 : memref<8x1024xf32, #tpu.memory_space<vmem>>) target_semaphore(%arg17 : memref<!tpu.dma_semaphore, #tpu.memory_space<semaphore_mem>>)
      } else {
      }
      %dma_wait3A_263 = arith.constant 0 : i32
      %dma_wait3A_264 = arith.constant 0 : i32
      %dma_wait3A_265 = tpu.memref_slice %arg3[%dma_wait3A_263, %dma_wait3A_264] : memref<4096x1024xf32, #tpu.memory_space<hbm>> -> memref<8x1024xf32, #tpu.memory_space<hbm>>
      %dma_wait3A_266 = arith.constant 0 : i32
      %dma_wait3A_267 = arith.constant 0 : i32
      %dma_wait3A_268 = tpu.memref_slice %arg3[%dma_wait3A_266, %dma_wait3A_267] : memref<4096x1024xf32, #tpu.memory_space<hbm>> -> memref<8x1024xf32, #tpu.memory_space<hbm>>
      tpu.wait_dma2 semaphore(%arg18 : memref<!tpu.dma_semaphore, #tpu.memory_space<semaphore_mem>>) src(%dma_wait3A_268 : memref<8x1024xf32, #tpu.memory_space<hbm>>) dst(%arg8 : memref<8x1024xf32, #tpu.memory_space<vmem>>)
      %parallel_loop3A_269 = arith.constant 0 : i32
      %parallel_loop3A_270 = arith.constant 64 : i32
      %parallel_loop3A_271 = arith.constant 1 : i32
      scf.for %parallel_loop3A_341 = %parallel_loop3A_269 to %parallel_loop3A_270 step %parallel_loop3A_271  : i32 {
        %parallel_loop3A_342 = arith.constant 16 : i32
        %parallel_loop3A_343 = arith.muli %parallel_loop3A_341, %parallel_loop3A_342 : i32
        %parallel_loop3A_344 = arith.constant 0 : i32
        %parallel_loop3A_345 = arith.index_cast %parallel_loop3A_344 : i32 to index
        %parallel_loop3A_346 = arith.index_cast %parallel_loop3A_343 : i32 to index
        %parallel_loop3A_347 = tpu.vector_load %arg14[%parallel_loop3A_345, %parallel_loop3A_346] {strides = array<i32>} : memref<8x1024xf32, #tpu.memory_space<vmem>>, vector<1x16xf32>,
        %parallel_loop3A_348 = vector.shape_cast %parallel_loop3A_347 : vector<1x16xf32> to vector<16xf32>
        %parallel_loop3A_349 = arith.constant 0 : i32
        %parallel_loop3A_350 = arith.index_cast %parallel_loop3A_349 : i32 to index
        %parallel_loop3A_351 = arith.index_cast %parallel_loop3A_343 : i32 to index
        %parallel_loop3A_352 = tpu.vector_load %arg8[%parallel_loop3A_350, %parallel_loop3A_351] {strides = array<i32>} : memref<8x1024xf32, #tpu.memory_space<vmem>>, vector<1x16xf32>,
        %parallel_loop3A_353 = vector.shape_cast %parallel_loop3A_352 : vector<1x16xf32> to vector<16xf32>
        %parallel_loop3A_354 = vector.shape_cast %parallel_loop3A_348 : vector<16xf32> to vector<1x16xf32>
        tpu.vector_store %arg8[%parallel_loop3A_350, %parallel_loop3A_351], %parallel_loop3A_354 {add = true, strides = array<i32>} : memref<8x1024xf32, #tpu.memory_space<vmem>>, vector<1x16xf32>,
        %parallel_loop3A_355 = arith.constant 1 : i32
        %parallel_loop3A_356 = arith.index_cast %parallel_loop3A_355 : i32 to index
        %parallel_loop3A_357 = arith.index_cast %parallel_loop3A_343 : i32 to index
        %parallel_loop3A_358 = tpu.vector_load %arg14[%parallel_loop3A_356, %parallel_loop3A_357] {strides = array<i32>} : memref<8x1024xf32, #tpu.memory_space<vmem>>, vector<1x16xf32>,
        %parallel_loop3A_359 = vector.shape_cast %parallel_loop3A_358 : vector<1x16xf32> to vector<16xf32>
        %parallel_loop3A_360 = arith.constant 1 : i32
        %parallel_loop3A_361 = arith.index_cast %parallel_loop3A_360 : i32 to index
        %parallel_loop3A_362 = arith.index_cast %parallel_loop3A_343 : i32 to index
        %parallel_loop3A_363 = tpu.vector_load %arg8[%parallel_loop3A_361, %parallel_loop3A_362] {strides = array<i32>} : memref<8x1024xf32, #tpu.memory_space<vmem>>, vector<1x16xf32>,
        %parallel_loop3A_364 = vector.shape_cast %parallel_loop3A_363 : vector<1x16xf32> to vector<16xf32>
        %parallel_loop3A_365 = vector.shape_cast %parallel_loop3A_359 : vector<16xf32> to vector<1x16xf32>
        tpu.vector_store %arg8[%parallel_loop3A_361, %parallel_loop3A_362], %parallel_loop3A_365 {add = true, strides = array<i32>} : memref<8x1024xf32, #tpu.memory_space<vmem>>, vector<1x16xf32>,
        %parallel_loop3A_366 = arith.constant 2 : i32
        %parallel_loop3A_367 = arith.index_cast %parallel_loop3A_366 : i32 to index
        %parallel_loop3A_368 = arith.index_cast %parallel_loop3A_343 : i32 to index
        %parallel_loop3A_369 = tpu.vector_load %arg14[%parallel_loop3A_367, %parallel_loop3A_368] {strides = array<i32>} : memref<8x1024xf32, #tpu.memory_space<vmem>>, vector<1x16xf32>,
        %parallel_loop3A_370 = vector.shape_cast %parallel_loop3A_369 : vector<1x16xf32> to vector<16xf32>
        %parallel_loop3A_371 = arith.constant 2 : i32
        %parallel_loop3A_372 = arith.index_cast %parallel_loop3A_371 : i32 to index
        %parallel_loop3A_373 = arith.index_cast %parallel_loop3A_343 : i32 to index
        %parallel_loop3A_374 = tpu.vector_load %arg8[%parallel_loop3A_372, %parallel_loop3A_373] {strides = array<i32>} : memref<8x1024xf32, #tpu.memory_space<vmem>>, vector<1x16xf32>,
        %parallel_loop3A_375 = vector.shape_cast %parallel_loop3A_374 : vector<1x16xf32> to vector<16xf32>
        %parallel_loop3A_376 = vector.shape_cast %parallel_loop3A_370 : vector<16xf32> to vector<1x16xf32>
        tpu.vector_store %arg8[%parallel_loop3A_372, %parallel_loop3A_373], %parallel_loop3A_376 {add = true, strides = array<i32>} : memref<8x1024xf32, #tpu.memory_space<vmem>>, vector<1x16xf32>,
        %parallel_loop3A_377 = arith.constant 3 : i32
        %parallel_loop3A_378 = arith.index_cast %parallel_loop3A_377 : i32 to index
        %parallel_loop3A_379 = arith.index_cast %parallel_loop3A_343 : i32 to index
        %parallel_loop3A_380 = tpu.vector_load %arg14[%parallel_loop3A_378, %parallel_loop3A_379] {strides = array<i32>} : memref<8x1024xf32, #tpu.memory_space<vmem>>, vector<1x16xf32>,
        %parallel_loop3A_381 = vector.shape_cast %parallel_loop3A_380 : vector<1x16xf32> to vector<16xf32>
        %parallel_loop3A_382 = arith.constant 3 : i32
        %parallel_loop3A_383 = arith.index_cast %parallel_loop3A_382 : i32 to index
        %parallel_loop3A_384 = arith.index_cast %parallel_loop3A_343 : i32 to index
        %parallel_loop3A_385 = tpu.vector_load %arg8[%parallel_loop3A_383, %parallel_loop3A_384] {strides = array<i32>} : memref<8x1024xf32, #tpu.memory_space<vmem>>, vector<1x16xf32>,
        %parallel_loop3A_386 = vector.shape_cast %parallel_loop3A_385 : vector<1x16xf32> to vector<16xf32>
        %parallel_loop3A_387 = vector.shape_cast %parallel_loop3A_381 : vector<16xf32> to vector<1x16xf32>
        tpu.vector_store %arg8[%parallel_loop3A_383, %parallel_loop3A_384], %parallel_loop3A_387 {add = true, strides = array<i32>} : memref<8x1024xf32, #tpu.memory_space<vmem>>, vector<1x16xf32>,
        %parallel_loop3A_388 = arith.constant 4 : i32
        %parallel_loop3A_389 = arith.index_cast %parallel_loop3A_388 : i32 to index
        %parallel_loop3A_390 = arith.index_cast %parallel_loop3A_343 : i32 to index
        %parallel_loop3A_391 = tpu.vector_load %arg14[%parallel_loop3A_389, %parallel_loop3A_390] {strides = array<i32>} : memref<8x1024xf32, #tpu.memory_space<vmem>>, vector<1x16xf32>,
        %parallel_loop3A_392 = vector.shape_cast %parallel_loop3A_391 : vector<1x16xf32> to vector<16xf32>
        %parallel_loop3A_393 = arith.constant 4 : i32
        %parallel_loop3A_394 = arith.index_cast %parallel_loop3A_393 : i32 to index
        %parallel_loop3A_395 = arith.index_cast %parallel_loop3A_343 : i32 to index
        %parallel_loop3A_396 = tpu.vector_load %arg8[%parallel_loop3A_394, %parallel_loop3A_395] {strides = array<i32>} : memref<8x1024xf32, #tpu.memory_space<vmem>>, vector<1x16xf32>,
        %parallel_loop3A_397 = vector.shape_cast %parallel_loop3A_396 : vector<1x16xf32> to vector<16xf32>
        %parallel_loop3A_398 = vector.shape_cast %parallel_loop3A_392 : vector<16xf32> to vector<1x16xf32>
        tpu.vector_store %arg8[%parallel_loop3A_394, %parallel_loop3A_395], %parallel_loop3A_398 {add = true, strides = array<i32>} : memref<8x1024xf32, #tpu.memory_space<vmem>>, vector<1x16xf32>,
        %parallel_loop3A_399 = arith.constant 5 : i32
        %parallel_loop3A_400 = arith.index_cast %parallel_loop3A_399 : i32 to index
        %parallel_loop3A_401 = arith.index_cast %parallel_loop3A_343 : i32 to index
        %parallel_loop3A_402 = tpu.vector_load %arg14[%parallel_loop3A_400, %parallel_loop3A_401] {strides = array<i32>} : memref<8x1024xf32, #tpu.memory_space<vmem>>, vector<1x16xf32>,
        %parallel_loop3A_403 = vector.shape_cast %parallel_loop3A_402 : vector<1x16xf32> to vector<16xf32>
        %parallel_loop3A_404 = arith.constant 5 : i32
        %parallel_loop3A_405 = arith.index_cast %parallel_loop3A_404 : i32 to index
        %parallel_loop3A_406 = arith.index_cast %parallel_loop3A_343 : i32 to index
        %parallel_loop3A_407 = tpu.vector_load %arg8[%parallel_loop3A_405, %parallel_loop3A_406] {strides = array<i32>} : memref<8x1024xf32, #tpu.memory_space<vmem>>, vector<1x16xf32>,
        %parallel_loop3A_408 = vector.shape_cast %parallel_loop3A_407 : vector<1x16xf32> to vector<16xf32>
        %parallel_loop3A_409 = vector.shape_cast %parallel_loop3A_403 : vector<16xf32> to vector<1x16xf32>
        tpu.vector_store %arg8[%parallel_loop3A_405, %parallel_loop3A_406], %parallel_loop3A_409 {add = true, strides = array<i32>} : memref<8x1024xf32, #tpu.memory_space<vmem>>, vector<1x16xf32>,
        %parallel_loop3A_410 = arith.constant 6 : i32
        %parallel_loop3A_411 = arith.index_cast %parallel_loop3A_410 : i32 to index
        %parallel_loop3A_412 = arith.index_cast %parallel_loop3A_343 : i32 to index
        %parallel_loop3A_413 = tpu.vector_load %arg14[%parallel_loop3A_411, %parallel_loop3A_412] {strides = array<i32>} : memref<8x1024xf32, #tpu.memory_space<vmem>>, vector<1x16xf32>,
        %parallel_loop3A_414 = vector.shape_cast %parallel_loop3A_413 : vector<1x16xf32> to vector<16xf32>
        %parallel_loop3A_415 = arith.constant 6 : i32
        %parallel_loop3A_416 = arith.index_cast %parallel_loop3A_415 : i32 to index
        %parallel_loop3A_417 = arith.index_cast %parallel_loop3A_343 : i32 to index
        %parallel_loop3A_418 = tpu.vector_load %arg8[%parallel_loop3A_416, %parallel_loop3A_417] {strides = array<i32>} : memref<8x1024xf32, #tpu.memory_space<vmem>>, vector<1x16xf32>,
        %parallel_loop3A_419 = vector.shape_cast %parallel_loop3A_418 : vector<1x16xf32> to vector<16xf32>
        %parallel_loop3A_420 = vector.shape_cast %parallel_loop3A_414 : vector<16xf32> to vector<1x16xf32>
        tpu.vector_store %arg8[%parallel_loop3A_416, %parallel_loop3A_417], %parallel_loop3A_420 {add = true, strides = array<i32>} : memref<8x1024xf32, #tpu.memory_space<vmem>>, vector<1x16xf32>,
        %parallel_loop3A_421 = arith.constant 7 : i32
        %parallel_loop3A_422 = arith.index_cast %parallel_loop3A_421 : i32 to index
        %parallel_loop3A_423 = arith.index_cast %parallel_loop3A_343 : i32 to index
        %parallel_loop3A_424 = tpu.vector_load %arg14[%parallel_loop3A_422, %parallel_loop3A_423] {strides = array<i32>} : memref<8x1024xf32, #tpu.memory_space<vmem>>, vector<1x16xf32>,
        %parallel_loop3A_425 = vector.shape_cast %parallel_loop3A_424 : vector<1x16xf32> to vector<16xf32>
        %parallel_loop3A_426 = arith.constant 7 : i32
        %parallel_loop3A_427 = arith.index_cast %parallel_loop3A_426 : i32 to index
        %parallel_loop3A_428 = arith.index_cast %parallel_loop3A_343 : i32 to index
        %parallel_loop3A_429 = tpu.vector_load %arg8[%parallel_loop3A_427, %parallel_loop3A_428] {strides = array<i32>} : memref<8x1024xf32, #tpu.memory_space<vmem>>, vector<1x16xf32>,
        %parallel_loop3A_430 = vector.shape_cast %parallel_loop3A_429 : vector<1x16xf32> to vector<16xf32>
        %parallel_loop3A_431 = vector.shape_cast %parallel_loop3A_425 : vector<16xf32> to vector<1x16xf32>
        tpu.vector_store %arg8[%parallel_loop3A_427, %parallel_loop3A_428], %parallel_loop3A_431 {add = true, strides = array<i32>} : memref<8x1024xf32, #tpu.memory_space<vmem>>, vector<1x16xf32>,
      } {sc.loop_unroll_factor = 2 : i64, sc.parallel_access}
      %mul3A_272 = arith.constant 8 : i32
      %mul3A_273 = arith.muli %add3A_223, %mul3A_272 : i32
      %add3A_274 = arith.addi %mul3A_2, %mul3A_273 : i32
      %dma_start3A_275 = arith.constant 1 : i32
      %dma_start3A_276 = arith.constant 0 : i32
      %dma_start3A_277 = tpu.memref_slice %arg4[%dma_start3A_275, %add3A_274, %dma_start3A_276] : memref<4x4096x1024xf32, #tpu.memory_space<hbm>> -> memref<1x8x1024xf32, #tpu.memory_space<hbm>>
      %dma_start3A_278 = tpu.memref_squeeze %dma_start3A_277 : memref<1x8x1024xf32, #tpu.memory_space<hbm>> -> memref<8x1024xf32, #tpu.memory_space<hbm>>
      %dma_start3A_279 = arith.constant 0 : i32
      %dma_start3A_280 = tpu.memref_slice %arg4[%dma_start3A_275, %add3A_274, %dma_start3A_279] : memref<4x4096x1024xf32, #tpu.memory_space<hbm>> -> memref<1x8x1024xf32, #tpu.memory_space<hbm>>
      %dma_start3A_281 = tpu.memref_squeeze %dma_start3A_280 : memref<1x8x1024xf32, #tpu.memory_space<hbm>> -> memref<8x1024xf32, #tpu.memory_space<hbm>>
      tpu.enqueue_dma source(%arg8 : memref<8x1024xf32, #tpu.memory_space<vmem>>) target(%dma_start3A_281 : memref<8x1024xf32, #tpu.memory_space<hbm>>) target_semaphore(%arg26 : memref<!tpu.dma_semaphore, #tpu.memory_space<semaphore_mem>>)
      %add3A_282 = arith.constant 1 : i32
      %add3A_283 = arith.addi %add3A_223, %add3A_282 : i32
      %lt3A_284 = arith.constant 16 : i32
      %lt3A_285 = arith.cmpi slt, %add3A_283, %lt3A_284 : i32
      %convert_element_type3A_286 = arith.extui %lt3A_285 : i1 to i32
      %cond3A_287 = arith.constant 0 : i32
      %cond3A_288 = arith.cmpi ne, %convert_element_type3A_286, %cond3A_287 : i32
      scf.if %cond3A_288 {
        %ge3A = arith.constant 1 : i32
        %ge3A_341 = arith.cmpi sge, %add3A_223, %ge3A : i32
        %convert_element_type3A_342 = arith.extui %ge3A_341 : i1 to i32
        %cond3A_343 = arith.constant 0 : i32
        %cond3A_344 = arith.cmpi ne, %convert_element_type3A_342, %cond3A_343 : i32
        scf.if %cond3A_344 {
          %dma_wait3A_357 = arith.constant 0 : i32
          %dma_wait3A_358 = arith.constant 0 : i32
          %dma_wait3A_359 = tpu.memref_slice %arg3[%dma_wait3A_357, %dma_wait3A_358] : memref<4096x1024xf32, #tpu.memory_space<hbm>> -> memref<8x1024xf32, #tpu.memory_space<hbm>>
          %dma_wait3A_360 = arith.constant 0 : i32
          %dma_wait3A_361 = arith.constant 0 : i32
          %dma_wait3A_362 = tpu.memref_slice %arg3[%dma_wait3A_360, %dma_wait3A_361] : memref<4096x1024xf32, #tpu.memory_space<hbm>> -> memref<8x1024xf32, #tpu.memory_space<hbm>>
          tpu.wait_dma2 semaphore(%arg27 : memref<!tpu.dma_semaphore, #tpu.memory_space<semaphore_mem>>) src(%dma_wait3A_362 : memref<8x1024xf32, #tpu.memory_space<hbm>>) dst(%arg9 : memref<8x1024xf32, #tpu.memory_space<vmem>>)
        } else {
        }
        %add3A_345 = arith.constant 1 : i32
        %add3A_346 = arith.addi %add3A_223, %add3A_345 : i32
        %mul3A_347 = arith.constant 8 : i32
        %mul3A_348 = arith.muli %add3A_346, %mul3A_347 : i32
        %add3A_349 = arith.addi %mul3A_2, %mul3A_348 : i32
        %dma_start3A_350 = arith.constant 2 : i32
        %dma_start3A_351 = arith.constant 0 : i32
        %dma_start3A_352 = tpu.memref_slice %arg2[%dma_start3A_350, %add3A_349, %dma_start3A_351] : memref<4x4096x1024xf32, #tpu.memory_space<hbm>> -> memref<1x8x1024xf32, #tpu.memory_space<hbm>>
        %dma_start3A_353 = tpu.memref_squeeze %dma_start3A_352 : memref<1x8x1024xf32, #tpu.memory_space<hbm>> -> memref<8x1024xf32, #tpu.memory_space<hbm>>
        %dma_start3A_354 = arith.constant 0 : i32
        %dma_start3A_355 = tpu.memref_slice %arg2[%dma_start3A_350, %add3A_349, %dma_start3A_354] : memref<4x4096x1024xf32, #tpu.memory_space<hbm>> -> memref<1x8x1024xf32, #tpu.memory_space<hbm>>
        %dma_start3A_356 = tpu.memref_squeeze %dma_start3A_355 : memref<1x8x1024xf32, #tpu.memory_space<hbm>> -> memref<8x1024xf32, #tpu.memory_space<hbm>>
        tpu.enqueue_dma source(%dma_start3A_356 : memref<8x1024xf32, #tpu.memory_space<hbm>>) target(%arg9 : memref<8x1024xf32, #tpu.memory_space<vmem>>) target_semaphore(%arg19 : memref<!tpu.dma_semaphore, #tpu.memory_space<semaphore_mem>>)
      } else {
      }
      %dma_wait3A_289 = arith.constant 0 : i32
      %dma_wait3A_290 = arith.constant 0 : i32
      %dma_wait3A_291 = tpu.memref_slice %arg3[%dma_wait3A_289, %dma_wait3A_290] : memref<4096x1024xf32, #tpu.memory_space<hbm>> -> memref<8x1024xf32, #tpu.memory_space<hbm>>
      %dma_wait3A_292 = arith.constant 0 : i32
      %dma_wait3A_293 = arith.constant 0 : i32
      %dma_wait3A_294 = tpu.memref_slice %arg3[%dma_wait3A_292, %dma_wait3A_293] : memref<4096x1024xf32, #tpu.memory_space<hbm>> -> memref<8x1024xf32, #tpu.memory_space<hbm>>
      tpu.wait_dma2 semaphore(%arg20 : memref<!tpu.dma_semaphore, #tpu.memory_space<semaphore_mem>>) src(%dma_wait3A_294 : memref<8x1024xf32, #tpu.memory_space<hbm>>) dst(%arg10 : memref<8x1024xf32, #tpu.memory_space<vmem>>)
      %parallel_loop3A_295 = arith.constant 0 : i32
      %parallel_loop3A_296 = arith.constant 64 : i32
      %parallel_loop3A_297 = arith.constant 1 : i32
      scf.for %parallel_loop3A_341 = %parallel_loop3A_295 to %parallel_loop3A_296 step %parallel_loop3A_297  : i32 {
        %parallel_loop3A_342 = arith.constant 16 : i32
        %parallel_loop3A_343 = arith.muli %parallel_loop3A_341, %parallel_loop3A_342 : i32
        %parallel_loop3A_344 = arith.constant 0 : i32
        %parallel_loop3A_345 = arith.index_cast %parallel_loop3A_344 : i32 to index
        %parallel_loop3A_346 = arith.index_cast %parallel_loop3A_343 : i32 to index
        %parallel_loop3A_347 = tpu.vector_load %arg14[%parallel_loop3A_345, %parallel_loop3A_346] {strides = array<i32>} : memref<8x1024xf32, #tpu.memory_space<vmem>>, vector<1x16xf32>,
        %parallel_loop3A_348 = vector.shape_cast %parallel_loop3A_347 : vector<1x16xf32> to vector<16xf32>
        %parallel_loop3A_349 = arith.constant 0 : i32
        %parallel_loop3A_350 = arith.index_cast %parallel_loop3A_349 : i32 to index
        %parallel_loop3A_351 = arith.index_cast %parallel_loop3A_343 : i32 to index
        %parallel_loop3A_352 = tpu.vector_load %arg10[%parallel_loop3A_350, %parallel_loop3A_351] {strides = array<i32>} : memref<8x1024xf32, #tpu.memory_space<vmem>>, vector<1x16xf32>,
        %parallel_loop3A_353 = vector.shape_cast %parallel_loop3A_352 : vector<1x16xf32> to vector<16xf32>
        %parallel_loop3A_354 = vector.shape_cast %parallel_loop3A_348 : vector<16xf32> to vector<1x16xf32>
        tpu.vector_store %arg10[%parallel_loop3A_350, %parallel_loop3A_351], %parallel_loop3A_354 {add = true, strides = array<i32>} : memref<8x1024xf32, #tpu.memory_space<vmem>>, vector<1x16xf32>,
        %parallel_loop3A_355 = arith.constant 1 : i32
        %parallel_loop3A_356 = arith.index_cast %parallel_loop3A_355 : i32 to index
        %parallel_loop3A_357 = arith.index_cast %parallel_loop3A_343 : i32 to index
        %parallel_loop3A_358 = tpu.vector_load %arg14[%parallel_loop3A_356, %parallel_loop3A_357] {strides = array<i32>} : memref<8x1024xf32, #tpu.memory_space<vmem>>, vector<1x16xf32>,
        %parallel_loop3A_359 = vector.shape_cast %parallel_loop3A_358 : vector<1x16xf32> to vector<16xf32>
        %parallel_loop3A_360 = arith.constant 1 : i32
        %parallel_loop3A_361 = arith.index_cast %parallel_loop3A_360 : i32 to index
        %parallel_loop3A_362 = arith.index_cast %parallel_loop3A_343 : i32 to index
        %parallel_loop3A_363 = tpu.vector_load %arg10[%parallel_loop3A_361, %parallel_loop3A_362] {strides = array<i32>} : memref<8x1024xf32, #tpu.memory_space<vmem>>, vector<1x16xf32>,
        %parallel_loop3A_364 = vector.shape_cast %parallel_loop3A_363 : vector<1x16xf32> to vector<16xf32>
        %parallel_loop3A_365 = vector.shape_cast %parallel_loop3A_359 : vector<16xf32> to vector<1x16xf32>
        tpu.vector_store %arg10[%parallel_loop3A_361, %parallel_loop3A_362], %parallel_loop3A_365 {add = true, strides = array<i32>} : memref<8x1024xf32, #tpu.memory_space<vmem>>, vector<1x16xf32>,
        %parallel_loop3A_366 = arith.constant 2 : i32
        %parallel_loop3A_367 = arith.index_cast %parallel_loop3A_366 : i32 to index
        %parallel_loop3A_368 = arith.index_cast %parallel_loop3A_343 : i32 to index
        %parallel_loop3A_369 = tpu.vector_load %arg14[%parallel_loop3A_367, %parallel_loop3A_368] {strides = array<i32>} : memref<8x1024xf32, #tpu.memory_space<vmem>>, vector<1x16xf32>,
        %parallel_loop3A_370 = vector.shape_cast %parallel_loop3A_369 : vector<1x16xf32> to vector<16xf32>
        %parallel_loop3A_371 = arith.constant 2 : i32
        %parallel_loop3A_372 = arith.index_cast %parallel_loop3A_371 : i32 to index
        %parallel_loop3A_373 = arith.index_cast %parallel_loop3A_343 : i32 to index
        %parallel_loop3A_374 = tpu.vector_load %arg10[%parallel_loop3A_372, %parallel_loop3A_373] {strides = array<i32>} : memref<8x1024xf32, #tpu.memory_space<vmem>>, vector<1x16xf32>,
        %parallel_loop3A_375 = vector.shape_cast %parallel_loop3A_374 : vector<1x16xf32> to vector<16xf32>
        %parallel_loop3A_376 = vector.shape_cast %parallel_loop3A_370 : vector<16xf32> to vector<1x16xf32>
        tpu.vector_store %arg10[%parallel_loop3A_372, %parallel_loop3A_373], %parallel_loop3A_376 {add = true, strides = array<i32>} : memref<8x1024xf32, #tpu.memory_space<vmem>>, vector<1x16xf32>,
        %parallel_loop3A_377 = arith.constant 3 : i32
        %parallel_loop3A_378 = arith.index_cast %parallel_loop3A_377 : i32 to index
        %parallel_loop3A_379 = arith.index_cast %parallel_loop3A_343 : i32 to index
        %parallel_loop3A_380 = tpu.vector_load %arg14[%parallel_loop3A_378, %parallel_loop3A_379] {strides = array<i32>} : memref<8x1024xf32, #tpu.memory_space<vmem>>, vector<1x16xf32>,
        %parallel_loop3A_381 = vector.shape_cast %parallel_loop3A_380 : vector<1x16xf32> to vector<16xf32>
        %parallel_loop3A_382 = arith.constant 3 : i32
        %parallel_loop3A_383 = arith.index_cast %parallel_loop3A_382 : i32 to index
        %parallel_loop3A_384 = arith.index_cast %parallel_loop3A_343 : i32 to index
        %parallel_loop3A_385 = tpu.vector_load %arg10[%parallel_loop3A_383, %parallel_loop3A_384] {strides = array<i32>} : memref<8x1024xf32, #tpu.memory_space<vmem>>, vector<1x16xf32>,
        %parallel_loop3A_386 = vector.shape_cast %parallel_loop3A_385 : vector<1x16xf32> to vector<16xf32>
        %parallel_loop3A_387 = vector.shape_cast %parallel_loop3A_381 : vector<16xf32> to vector<1x16xf32>
        tpu.vector_store %arg10[%parallel_loop3A_383, %parallel_loop3A_384], %parallel_loop3A_387 {add = true, strides = array<i32>} : memref<8x1024xf32, #tpu.memory_space<vmem>>, vector<1x16xf32>,
        %parallel_loop3A_388 = arith.constant 4 : i32
        %parallel_loop3A_389 = arith.index_cast %parallel_loop3A_388 : i32 to index
        %parallel_loop3A_390 = arith.index_cast %parallel_loop3A_343 : i32 to index
        %parallel_loop3A_391 = tpu.vector_load %arg14[%parallel_loop3A_389, %parallel_loop3A_390] {strides = array<i32>} : memref<8x1024xf32, #tpu.memory_space<vmem>>, vector<1x16xf32>,
        %parallel_loop3A_392 = vector.shape_cast %parallel_loop3A_391 : vector<1x16xf32> to vector<16xf32>
        %parallel_loop3A_393 = arith.constant 4 : i32
        %parallel_loop3A_394 = arith.index_cast %parallel_loop3A_393 : i32 to index
        %parallel_loop3A_395 = arith.index_cast %parallel_loop3A_343 : i32 to index
        %parallel_loop3A_396 = tpu.vector_load %arg10[%parallel_loop3A_394, %parallel_loop3A_395] {strides = array<i32>} : memref<8x1024xf32, #tpu.memory_space<vmem>>, vector<1x16xf32>,
        %parallel_loop3A_397 = vector.shape_cast %parallel_loop3A_396 : vector<1x16xf32> to vector<16xf32>
        %parallel_loop3A_398 = vector.shape_cast %parallel_loop3A_392 : vector<16xf32> to vector<1x16xf32>
        tpu.vector_store %arg10[%parallel_loop3A_394, %parallel_loop3A_395], %parallel_loop3A_398 {add = true, strides = array<i32>} : memref<8x1024xf32, #tpu.memory_space<vmem>>, vector<1x16xf32>,
        %parallel_loop3A_399 = arith.constant 5 : i32
        %parallel_loop3A_400 = arith.index_cast %parallel_loop3A_399 : i32 to index
        %parallel_loop3A_401 = arith.index_cast %parallel_loop3A_343 : i32 to index
        %parallel_loop3A_402 = tpu.vector_load %arg14[%parallel_loop3A_400, %parallel_loop3A_401] {strides = array<i32>} : memref<8x1024xf32, #tpu.memory_space<vmem>>, vector<1x16xf32>,
        %parallel_loop3A_403 = vector.shape_cast %parallel_loop3A_402 : vector<1x16xf32> to vector<16xf32>
        %parallel_loop3A_404 = arith.constant 5 : i32
        %parallel_loop3A_405 = arith.index_cast %parallel_loop3A_404 : i32 to index
        %parallel_loop3A_406 = arith.index_cast %parallel_loop3A_343 : i32 to index
        %parallel_loop3A_407 = tpu.vector_load %arg10[%parallel_loop3A_405, %parallel_loop3A_406] {strides = array<i32>} : memref<8x1024xf32, #tpu.memory_space<vmem>>, vector<1x16xf32>,
        %parallel_loop3A_408 = vector.shape_cast %parallel_loop3A_407 : vector<1x16xf32> to vector<16xf32>
        %parallel_loop3A_409 = vector.shape_cast %parallel_loop3A_403 : vector<16xf32> to vector<1x16xf32>
        tpu.vector_store %arg10[%parallel_loop3A_405, %parallel_loop3A_406], %parallel_loop3A_409 {add = true, strides = array<i32>} : memref<8x1024xf32, #tpu.memory_space<vmem>>, vector<1x16xf32>,
        %parallel_loop3A_410 = arith.constant 6 : i32
        %parallel_loop3A_411 = arith.index_cast %parallel_loop3A_410 : i32 to index
        %parallel_loop3A_412 = arith.index_cast %parallel_loop3A_343 : i32 to index
        %parallel_loop3A_413 = tpu.vector_load %arg14[%parallel_loop3A_411, %parallel_loop3A_412] {strides = array<i32>} : memref<8x1024xf32, #tpu.memory_space<vmem>>, vector<1x16xf32>,
        %parallel_loop3A_414 = vector.shape_cast %parallel_loop3A_413 : vector<1x16xf32> to vector<16xf32>
        %parallel_loop3A_415 = arith.constant 6 : i32
        %parallel_loop3A_416 = arith.index_cast %parallel_loop3A_415 : i32 to index
        %parallel_loop3A_417 = arith.index_cast %parallel_loop3A_343 : i32 to index
        %parallel_loop3A_418 = tpu.vector_load %arg10[%parallel_loop3A_416, %parallel_loop3A_417] {strides = array<i32>} : memref<8x1024xf32, #tpu.memory_space<vmem>>, vector<1x16xf32>,
        %parallel_loop3A_419 = vector.shape_cast %parallel_loop3A_418 : vector<1x16xf32> to vector<16xf32>
        %parallel_loop3A_420 = vector.shape_cast %parallel_loop3A_414 : vector<16xf32> to vector<1x16xf32>
        tpu.vector_store %arg10[%parallel_loop3A_416, %parallel_loop3A_417], %parallel_loop3A_420 {add = true, strides = array<i32>} : memref<8x1024xf32, #tpu.memory_space<vmem>>, vector<1x16xf32>,
        %parallel_loop3A_421 = arith.constant 7 : i32
        %parallel_loop3A_422 = arith.index_cast %parallel_loop3A_421 : i32 to index
        %parallel_loop3A_423 = arith.index_cast %parallel_loop3A_343 : i32 to index
        %parallel_loop3A_424 = tpu.vector_load %arg14[%parallel_loop3A_422, %parallel_loop3A_423] {strides = array<i32>} : memref<8x1024xf32, #tpu.memory_space<vmem>>, vector<1x16xf32>,
        %parallel_loop3A_425 = vector.shape_cast %parallel_loop3A_424 : vector<1x16xf32> to vector<16xf32>
        %parallel_loop3A_426 = arith.constant 7 : i32
        %parallel_loop3A_427 = arith.index_cast %parallel_loop3A_426 : i32 to index
        %parallel_loop3A_428 = arith.index_cast %parallel_loop3A_343 : i32 to index
        %parallel_loop3A_429 = tpu.vector_load %arg10[%parallel_loop3A_427, %parallel_loop3A_428] {strides = array<i32>} : memref<8x1024xf32, #tpu.memory_space<vmem>>, vector<1x16xf32>,
        %parallel_loop3A_430 = vector.shape_cast %parallel_loop3A_429 : vector<1x16xf32> to vector<16xf32>
        %parallel_loop3A_431 = vector.shape_cast %parallel_loop3A_425 : vector<16xf32> to vector<1x16xf32>
        tpu.vector_store %arg10[%parallel_loop3A_427, %parallel_loop3A_428], %parallel_loop3A_431 {add = true, strides = array<i32>} : memref<8x1024xf32, #tpu.memory_space<vmem>>, vector<1x16xf32>,
      } {sc.loop_unroll_factor = 2 : i64, sc.parallel_access}
      %mul3A_298 = arith.constant 8 : i32
      %mul3A_299 = arith.muli %add3A_223, %mul3A_298 : i32
      %add3A_300 = arith.addi %mul3A_2, %mul3A_299 : i32
      %dma_start3A_301 = arith.constant 2 : i32
      %dma_start3A_302 = arith.constant 0 : i32
      %dma_start3A_303 = tpu.memref_slice %arg4[%dma_start3A_301, %add3A_300, %dma_start3A_302] : memref<4x4096x1024xf32, #tpu.memory_space<hbm>> -> memref<1x8x1024xf32, #tpu.memory_space<hbm>>
      %dma_start3A_304 = tpu.memref_squeeze %dma_start3A_303 : memref<1x8x1024xf32, #tpu.memory_space<hbm>> -> memref<8x1024xf32, #tpu.memory_space<hbm>>
      %dma_start3A_305 = arith.constant 0 : i32
      %dma_start3A_306 = tpu.memref_slice %arg4[%dma_start3A_301, %add3A_300, %dma_start3A_305] : memref<4x4096x1024xf32, #tpu.memory_space<hbm>> -> memref<1x8x1024xf32, #tpu.memory_space<hbm>>
      %dma_start3A_307 = tpu.memref_squeeze %dma_start3A_306 : memref<1x8x1024xf32, #tpu.memory_space<hbm>> -> memref<8x1024xf32, #tpu.memory_space<hbm>>
      tpu.enqueue_dma source(%arg10 : memref<8x1024xf32, #tpu.memory_space<vmem>>) target(%dma_start3A_307 : memref<8x1024xf32, #tpu.memory_space<hbm>>) target_semaphore(%arg28 : memref<!tpu.dma_semaphore, #tpu.memory_space<semaphore_mem>>)
      %add3A_308 = arith.constant 1 : i32
      %add3A_309 = arith.addi %add3A_223, %add3A_308 : i32
      %lt3A_310 = arith.constant 16 : i32
      %lt3A_311 = arith.cmpi slt, %add3A_309, %lt3A_310 : i32
      %convert_element_type3A_312 = arith.extui %lt3A_311 : i1 to i32
      %cond3A_313 = arith.constant 0 : i32
      %cond3A_314 = arith.cmpi ne, %convert_element_type3A_312, %cond3A_313 : i32
      scf.if %cond3A_314 {
        %ge3A = arith.constant 1 : i32
        %ge3A_341 = arith.cmpi sge, %add3A_223, %ge3A : i32
        %convert_element_type3A_342 = arith.extui %ge3A_341 : i1 to i32
        %cond3A_343 = arith.constant 0 : i32
        %cond3A_344 = arith.cmpi ne, %convert_element_type3A_342, %cond3A_343 : i32
        scf.if %cond3A_344 {
          %dma_wait3A_357 = arith.constant 0 : i32
          %dma_wait3A_358 = arith.constant 0 : i32
          %dma_wait3A_359 = tpu.memref_slice %arg3[%dma_wait3A_357, %dma_wait3A_358] : memref<4096x1024xf32, #tpu.memory_space<hbm>> -> memref<8x1024xf32, #tpu.memory_space<hbm>>
          %dma_wait3A_360 = arith.constant 0 : i32
          %dma_wait3A_361 = arith.constant 0 : i32
          %dma_wait3A_362 = tpu.memref_slice %arg3[%dma_wait3A_360, %dma_wait3A_361] : memref<4096x1024xf32, #tpu.memory_space<hbm>> -> memref<8x1024xf32, #tpu.memory_space<hbm>>
          tpu.wait_dma2 semaphore(%arg29 : memref<!tpu.dma_semaphore, #tpu.memory_space<semaphore_mem>>) src(%dma_wait3A_362 : memref<8x1024xf32, #tpu.memory_space<hbm>>) dst(%arg11 : memref<8x1024xf32, #tpu.memory_space<vmem>>)
        } else {
        }
        %add3A_345 = arith.constant 1 : i32
        %add3A_346 = arith.addi %add3A_223, %add3A_345 : i32
        %mul3A_347 = arith.constant 8 : i32
        %mul3A_348 = arith.muli %add3A_346, %mul3A_347 : i32
        %add3A_349 = arith.addi %mul3A_2, %mul3A_348 : i32
        %dma_start3A_350 = arith.constant 3 : i32
        %dma_start3A_351 = arith.constant 0 : i32
        %dma_start3A_352 = tpu.memref_slice %arg2[%dma_start3A_350, %add3A_349, %dma_start3A_351] : memref<4x4096x1024xf32, #tpu.memory_space<hbm>> -> memref<1x8x1024xf32, #tpu.memory_space<hbm>>
        %dma_start3A_353 = tpu.memref_squeeze %dma_start3A_352 : memref<1x8x1024xf32, #tpu.memory_space<hbm>> -> memref<8x1024xf32, #tpu.memory_space<hbm>>
        %dma_start3A_354 = arith.constant 0 : i32
        %dma_start3A_355 = tpu.memref_slice %arg2[%dma_start3A_350, %add3A_349, %dma_start3A_354] : memref<4x4096x1024xf32, #tpu.memory_space<hbm>> -> memref<1x8x1024xf32, #tpu.memory_space<hbm>>
        %dma_start3A_356 = tpu.memref_squeeze %dma_start3A_355 : memref<1x8x1024xf32, #tpu.memory_space<hbm>> -> memref<8x1024xf32, #tpu.memory_space<hbm>>
        tpu.enqueue_dma source(%dma_start3A_356 : memref<8x1024xf32, #tpu.memory_space<hbm>>) target(%arg11 : memref<8x1024xf32, #tpu.memory_space<vmem>>) target_semaphore(%arg21 : memref<!tpu.dma_semaphore, #tpu.memory_space<semaphore_mem>>)
      } else {
      }
      %dma_wait3A_315 = arith.constant 0 : i32
      %dma_wait3A_316 = arith.constant 0 : i32
      %dma_wait3A_317 = tpu.memref_slice %arg3[%dma_wait3A_315, %dma_wait3A_316] : memref<4096x1024xf32, #tpu.memory_space<hbm>> -> memref<8x1024xf32, #tpu.memory_space<hbm>>
      %dma_wait3A_318 = arith.constant 0 : i32
      %dma_wait3A_319 = arith.constant 0 : i32
      %dma_wait3A_320 = tpu.memref_slice %arg3[%dma_wait3A_318, %dma_wait3A_319] : memref<4096x1024xf32, #tpu.memory_space<hbm>> -> memref<8x1024xf32, #tpu.memory_space<hbm>>
      tpu.wait_dma2 semaphore(%arg22 : memref<!tpu.dma_semaphore, #tpu.memory_space<semaphore_mem>>) src(%dma_wait3A_320 : memref<8x1024xf32, #tpu.memory_space<hbm>>) dst(%arg12 : memref<8x1024xf32, #tpu.memory_space<vmem>>)
      %parallel_loop3A_321 = arith.constant 0 : i32
      %parallel_loop3A_322 = arith.constant 64 : i32
      %parallel_loop3A_323 = arith.constant 1 : i32
      scf.for %parallel_loop3A_341 = %parallel_loop3A_321 to %parallel_loop3A_322 step %parallel_loop3A_323  : i32 {
        %parallel_loop3A_342 = arith.constant 16 : i32
        %parallel_loop3A_343 = arith.muli %parallel_loop3A_341, %parallel_loop3A_342 : i32
        %parallel_loop3A_344 = arith.constant 0 : i32
        %parallel_loop3A_345 = arith.index_cast %parallel_loop3A_344 : i32 to index
        %parallel_loop3A_346 = arith.index_cast %parallel_loop3A_343 : i32 to index
        %parallel_loop3A_347 = tpu.vector_load %arg14[%parallel_loop3A_345, %parallel_loop3A_346] {strides = array<i32>} : memref<8x1024xf32, #tpu.memory_space<vmem>>, vector<1x16xf32>,
        %parallel_loop3A_348 = vector.shape_cast %parallel_loop3A_347 : vector<1x16xf32> to vector<16xf32>
        %parallel_loop3A_349 = arith.constant 0 : i32
        %parallel_loop3A_350 = arith.index_cast %parallel_loop3A_349 : i32 to index
        %parallel_loop3A_351 = arith.index_cast %parallel_loop3A_343 : i32 to index
        %parallel_loop3A_352 = tpu.vector_load %arg12[%parallel_loop3A_350, %parallel_loop3A_351] {strides = array<i32>} : memref<8x1024xf32, #tpu.memory_space<vmem>>, vector<1x16xf32>,
        %parallel_loop3A_353 = vector.shape_cast %parallel_loop3A_352 : vector<1x16xf32> to vector<16xf32>
        %parallel_loop3A_354 = vector.shape_cast %parallel_loop3A_348 : vector<16xf32> to vector<1x16xf32>
        tpu.vector_store %arg12[%parallel_loop3A_350, %parallel_loop3A_351], %parallel_loop3A_354 {add = true, strides = array<i32>} : memref<8x1024xf32, #tpu.memory_space<vmem>>, vector<1x16xf32>,
        %parallel_loop3A_355 = arith.constant 1 : i32
        %parallel_loop3A_356 = arith.index_cast %parallel_loop3A_355 : i32 to index
        %parallel_loop3A_357 = arith.index_cast %parallel_loop3A_343 : i32 to index
        %parallel_loop3A_358 = tpu.vector_load %arg14[%parallel_loop3A_356, %parallel_loop3A_357] {strides = array<i32>} : memref<8x1024xf32, #tpu.memory_space<vmem>>, vector<1x16xf32>,
        %parallel_loop3A_359 = vector.shape_cast %parallel_loop3A_358 : vector<1x16xf32> to vector<16xf32>
        %parallel_loop3A_360 = arith.constant 1 : i32
        %parallel_loop3A_361 = arith.index_cast %parallel_loop3A_360 : i32 to index
        %parallel_loop3A_362 = arith.index_cast %parallel_loop3A_343 : i32 to index
        %parallel_loop3A_363 = tpu.vector_load %arg12[%parallel_loop3A_361, %parallel_loop3A_362] {strides = array<i32>} : memref<8x1024xf32, #tpu.memory_space<vmem>>, vector<1x16xf32>,
        %parallel_loop3A_364 = vector.shape_cast %parallel_loop3A_363 : vector<1x16xf32> to vector<16xf32>
        %parallel_loop3A_365 = vector.shape_cast %parallel_loop3A_359 : vector<16xf32> to vector<1x16xf32>
        tpu.vector_store %arg12[%parallel_loop3A_361, %parallel_loop3A_362], %parallel_loop3A_365 {add = true, strides = array<i32>} : memref<8x1024xf32, #tpu.memory_space<vmem>>, vector<1x16xf32>,
        %parallel_loop3A_366 = arith.constant 2 : i32
        %parallel_loop3A_367 = arith.index_cast %parallel_loop3A_366 : i32 to index
        %parallel_loop3A_368 = arith.index_cast %parallel_loop3A_343 : i32 to index
        %parallel_loop3A_369 = tpu.vector_load %arg14[%parallel_loop3A_367, %parallel_loop3A_368] {strides = array<i32>} : memref<8x1024xf32, #tpu.memory_space<vmem>>, vector<1x16xf32>,
        %parallel_loop3A_370 = vector.shape_cast %parallel_loop3A_369 : vector<1x16xf32> to vector<16xf32>
        %parallel_loop3A_371 = arith.constant 2 : i32
        %parallel_loop3A_372 = arith.index_cast %parallel_loop3A_371 : i32 to index
        %parallel_loop3A_373 = arith.index_cast %parallel_loop3A_343 : i32 to index
        %parallel_loop3A_374 = tpu.vector_load %arg12[%parallel_loop3A_372, %parallel_loop3A_373] {strides = array<i32>} : memref<8x1024xf32, #tpu.memory_space<vmem>>, vector<1x16xf32>,
        %parallel_loop3A_375 = vector.shape_cast %parallel_loop3A_374 : vector<1x16xf32> to vector<16xf32>
        %parallel_loop3A_376 = vector.shape_cast %parallel_loop3A_370 : vector<16xf32> to vector<1x16xf32>
        tpu.vector_store %arg12[%parallel_loop3A_372, %parallel_loop3A_373], %parallel_loop3A_376 {add = true, strides = array<i32>} : memref<8x1024xf32, #tpu.memory_space<vmem>>, vector<1x16xf32>,
        %parallel_loop3A_377 = arith.constant 3 : i32
        %parallel_loop3A_378 = arith.index_cast %parallel_loop3A_377 : i32 to index
        %parallel_loop3A_379 = arith.index_cast %parallel_loop3A_343 : i32 to index
        %parallel_loop3A_380 = tpu.vector_load %arg14[%parallel_loop3A_378, %parallel_loop3A_379] {strides = array<i32>} : memref<8x1024xf32, #tpu.memory_space<vmem>>, vector<1x16xf32>,
        %parallel_loop3A_381 = vector.shape_cast %parallel_loop3A_380 : vector<1x16xf32> to vector<16xf32>
        %parallel_loop3A_382 = arith.constant 3 : i32
        %parallel_loop3A_383 = arith.index_cast %parallel_loop3A_382 : i32 to index
        %parallel_loop3A_384 = arith.index_cast %parallel_loop3A_343 : i32 to index
        %parallel_loop3A_385 = tpu.vector_load %arg12[%parallel_loop3A_383, %parallel_loop3A_384] {strides = array<i32>} : memref<8x1024xf32, #tpu.memory_space<vmem>>, vector<1x16xf32>,
        %parallel_loop3A_386 = vector.shape_cast %parallel_loop3A_385 : vector<1x16xf32> to vector<16xf32>
        %parallel_loop3A_387 = vector.shape_cast %parallel_loop3A_381 : vector<16xf32> to vector<1x16xf32>
        tpu.vector_store %arg12[%parallel_loop3A_383, %parallel_loop3A_384], %parallel_loop3A_387 {add = true, strides = array<i32>} : memref<8x1024xf32, #tpu.memory_space<vmem>>, vector<1x16xf32>,
        %parallel_loop3A_388 = arith.constant 4 : i32
        %parallel_loop3A_389 = arith.index_cast %parallel_loop3A_388 : i32 to index
        %parallel_loop3A_390 = arith.index_cast %parallel_loop3A_343 : i32 to index
        %parallel_loop3A_391 = tpu.vector_load %arg14[%parallel_loop3A_389, %parallel_loop3A_390] {strides = array<i32>} : memref<8x1024xf32, #tpu.memory_space<vmem>>, vector<1x16xf32>,
        %parallel_loop3A_392 = vector.shape_cast %parallel_loop3A_391 : vector<1x16xf32> to vector<16xf32>
        %parallel_loop3A_393 = arith.constant 4 : i32
        %parallel_loop3A_394 = arith.index_cast %parallel_loop3A_393 : i32 to index
        %parallel_loop3A_395 = arith.index_cast %parallel_loop3A_343 : i32 to index
        %parallel_loop3A_396 = tpu.vector_load %arg12[%parallel_loop3A_394, %parallel_loop3A_395] {strides = array<i32>} : memref<8x1024xf32, #tpu.memory_space<vmem>>, vector<1x16xf32>,
        %parallel_loop3A_397 = vector.shape_cast %parallel_loop3A_396 : vector<1x16xf32> to vector<16xf32>
        %parallel_loop3A_398 = vector.shape_cast %parallel_loop3A_392 : vector<16xf32> to vector<1x16xf32>
        tpu.vector_store %arg12[%parallel_loop3A_394, %parallel_loop3A_395], %parallel_loop3A_398 {add = true, strides = array<i32>} : memref<8x1024xf32, #tpu.memory_space<vmem>>, vector<1x16xf32>,
        %parallel_loop3A_399 = arith.constant 5 : i32
        %parallel_loop3A_400 = arith.index_cast %parallel_loop3A_399 : i32 to index
        %parallel_loop3A_401 = arith.index_cast %parallel_loop3A_343 : i32 to index
        %parallel_loop3A_402 = tpu.vector_load %arg14[%parallel_loop3A_400, %parallel_loop3A_401] {strides = array<i32>} : memref<8x1024xf32, #tpu.memory_space<vmem>>, vector<1x16xf32>,
        %parallel_loop3A_403 = vector.shape_cast %parallel_loop3A_402 : vector<1x16xf32> to vector<16xf32>
        %parallel_loop3A_404 = arith.constant 5 : i32
        %parallel_loop3A_405 = arith.index_cast %parallel_loop3A_404 : i32 to index
        %parallel_loop3A_406 = arith.index_cast %parallel_loop3A_343 : i32 to index
        %parallel_loop3A_407 = tpu.vector_load %arg12[%parallel_loop3A_405, %parallel_loop3A_406] {strides = array<i32>} : memref<8x1024xf32, #tpu.memory_space<vmem>>, vector<1x16xf32>,
        %parallel_loop3A_408 = vector.shape_cast %parallel_loop3A_407 : vector<1x16xf32> to vector<16xf32>
        %parallel_loop3A_409 = vector.shape_cast %parallel_loop3A_403 : vector<16xf32> to vector<1x16xf32>
        tpu.vector_store %arg12[%parallel_loop3A_405, %parallel_loop3A_406], %parallel_loop3A_409 {add = true, strides = array<i32>} : memref<8x1024xf32, #tpu.memory_space<vmem>>, vector<1x16xf32>,
        %parallel_loop3A_410 = arith.constant 6 : i32
        %parallel_loop3A_411 = arith.index_cast %parallel_loop3A_410 : i32 to index
        %parallel_loop3A_412 = arith.index_cast %parallel_loop3A_343 : i32 to index
        %parallel_loop3A_413 = tpu.vector_load %arg14[%parallel_loop3A_411, %parallel_loop3A_412] {strides = array<i32>} : memref<8x1024xf32, #tpu.memory_space<vmem>>, vector<1x16xf32>,
        %parallel_loop3A_414 = vector.shape_cast %parallel_loop3A_413 : vector<1x16xf32> to vector<16xf32>
        %parallel_loop3A_415 = arith.constant 6 : i32
        %parallel_loop3A_416 = arith.index_cast %parallel_loop3A_415 : i32 to index
        %parallel_loop3A_417 = arith.index_cast %parallel_loop3A_343 : i32 to index
        %parallel_loop3A_418 = tpu.vector_load %arg12[%parallel_loop3A_416, %parallel_loop3A_417] {strides = array<i32>} : memref<8x1024xf32, #tpu.memory_space<vmem>>, vector<1x16xf32>,
        %parallel_loop3A_419 = vector.shape_cast %parallel_loop3A_418 : vector<1x16xf32> to vector<16xf32>
        %parallel_loop3A_420 = vector.shape_cast %parallel_loop3A_414 : vector<16xf32> to vector<1x16xf32>
        tpu.vector_store %arg12[%parallel_loop3A_416, %parallel_loop3A_417], %parallel_loop3A_420 {add = true, strides = array<i32>} : memref<8x1024xf32, #tpu.memory_space<vmem>>, vector<1x16xf32>,
        %parallel_loop3A_421 = arith.constant 7 : i32
        %parallel_loop3A_422 = arith.index_cast %parallel_loop3A_421 : i32 to index
        %parallel_loop3A_423 = arith.index_cast %parallel_loop3A_343 : i32 to index
        %parallel_loop3A_424 = tpu.vector_load %arg14[%parallel_loop3A_422, %parallel_loop3A_423] {strides = array<i32>} : memref<8x1024xf32, #tpu.memory_space<vmem>>, vector<1x16xf32>,
        %parallel_loop3A_425 = vector.shape_cast %parallel_loop3A_424 : vector<1x16xf32> to vector<16xf32>
        %parallel_loop3A_426 = arith.constant 7 : i32
        %parallel_loop3A_427 = arith.index_cast %parallel_loop3A_426 : i32 to index
        %parallel_loop3A_428 = arith.index_cast %parallel_loop3A_343 : i32 to index
        %parallel_loop3A_429 = tpu.vector_load %arg12[%parallel_loop3A_427, %parallel_loop3A_428] {strides = array<i32>} : memref<8x1024xf32, #tpu.memory_space<vmem>>, vector<1x16xf32>,
        %parallel_loop3A_430 = vector.shape_cast %parallel_loop3A_429 : vector<1x16xf32> to vector<16xf32>
        %parallel_loop3A_431 = vector.shape_cast %parallel_loop3A_425 : vector<16xf32> to vector<1x16xf32>
        tpu.vector_store %arg12[%parallel_loop3A_427, %parallel_loop3A_428], %parallel_loop3A_431 {add = true, strides = array<i32>} : memref<8x1024xf32, #tpu.memory_space<vmem>>, vector<1x16xf32>,
      } {sc.loop_unroll_factor = 2 : i64, sc.parallel_access}
      %mul3A_324 = arith.constant 8 : i32
      %mul3A_325 = arith.muli %add3A_223, %mul3A_324 : i32
      %add3A_326 = arith.addi %mul3A_2, %mul3A_325 : i32
      %dma_start3A_327 = arith.constant 3 : i32
      %dma_start3A_328 = arith.constant 0 : i32
      %dma_start3A_329 = tpu.memref_slice %arg4[%dma_start3A_327, %add3A_326, %dma_start3A_328] : memref<4x4096x1024xf32, #tpu.memory_space<hbm>> -> memref<1x8x1024xf32, #tpu.memory_space<hbm>>
      %dma_start3A_330 = tpu.memref_squeeze %dma_start3A_329 : memref<1x8x1024xf32, #tpu.memory_space<hbm>> -> memref<8x1024xf32, #tpu.memory_space<hbm>>
      %dma_start3A_331 = arith.constant 0 : i32
      %dma_start3A_332 = tpu.memref_slice %arg4[%dma_start3A_327, %add3A_326, %dma_start3A_331] : memref<4x4096x1024xf32, #tpu.memory_space<hbm>> -> memref<1x8x1024xf32, #tpu.memory_space<hbm>>
      %dma_start3A_333 = tpu.memref_squeeze %dma_start3A_332 : memref<1x8x1024xf32, #tpu.memory_space<hbm>> -> memref<8x1024xf32, #tpu.memory_space<hbm>>
      tpu.enqueue_dma source(%arg12 : memref<8x1024xf32, #tpu.memory_space<vmem>>) target(%dma_start3A_333 : memref<8x1024xf32, #tpu.memory_space<hbm>>) target_semaphore(%arg30 : memref<!tpu.dma_semaphore, #tpu.memory_space<semaphore_mem>>)
      %add3A_334 = arith.constant 2 : i32
      %add3A_335 = arith.addi %add3A_223, %add3A_334 : i32
      %lt3A_336 = arith.constant 16 : i32
      %lt3A_337 = arith.cmpi slt, %add3A_335, %lt3A_336 : i32
      %convert_element_type3A_338 = arith.extui %lt3A_337 : i1 to i32
      %cond3A_339 = arith.constant 0 : i32
      %cond3A_340 = arith.cmpi ne, %convert_element_type3A_338, %cond3A_339 : i32
      scf.if %cond3A_340 {
        %add3A_341 = arith.constant 2 : i32
        %add3A_342 = arith.addi %add3A_223, %add3A_341 : i32
        %mul3A_343 = arith.constant 8 : i32
        %mul3A_344 = arith.muli %add3A_342, %mul3A_343 : i32
        %add3A_345 = arith.addi %mul3A_2, %mul3A_344 : i32
        %dma_start3A_346 = arith.constant 0 : i32
        %dma_start3A_347 = tpu.memref_slice %arg3[%add3A_345, %dma_start3A_346] : memref<4096x1024xf32, #tpu.memory_space<hbm>> -> memref<8x1024xf32, #tpu.memory_space<hbm>>
        %dma_start3A_348 = arith.constant 0 : i32
        %dma_start3A_349 = tpu.memref_slice %arg3[%add3A_345, %dma_start3A_348] : memref<4096x1024xf32, #tpu.memory_space<hbm>> -> memref<8x1024xf32, #tpu.memory_space<hbm>>
        tpu.enqueue_dma source(%dma_start3A_349 : memref<8x1024xf32, #tpu.memory_space<hbm>>) target(%arg14 : memref<8x1024xf32, #tpu.memory_space<vmem>>) target_semaphore(%arg32 : memref<!tpu.dma_semaphore, #tpu.memory_space<semaphore_mem>>)
      } else {
      }
    }
    %scan3A_54 = arith.constant 8 : i32
    %dma_wait3A = arith.constant 0 : i32
    %dma_wait3A_55 = arith.constant 0 : i32
    %dma_wait3A_56 = tpu.memref_slice %arg3[%dma_wait3A, %dma_wait3A_55] : memref<4096x1024xf32, #tpu.memory_space<hbm>> -> memref<8x1024xf32, #tpu.memory_space<hbm>>
    %dma_wait3A_57 = arith.constant 0 : i32
    %dma_wait3A_58 = arith.constant 0 : i32
    %dma_wait3A_59 = tpu.memref_slice %arg3[%dma_wait3A_57, %dma_wait3A_58] : memref<4096x1024xf32, #tpu.memory_space<hbm>> -> memref<8x1024xf32, #tpu.memory_space<hbm>>
    tpu.wait_dma2 semaphore(%arg23 : memref<!tpu.dma_semaphore, #tpu.memory_space<semaphore_mem>>) src(%dma_wait3A_59 : memref<8x1024xf32, #tpu.memory_space<hbm>>) dst(%arg5 : memref<8x1024xf32, #tpu.memory_space<vmem>>)
    %dma_wait3A_60 = arith.constant 0 : i32
    %dma_wait3A_61 = arith.constant 0 : i32
    %dma_wait3A_62 = tpu.memref_slice %arg3[%dma_wait3A_60, %dma_wait3A_61] : memref<4096x1024xf32, #tpu.memory_space<hbm>> -> memref<8x1024xf32, #tpu.memory_space<hbm>>
    %dma_wait3A_63 = arith.constant 0 : i32
    %dma_wait3A_64 = arith.constant 0 : i32
    %dma_wait3A_65 = tpu.memref_slice %arg3[%dma_wait3A_63, %dma_wait3A_64] : memref<4096x1024xf32, #tpu.memory_space<hbm>> -> memref<8x1024xf32, #tpu.memory_space<hbm>>
    tpu.wait_dma2 semaphore(%arg24 : memref<!tpu.dma_semaphore, #tpu.memory_space<semaphore_mem>>) src(%dma_wait3A_65 : memref<8x1024xf32, #tpu.memory_space<hbm>>) dst(%arg6 : memref<8x1024xf32, #tpu.memory_space<vmem>>)
    %dma_wait3A_66 = arith.constant 0 : i32
    %dma_wait3A_67 = arith.constant 0 : i32
    %dma_wait3A_68 = tpu.memref_slice %arg3[%dma_wait3A_66, %dma_wait3A_67] : memref<4096x1024xf32, #tpu.memory_space<hbm>> -> memref<8x1024xf32, #tpu.memory_space<hbm>>
    %dma_wait3A_69 = arith.constant 0 : i32
    %dma_wait3A_70 = arith.constant 0 : i32
    %dma_wait3A_71 = tpu.memref_slice %arg3[%dma_wait3A_69, %dma_wait3A_70] : memref<4096x1024xf32, #tpu.memory_space<hbm>> -> memref<8x1024xf32, #tpu.memory_space<hbm>>
    tpu.wait_dma2 semaphore(%arg25 : memref<!tpu.dma_semaphore, #tpu.memory_space<semaphore_mem>>) src(%dma_wait3A_71 : memref<8x1024xf32, #tpu.memory_space<hbm>>) dst(%arg7 : memref<8x1024xf32, #tpu.memory_space<vmem>>)
    %dma_wait3A_72 = arith.constant 0 : i32
    %dma_wait3A_73 = arith.constant 0 : i32
    %dma_wait3A_74 = tpu.memref_slice %arg3[%dma_wait3A_72, %dma_wait3A_73] : memref<4096x1024xf32, #tpu.memory_space<hbm>> -> memref<8x1024xf32, #tpu.memory_space<hbm>>
    %dma_wait3A_75 = arith.constant 0 : i32
    %dma_wait3A_76 = arith.constant 0 : i32
    %dma_wait3A_77 = tpu.memref_slice %arg3[%dma_wait3A_75, %dma_wait3A_76] : memref<4096x1024xf32, #tpu.memory_space<hbm>> -> memref<8x1024xf32, #tpu.memory_space<hbm>>
    tpu.wait_dma2 semaphore(%arg26 : memref<!tpu.dma_semaphore, #tpu.memory_space<semaphore_mem>>) src(%dma_wait3A_77 : memref<8x1024xf32, #tpu.memory_space<hbm>>) dst(%arg8 : memref<8x1024xf32, #tpu.memory_space<vmem>>)
    %dma_wait3A_78 = arith.constant 0 : i32
    %dma_wait3A_79 = arith.constant 0 : i32
    %dma_wait3A_80 = tpu.memref_slice %arg3[%dma_wait3A_78, %dma_wait3A_79] : memref<4096x1024xf32, #tpu.memory_space<hbm>> -> memref<8x1024xf32, #tpu.memory_space<hbm>>
    %dma_wait3A_81 = arith.constant 0 : i32
    %dma_wait3A_82 = arith.constant 0 : i32
    %dma_wait3A_83 = tpu.memref_slice %arg3[%dma_wait3A_81, %dma_wait3A_82] : memref<4096x1024xf32, #tpu.memory_space<hbm>> -> memref<8x1024xf32, #tpu.memory_space<hbm>>
    tpu.wait_dma2 semaphore(%arg27 : memref<!tpu.dma_semaphore, #tpu.memory_space<semaphore_mem>>) src(%dma_wait3A_83 : memref<8x1024xf32, #tpu.memory_space<hbm>>) dst(%arg9 : memref<8x1024xf32, #tpu.memory_space<vmem>>)
    %dma_wait3A_84 = arith.constant 0 : i32
    %dma_wait3A_85 = arith.constant 0 : i32
    %dma_wait3A_86 = tpu.memref_slice %arg3[%dma_wait3A_84, %dma_wait3A_85] : memref<4096x1024xf32, #tpu.memory_space<hbm>> -> memref<8x1024xf32, #tpu.memory_space<hbm>>
    %dma_wait3A_87 = arith.constant 0 : i32
    %dma_wait3A_88 = arith.constant 0 : i32
    %dma_wait3A_89 = tpu.memref_slice %arg3[%dma_wait3A_87, %dma_wait3A_88] : memref<4096x1024xf32, #tpu.memory_space<hbm>> -> memref<8x1024xf32, #tpu.memory_space<hbm>>
    tpu.wait_dma2 semaphore(%arg28 : memref<!tpu.dma_semaphore, #tpu.memory_space<semaphore_mem>>) src(%dma_wait3A_89 : memref<8x1024xf32, #tpu.memory_space<hbm>>) dst(%arg10 : memref<8x1024xf32, #tpu.memory_space<vmem>>)
    %dma_wait3A_90 = arith.constant 0 : i32
    %dma_wait3A_91 = arith.constant 0 : i32
    %dma_wait3A_92 = tpu.memref_slice %arg3[%dma_wait3A_90, %dma_wait3A_91] : memref<4096x1024xf32, #tpu.memory_space<hbm>> -> memref<8x1024xf32, #tpu.memory_space<hbm>>
    %dma_wait3A_93 = arith.constant 0 : i32
    %dma_wait3A_94 = arith.constant 0 : i32
    %dma_wait3A_95 = tpu.memref_slice %arg3[%dma_wait3A_93, %dma_wait3A_94] : memref<4096x1024xf32, #tpu.memory_space<hbm>> -> memref<8x1024xf32, #tpu.memory_space<hbm>>
    tpu.wait_dma2 semaphore(%arg29 : memref<!tpu.dma_semaphore, #tpu.memory_space<semaphore_mem>>) src(%dma_wait3A_95 : memref<8x1024xf32, #tpu.memory_space<hbm>>) dst(%arg11 : memref<8x1024xf32, #tpu.memory_space<vmem>>)
    %dma_wait3A_96 = arith.constant 0 : i32
    %dma_wait3A_97 = arith.constant 0 : i32
    %dma_wait3A_98 = tpu.memref_slice %arg3[%dma_wait3A_96, %dma_wait3A_97] : memref<4096x1024xf32, #tpu.memory_space<hbm>> -> memref<8x1024xf32, #tpu.memory_space<hbm>>
    %dma_wait3A_99 = arith.constant 0 : i32
    %dma_wait3A_100 = arith.constant 0 : i32
    %dma_wait3A_101 = tpu.memref_slice %arg3[%dma_wait3A_99, %dma_wait3A_100] : memref<4096x1024xf32, #tpu.memory_space<hbm>> -> memref<8x1024xf32, #tpu.memory_space<hbm>>
    tpu.wait_dma2 semaphore(%arg30 : memref<!tpu.dma_semaphore, #tpu.memory_space<semaphore_mem>>) src(%dma_wait3A_101 : memref<8x1024xf32, #tpu.memory_space<hbm>>) dst(%arg12 : memref<8x1024xf32, #tpu.memory_space<vmem>>)
    return
  }
}

</mosaic_0001>

<sc_bundles>
// kernel: kernel.3.cloned.1.call-start
scs
__scs_entry_jumppad:
0x0: {  	(pc) =	sbr.rel $0x88, $3  }
0x1: {  	(tag) =	ssettag $0x0;
	lr =	simm.s32 $0x1  }
0x2: {  	[smem:$0x3F9F] =	sst lr;
	_ =	strace $0xD0000000  }
0x3: {  	_ = 	snop  }
0x4: {  	_ = 	snop  }
0x5: {  	_ = 	snop  }
0x6: {  	_ = 	snop  }
0x7: {  	_ = 	snop  }
__scs_overlays_trampoline_lowered:
0x8: {  	[smem:$0x3FAE] =	sst s0  }
0x9: {  	[smem:$0x3FAF] =	sst s1  }
0xa: {  	[smem:$0x3FB0] =	sst s2  }
0xb: {  	[smem:$0x3FB1] =	sst s3  }
0xc: {  	[smem:$0x3FB2] =	sst s4  }
0xd: {  	[smem:$0x3FB3] =	sst s5  }
0xe: {  	[smem:$0x3FB4] =	sst s6  }
0xf: {  	[smem:$0x3FB5] =	sst s7  }
0x10: {  	[smem:$0x3FB6] =	sst s8  }
0x11: {  	[smem:$0x3FB7] =	sst s9;
	s0 =	simm.s32 @!p0 $0x0  }
0x12: {  	s1 =	sld [smem:$0x3F9D];
	s0 =	simm.s32 @p0 $0x1  }
0x13: {  	[smem:$0x3FB8] =	sst s0;
	s0 =	simm.s32 @!p1 $0x0  }
0x14: {  	s2 =	sld [smem:$0x3F9C];
	s0 =	simm.s32 @p1 $0x1  }
0x15: {  	[smem:$0x3FB9] =	sst s0;
	s0 =	simm.s32 @!p2 $0x0  }
0x16: {  	s3 =	sld [smem:$0x3FDB];
	s0 =	simm.s32 @p2 $0x1  }
0x17: {  	s4 =	simm.s32 $0x1BF5;
	[smem:$0x3FBB] =	sst s0  }
0x18: {  	s0 =	sld [smem:$0x3F9E];
	_ =	swait.ge [sflag:s4], $0x0  }
0x19: {  	s7 =	sld [smem:$0x3F9F]  }
0x1a: {  	s8 =	sadd.s32 $0xFFFFE003, lr  }
0x1b: {  	s9 =	sadd.s32 $0xFFFFFEF7, lr;
	s5 =	simm.s32 $0xFFFFFFFF;
	p2 =	slt.u32 s8, $0xFFFFF086  }
0x1c: {  	p1 =	slt.u32 s9, $0xF7A;
	s5 =	simm.s32 @!p2 $0x0  }
0x1d: {  	s5 =	simm.s32 @p1 $0x1;
	p0 =	seq.s32 s7, s2  }
0x1e: {  	s7 =	smul.u32 @!p0 $0xF7A, s2;
	p2 =	seq.s32 @!p0 s5, $0x0  }
0x1f: {  	s9 =	smul.u32 $0xF7A, s1;
	s8 =	simm.s32 @!p0 $0x1BF5;
	p2 =	por !p2, p0  }
0x20: {  	[sflag:s8] =	ssyncset.s32 @!p0 $0xFFFFF086;
	s6 =	sadd.s32 @!p0 s3, s7;
	s7 =	simm.s32 @!p0 $0x108  }
0x21: {  	s3 =	sadd.s32 s3, s9;
	s6 =	sadd.s32 @!p0 $0x88, s6;
	s7 =	simm.s32 @p2 $0x1082  }
0x22: {  	[simem:s7], [sflag:s8] =	dma.local @!p0 [hbm:s6], $0xF7A  }
0x23: {  	s9 =	sor.u32 $0xD0000000, s2;
	s6 =	simm.s32 $0x108;
	_ =	swait.ge @!p0 [sflag:s8], $0x0  }
0x24: {  	s3 =	sadd.s32 $0x88, s3;
	s6 =	simm.s32 @!p1 $0x1082;
	[sflag:s4] =	ssyncset.s32 $0xFFFFF086  }
0x25: {  	[simem:s6], [sflag:s4] =	dma.local [hbm:s3], $0xF7A  }
0x26: {  	[smem:$0x3F9F] =	sst s1;
	(tag) =	ssettag s2;
	_ =	strace s9  }
0x27: {  	s1 =	sld [smem:$0x3FAF]  }
0x28: {  	s2 =	sld [smem:$0x3FB0]  }
0x29: {  	s4 =	sld [smem:$0x3FB2]  }
0x2a: {  	p0 =	seq.s32 s5, $0x0;
	s5 =	sld [smem:$0x3FB3]  }
0x2b: {  	s6 =	sld [smem:$0x3FB4]  }
0x2c: {  	s7 =	sld [smem:$0x3FB5]  }
0x2d: {  	s3 =	simm.s32 $0x108;
	s8 =	sld [smem:$0x3FB6]  }
0x2e: {  	s3 =	simm.s32 @!p0 $0x1082;
	s9 =	sld [smem:$0x3FB7]  }
0x2f: {  	lr =	sadd.s32 s0, s3;
	s0 =	sld [smem:$0x3FAE]  }
0x30: {  	s3 =	sld [smem:$0x3FB1]  }
0x31: {  	[smem:$0x3FBA] =	sst s10  }
0x32: {  	s10 =	sld [smem:$0x3FB8];
	_ =	sdelay $0x3  }
0x33: {  	p0 =	seq.s32 s10, $0x1;
	s10 =	sld [smem:$0x3FBA];
	_ =	sdelay $0x3  }
0x34: {  	[smem:$0x3FBA] =	sst s10  }
0x35: {  	s10 =	sld [smem:$0x3FB9];
	_ =	sdelay $0x3  }
0x36: {  	p1 =	seq.s32 s10, $0x1;
	s10 =	sld [smem:$0x3FBA];
	_ =	sdelay $0x3  }
0x37: {  	[smem:$0x3FBA] =	sst s10  }
0x38: {  	s10 =	sld [smem:$0x3FBB]  }
0x39: {  	_ = 	snop;
	(pc) =	sbr.ind lr, $3  }
0x3a: {  	_ = 	snop  }
0x3b: {  	_ = 	snop  }
0x3c: {  	p2 =	seq.s32 s10, $0x1;
	s10 =	sld [smem:$0x3FBA]  }
0x3d: {  	_ =	shalt  }
0x3e: {  	_ =	shalt  }
0x3f: {  	_ =	shalt  }
0x40: {  	_ =	shalt  }
0x41: {  	_ =	shalt  }
0x42: {  	_ =	shalt  }
0x43: {  	_ =	shalt  }
0x44: {  	_ =	shalt  }
0x45: {  	_ =	shalt  }
0x46: {  	_ =	shalt  }
0x47: {  	_ =	shalt  }
0x48: {  	_ =	shalt  }
0x49: {  	_ =	shalt  }
0x4a: {  	_ =	shalt  }
0x4b: {  	_ =	shalt  }
0x4c: {  	_ =	shalt  }
0x4d: {  	_ =	shalt  }
0x4e: {  	_ =	shalt  }
0x4f: {  	_ =	shalt  }
0x50: {  	_ =	shalt  }
0x51: {  	_ =	shalt  }
0x52: {  	_ =	shalt  }
0x53: {  	_ =	shalt  }
0x54: {  	_ =	shalt  }
0x55: {  	_ =	shalt  }
0x56: {  	_ =	shalt  }
0x57: {  	_ =	shalt  }
0x58: {  	_ =	shalt  }
0x59: {  	_ =	shalt  }
0x5a: {  	_ =	shalt  }
0x5b: {  	_ =	shalt  }
0x5c: {  	_ =	shalt  }
0x5d: {  	_ =	shalt  }
0x5e: {  	_ =	shalt  }
0x5f: {  	_ =	shalt  }
0x60: {  	_ =	shalt  }
0x61: {  	_ =	shalt  }
0x62: {  	_ =	shalt  }
0x63: {  	_ =	shalt  }
0x64: {  	_ =	shalt  }
0x65: {  	_ =	shalt  }
0x66: {  	_ =	shalt  }
0x67: {  	_ =	shalt  }
0x68: {  	_ =	shalt  }
0x69: {  	_ =	shalt  }
0x6a: {  	_ =	shalt  }
0x6b: {  	_ =	shalt  }
0x6c: {  	_ =	shalt  }
0x6d: {  	_ =	shalt  }
0x6e: {  	_ =	shalt  }
0x6f: {  	_ =	shalt  }
0x70: {  	_ =	shalt  }
0x71: {  	_ =	shalt  }
0x72: {  	_ =	shalt  }
0x73: {  	_ =	shalt  }
0x74: {  	_ =	shalt  }
0x75: {  	_ =	shalt  }
0x76: {  	_ =	shalt  }
0x77: {  	_ =	shalt  }
0x78: {  	_ =	shalt  }
0x79: {  	_ =	shalt  }
0x7a: {  	_ =	shalt  }
0x7b: {  	_ =	shalt  }
0x7c: {  	_ =	shalt  }
0x7d: {  	_ =	shalt  }
0x7e: {  	_ =	shalt  }
0x7f: {  	_ =	shalt  }
0x80: {  	_ =	shalt  }
0x81: {  	_ =	shalt  }
0x82: {  	_ =	shalt  }
0x83: {  	_ =	shalt  }
0x84: {  	_ =	shalt  }
0x85: {  	_ =	shalt  }
0x86: {  	_ =	shalt  }
0x87: {  	_ =	shalt  }
.Lfunc_end0:
.L_simem_size_0:
called_computation_lowered:
.L_overlay_start_0:
0x88: {  	s2 =	sld [smem:$0x3FD9]  }
0x89: {  	s3 =	sld [smem:$0x3FFE];
	_ =	sdelay $0x1  }
0x8a: {  	s1 =	srdreg.scid  }
0x8b: {  	s0 =	sand.u32 $0x1, s1  }
0x8c: {  	s18 =	sshll.u32 s0, $0xA;
	s2 =	sadd.s32 s3, s2  }
0x8d: {  	s2 =	sadd.s32 s2, s18  }
0x8e: {  	[smem:$0x3FC6] =	sst s2  }
0x8f: {  	_ = 	snop  }
0x90: {  	s2 =	sld [smem:$0x3FC9]  }
0x91: {  	s19 =	sld [smem:$0x3FC8]  }
0x92: {  	s4 =	sld [smem:$0x3FD0];
	(tm) =	ssettm $0x1  }
0x93: {  	s5 =	sld [smem:$0x3FFB];
	_ =	sdelay $0x3  }
0x94: {  	_ =	strace s5  }
0x95: {  	s5 =	sld [smem:$0x3FFC];
	_ =	sdelay $0x3  }
0x96: {  	_ =	strace s5  }
0x97: {  	s5 =	sld [smem:$0x3FFD];
	_ =	sdelay $0x3  }
0x98: {  	_ =	strace s5  }
0x99: {  	_ =	strace $0x8FFFFFFF  }
0x9a: {  	s20 =	sld [smem:$0x3FDB];
	_ =	sdelay $0x1  }
0x9b: {  	s6 =	simm.s32 $_scs_section_size  }
0x9c: {  	s7 =	simm.s32 $_size__tile_overlayer_lowered;
	s8 =	simm.s32 $_tile_overlayer_lowered  }
0x9d: {  	s23 =	simm.s32 $0x1BFF;
	s22 =	sshll.u32 s8, $0x1;
	s5 =	sadd.s32 s6, s20  }
0x9e: {  	s9 =	simm.s32 $0x0;
	s21 =	sshll.u32 s7, $0x1;
	s7 =	sadd.s32 s22, s5  }
0x9f: {  	[timem:s9], [sflag:s23] =	dma.local [hbm:s7], s21  }
0xa0: {  	_ =	swait.ge [sflag:s23], s21  }
0xa1: {  	s6 =	ssub.s32 $0x0, s21;
	[sflag:s23] =	ssyncset.done $0x0  }
0xa2: {  	[sflag:s23] =	ssyncadd.s32 s6;
	_ =	sdelay $0x1  }
0xa3: {  	s24 =	simm.s32 $0x1B8B  }
0xa4: {  	_ =	swait.ge [sflag:s24], $0x1  }
0xa5: {  	[sflag:s24] =	ssyncset.done $0x0  }
0xa6: {  	s25 =	simm.s32 $0x1B8E;
	[sflag:s24] =	ssyncadd.s32 $0xFFFFFFFF  }
0xa7: {  	s26 =	simm.s32 $execute0_lowered;
	[smem:$0x3FD2] =	sst s25  }
0xa8: {  	s6 =	sshll.u32 s26, $0x1;
	_ =	strace $0x80000046;
	[dreg:$0x1] =	wrdreg $0xFFFFFFFF  }
0xa9: {  	s28 =	simm.s32 $_size_execute0_lowered;
	s5 =	sadd.s32 s5, s6;
	[dreg:$0x0] =	wrdreg $0x0  }
0xaa: {  	s6 =	sshll.u32 s28, $0x1;
	[dreg:$0x2] =	wrdreg s5  }
0xab: {  	[dreg:$0x3] =	wrdreg s6  }
0xac: {  	[dreg:$0x4] =	wrdreg $0xC0  }
0xad: {  	_ =	task [dreg:s9], $0x5FFFF  }
0xae: {  	[dreg:$0x1] =	wrdreg $0xFFFFFFFF  }
0xaf: {  	[dreg:$0x0] =	wrdreg $0x60  }
0xb0: {  	[dreg:$0x2] =	wrdreg s2  }
0xb1: {  	[dreg:$0x3] =	wrdreg s19  }
0xb2: {  	[dreg:$0x4] =	wrdreg s4  }
0xb3: {  	[dreg:$0x5] =	wrdreg $0x9  }
0xb4: {  	_ =	task.clear_ibuf [dreg:s9], $0x6FFFF;
	_ =	strace $0x90000046  }
0xb5: {  	s29 =	simm.s32 $0x9;
	_ =	strace $0x80000048  }
0xb6: {  	_ =	swait.ge [sflag:s29], $0x1  }
0xb7: {  	[sflag:s29] =	ssyncadd.s32 $0xFFFFFFFF  }
0xb8: {  	_ =	strace $0x90000048  }
0xb9: {  	_ =	sfence  }
0xba: {  	s30 =	sld [smem:$0x0];
	_ =	sdelay $0x2  }
0xbb: {  	s31 =	sshll.u32 s1, $0xD;
	s1 =	sshrl.u32 s1, $0x2  }
0xbc: {  	s3 =	sand.u32 $0x4000, s31;
	s1 =	sadd.s32 s1, s30  }
0xbd: {  	s0 =	sor.u32 s3, s0;
	s1 =	sshll.u32 s1, $0x11  }
0xbe: {  	s0 =	sor.u32 s1, s0  }
0xbf: {  	s0 =	sadd.s32 $0x8F2B, s0  }
0xc0: {  	[sflag:s0] =	ssyncadd.remote.s32 $0x1  }
0xc1: {  	_ =	sfence.sel $0xFFFF  }
0xc2: {  	[dreg:$0x0] =	wrdreg $0xFFFFFFFF;
	(pc) =	sbr.abs _section_cstart, $3  }
0xc3: {  	[dreg:$0x1] =	wrdreg $0xFFFFFFFF  }
0xc4: {  	_ =	task.clear_ibuf [dreg:s9], $0x2FFFF;
	_ =	strace $0x9FFFFFFF  }
0xc5: {  	(tm) =	ssettm $0x7FFFFFFF  }
tec
execute0_lowered:
.L_overlay_start_1:
0x0: {  	(tag) =	ssettag $0x1  }
0x1: {  	s1 =	rddreg [dreg:$0x0]  }
0x2: {  	s6 =	rddreg [dreg:$0x1]  }
0x3: {  	s0 =	srdreg.scid;
	s4 =	rddreg [dreg:$0x2];
	s5 =	simm.s32 $0x0  }
0x4: {  	s2 =	stileid.u32;
	[smem:$0x7FF] =	sst s5;
	s22 =	sadd.s32 $0x80000, s1  }
0x5: {  	s23 =	sadd.s32 $0x100000, s1;
	_ =	strace $0x80000047;
	[dreg:$0x8] =	wrdreg s22  }
0x6: {  	s0 =	sand.u32 $0x1, s0;
	s8 =	sadd.s32 $0x180000, s1;
	[dreg:$0x9] =	wrdreg s23  }
0x7: {  	s2 =	sshll.u32 s2, $0x8;
	s26 =	sadd.s32 $0x80000, s4;
	[dreg:$0xa] =	wrdreg s8  }
0x8: {  	s28 =	sadd.s32 $0x100000, s4;
	s3 =	sshll.u32 s0, $0x7;
	[dreg:$0xe] =	wrdreg s26  }
0x9: {  	s29 =	sadd.s32 $0x180000, s4;
	[dreg:$0xf] =	wrdreg s28;
	s2 =	sor.u32 s3, s2  }
0xa: {  	[dreg:$0x10] =	wrdreg s29;
	s7 =	sshll.u32 s2, $0x7  }
0xb: {  	s6 =	sadd.s32 s6, s7;
	[dreg:$0x4] =	wrdreg s7  }
0xc: {  	s0 =	ssub.s32 $0x2, s0;
	s21 =	sadd.s32 s1, s7;
	[dreg:$0x5] =	wrdreg s6  }
0xd: {  	s19 =	sshrl.u32 s0, $0x1;
	s3 =	sadd.s32 s7, s22;
	[dreg:$0x7] =	wrdreg s21  }
0xe: {  	s16 =	sshrl.u32 s2, $0x3;
	s24 =	sadd.s32 s7, s23;
	[dreg:$0xb] =	wrdreg s3  }
.Ltmp0:
0xf: {  	s25 =	sadd.s32 s7, s8;
	[dreg:$0xc] =	wrdreg s24;
	(pc) =	sbr.rel .LBB2_1-.Ltmp0, $4  }
0x10: {  	s0 =	ssub.s32 s0, s19;
	s30 =	sor.u32 $0x3, s16;
	[dreg:$0xd] =	wrdreg s25  }
0x11: {  	s0 =	smax.u32 s0, $0x1;
	[dreg:$0x11] =	wrdreg s30  }
0x12: {  	s20 =	sadd.s32 $0x400, s6;
	[dreg:$0x12] =	wrdreg s0  }
0x13: {  	s31 =	simm.s32 $0x2000;
	s3 =	simm.s32 $0x0;
	[dreg:$0x6] =	wrdreg s20  }
.LBB2_20:
0x14: {  	s0 =	simm.s32 $0x9  }
0x15: {  	_ =	swait.ge [sflag:s0], $0x2000  }
0x16: {  	[sflag:s0] =	ssyncset.done $0x0  }
0x17: {  	s23 =	simm.s32 $0xA;
	[sflag:s0] =	ssyncadd.s32 $0xFFFFE000  }
0x18: {  	_ =	swait.ge [sflag:s23], $0x2000  }
0x19: {  	[sflag:s23] =	ssyncset.done $0x0  }
0x1a: {  	s24 =	simm.s32 $0xB;
	[sflag:s23] =	ssyncadd.s32 $0xFFFFE000  }
0x1b: {  	_ =	swait.ge [sflag:s24], $0x2000  }
0x1c: {  	[sflag:s24] =	ssyncset.done $0x0  }
0x1d: {  	s25 =	simm.s32 $0xC;
	[sflag:s24] =	ssyncadd.s32 $0xFFFFE000  }
0x1e: {  	_ =	swait.ge [sflag:s25], $0x2000  }
0x1f: {  	[sflag:s25] =	ssyncset.done $0x0  }
0x20: {  	s26 =	simm.s32 $0xD;
	[sflag:s25] =	ssyncadd.s32 $0xFFFFE000  }
0x21: {  	_ =	swait.ge [sflag:s26], $0x2000  }
0x22: {  	[sflag:s26] =	ssyncset.done $0x0  }
0x23: {  	s28 =	simm.s32 $0xE;
	[sflag:s26] =	ssyncadd.s32 $0xFFFFE000  }
0x24: {  	_ =	swait.ge [sflag:s28], $0x2000  }
0x25: {  	[sflag:s28] =	ssyncset.done $0x0  }
0x26: {  	s29 =	simm.s32 $0xF;
	[sflag:s28] =	ssyncadd.s32 $0xFFFFE000  }
0x27: {  	_ =	swait.ge [sflag:s29], $0x2000  }
0x28: {  	[sflag:s29] =	ssyncset.done $0x0  }
0x29: {  	s2 =	simm.s32 $0x10;
	[sflag:s29] =	ssyncadd.s32 $0xFFFFE000  }
0x2a: {  	_ =	swait.ge [sflag:s2], $0x2000  }
0x2b: {  	s3 =	rddreg [dreg:$0x13]  }
0x2c: {  	s30 =	rddreg [dreg:$0x12];
	s3 =	sadd.s32 $0x1, s3  }
0x2d: {  	p0 =	sne.s32 s3, s30  }
.Ltmp1:
0x2e: {  	_ = 	snop;
	(pc) =	sbr.rel @!p0 .LBB2_21-.Ltmp1, $3  }
0x2f: {  	_ =	sdelay $0x1  }
0x30: {  	[sflag:s2] =	ssyncset.done $0x0  }
0x31: {  	[sflag:s2] =	ssyncadd.s32 $0xFFFFE000  }
.LBB2_1:
0x32: {  	[dreg:$0x13] =	wrdreg s3  }
0x33: {  	s0 =	rddreg [dreg:$0x5];
	s2 =	simm.s32 $0x10000  }
0x34: {  	[tilespmem:s2], [sflag:$0x11] =	stream.linear.gather [hbm4b:s0+s5], $0x2000, $0x38;
	[tilespmem:$0x14000] =	vst v63  }
0x35: {  	s21 =	rddreg [dreg:$0x6];
	s22 =	simm.s32 $0x12000  }
0x36: {  	[tilespmem:s22], [sflag:$0x12] =	stream.linear.gather [hbm4b:s21+s5], $0x2000, $0x38;
	[tilespmem:$0x14000] =	vst v63  }
0x37: {  	s23 =	rddreg [dreg:$0x7]  }
0x38: {  	[tilespmem:s5], [sflag:$0x1] =	stream.linear.gather [hbm4b:s23+s5], $0x2000, $0x38;
	[tilespmem:$0x14000] =	vst v63  }
0x39: {  	s24 =	rddreg [dreg:$0xb];
	s25 =	simm.s32 $0x4000  }
0x3a: {  	[tilespmem:s25], [sflag:$0x3] =	stream.linear.gather [hbm4b:s24+s5], $0x2000, $0x38;
	[tilespmem:$0x14000] =	vst v63  }
0x3b: {  	s26 =	rddreg [dreg:$0xc];
	s28 =	simm.s32 $0x8000  }
0x3c: {  	[tilespmem:s28], [sflag:$0x5] =	stream.linear.gather [hbm4b:s26+s5], $0x2000, $0x38;
	[tilespmem:$0x14000] =	vst v63  }
0x3d: {  	s29 =	rddreg [dreg:$0xd];
	s30 =	simm.s32 $0xC000;
	s7 =	simm.s32 $0x0  }
0x3e: {  	[tilespmem:s30], [sflag:$0x7] =	stream.linear.gather [hbm4b:s29+s5], $0x2000, $0x38;
	[tilespmem:$0x14000] =	vst v63  }
.LBB2_2:
0x3f: {  	s0 =	simm.s32 $0x11  }
0x40: {  	_ =	swait.ge [sflag:s0], $0x2000  }
0x41: {  	s23 =	sshll.u32 s7, $0x1;
	p0 =	seq.s32 s7, $0x0;
	[sflag:s0] =	ssyncset.done $0x0  }
0x42: {  	s3 =	sor.u32 s23, s16;
	[sflag:s0] =	ssyncadd.s32 $0xFFFFE000;
	s0 =	simm.s32 @!p0 $0xA  }
0x43: {  	s24 =	sshll.u32 s3, $0xA;
	_ =	swait.ge @!p0 [sflag:s0], $0x2000  }
0x44: {  	s2 =	simm.s32 $0x1;
	s20 =	sor.u32 $0x400, s24;
	[sflag:s0] =	ssyncset.done @!p0 $0x0  }
0x45: {  	s28 =	sadd.s32 s1, s20;
	[sflag:s0] =	ssyncadd.s32 @!p0 $0xFFFFE000;
	s0 =	simm.s32 $0x0  }
0x46: {  	[tilespmem:s31], [sflag:$0x2] =	stream.linear.gather [hbm4b:s28+s0], $0x2000, $0x38;
	[tilespmem:$0x14000] =	vst v63  }
0x47: {  	_ =	swait.ge [sflag:s2], $0x2000  }
0x48: {  	s29 =	sand.u32 $0x60, s0;
	s6 =	sand.u32 $0x1C00, s0;
	[sflag:s2] =	ssyncset.done $0x0  }
0x49: {  	s6 =	sor.u32 s29, s6;
	[sflag:s2] =	ssyncadd.s32 $0xFFFFE000  }
0x4a: {  	v0 =	vld [tilespmem:s6+$0x10010];
	_ =	sdelay $0x3  }
0x4b: {  	s3 =	sor.u32 $0x10, s6  }
0x4c: {  	[tilespmem:s3+$0x0] =	vst.add.f32.msk $0xffff, v0  }
0x4d: {  	v0 =	vld [tilespmem:s6+$0x10090];
	_ =	sdelay $0x2  }
0x4e: {  	v1 =	vld [tilespmem:s6+$0x10000]  }
0x4f: {  	s30 =	sor.u32 $0x90, s6;
	v2 =	vld [tilespmem:s6+$0x10080]  }
0x50: {  	[tilespmem:s30+$0x0] =	vst.add.f32.msk $0xffff, v0  }
0x51: {  	v0 =	vld [tilespmem:s6+$0x10110];
	_ =	sdelay $0x1  }
0x52: {  	s31 =	sor.u32 $0x80, s6;
	[tilespmem:s6+$0x0] =	vst.add.f32.msk $0xffff, v1  }
0x53: {  	[tilespmem:s31+$0x0] =	vst.add.f32.msk $0xffff, v2  }
0x54: {  	s2 =	sor.u32 $0x110, s6;
	v1 =	vld [tilespmem:s6+$0x10100]  }
0x55: {  	[tilespmem:s2+$0x0] =	vst.add.f32.msk $0xffff, v0  }
0x56: {  	v0 =	vld [tilespmem:s6+$0x10190];
	_ =	sdelay $0x1  }
0x57: {  	s8 =	sor.u32 $0x100, s6  }
0x58: {  	[tilespmem:s8+$0x0] =	vst.add.f32.msk $0xffff, v1  }
0x59: {  	s9 =	sor.u32 $0x190, s6;
	v1 =	vld [tilespmem:s6+$0x10180]  }
0x5a: {  	[tilespmem:s9+$0x0] =	vst.add.f32.msk $0xffff, v0  }
0x5b: {  	v0 =	vld [tilespmem:s6+$0x10210];
	_ =	sdelay $0x1  }
0x5c: {  	s10 =	sor.u32 $0x180, s6  }
0x5d: {  	[tilespmem:s10+$0x0] =	vst.add.f32.msk $0xffff, v1  }
0x5e: {  	s11 =	sor.u32 $0x210, s6;
	v1 =	vld [tilespmem:s6+$0x10200]  }
0x5f: {  	s8 =	simm.s32 $0x20;
	s10 =	simm.s32 $0x100;
	[tilespmem:s11+$0x0] =	vst.add.f32.msk $0xffff, v0  }
0x60: {  	s12 =	sand.u32 $0x60, s8;
	s11 =	sand.u32 $0x1C00, s10;
	v0 =	vld [tilespmem:s6+$0x10290]  }
0x61: {  	s13 =	sand.u32 $0x3, s0;
	s3 =	sor.u32 s12, s11  }
0x62: {  	s12 =	sor.u32 $0x200, s6;
	s11 =	sshll.u32 s13, $0x5;
	v2 =	vld [tilespmem:s3+$0x10010]  }
0x63: {  	[tilespmem:s12+$0x0] =	vst.add.f32.msk $0xffff, v1;
	s11 =	sadd.s32 $0x0, s11  }
0x64: {  	s14 =	sor.u32 $0x290, s6;
	v1 =	vld [tilespmem:s3+$0x10000];
	s17 =	sadd.s32 $0x10, s11  }
0x65: {  	s15 =	sor.u32 $0x300, s17;
	[tilespmem:s14+$0x0] =	vst.add.f32.msk $0xffff, v0  }
0x66: {  	s18 =	sor.u32 $0x10, s3;
	v0 =	vld [tilespmem:s15+$0x10000]  }
0x67: {  	[tilespmem:s18+$0x0] =	vst.add.f32.msk $0xffff, v2  }
0x68: {  	v2 =	vld [tilespmem:s3+$0x10090]  }
0x69: {  	v3 =	vld [tilespmem:s3+$0x10080]  }
0x6a: {  	[tilespmem:s3+$0x0] =	vst.add.f32.msk $0xffff, v1  }
0x6b: {  	s19 =	sor.u32 $0x380, s17;
	[tilespmem:s15+$0x0] =	vst.add.f32.msk $0xffff, v0  }
0x6c: {  	s21 =	sor.u32 $0x90, s3;
	v0 =	vld [tilespmem:s19+$0x10000]  }
0x6d: {  	[tilespmem:s21+$0x0] =	vst.add.f32.msk $0xffff, v2  }
0x6e: {  	s22 =	sor.u32 $0x80, s3;
	v1 =	vld [tilespmem:s3+$0x10110]  }
0x6f: {  	[tilespmem:s22+$0x0] =	vst.add.f32.msk $0xffff, v3  }
0x70: {  	v2 =	vld [tilespmem:s3+$0x10100]  }
0x71: {  	v3 =	vld [tilespmem:s6+$0x10280]  }
0x72: {  	s25 =	sor.u32 $0x110, s3;
	[tilespmem:s19+$0x0] =	vst.add.f32.msk $0xffff, v0  }
0x73: {  	[tilespmem:s25+$0x0] =	vst.add.f32.msk $0xffff, v1  }
0x74: {  	s26 =	sor.u32 $0x100, s3;
	v0 =	vld [tilespmem:s3+$0x10190]  }
0x75: {  	[tilespmem:s26+$0x0] =	vst.add.f32.msk $0xffff, v2  }
0x76: {  	s6 =	sor.u32 $0x280, s6;
	v1 =	vld [tilespmem:s3+$0x10180]  }
0x77: {  	s11 =	sor.u32 $0x300, s11;
	[tilespmem:s6+$0x0] =	vst.add.f32.msk $0xffff, v3  }
0x78: {  	s28 =	sor.u32 $0x190, s3;
	v2 =	vld [tilespmem:s11+$0x10000]  }
0x79: {  	[tilespmem:s28+$0x0] =	vst.add.f32.msk $0xffff, v0  }
0x7a: {  	s29 =	sor.u32 $0x180, s3;
	v3 =	vld [tilespmem:s3+$0x10210]  }
0x7b: {  	[tilespmem:s29+$0x0] =	vst.add.f32.msk $0xffff, v1  }
0x7c: {  	s0 =	sor.u32 s0, s0;
	s30 =	sor.u32 s10, s8;
	v1 =	vld [tilespmem:s3+$0x10200]  }
0x7d: {  	s12 =	sor.u32 $0x280, s3;
	s31 =	sor.u32 $0x210, s3;
	s6 =	sor.u32 $0x380, s0;
	[tilespmem:s11+$0x0] =	vst.add.f32.msk $0xffff, v2  }
0x7e: {  	s17 =	simm.s32 $0x2;
	s18 =	sor.u32 $0x200, s3;
	s0 =	simm.s32 $0x40;
	v0 =	vld [tilespmem:s6+$0x10000]  }
0x7f: {  	s19 =	simm.s32 $0x1;
	s25 =	simm.s32 $0x200;
	s11 =	sor.u32 $0x380, s30;
	[tilespmem:s31+$0x0] =	vst.add.f32.msk $0xffff, v3  }
.LBB2_3:
0x80: {  	s8 =	sand.u32 $0x60, s0;
	s26 =	sand.u32 $0x1C00, s25;
	s17 =	sadd.s32 $0x2, s17;
	v2 =	vld [tilespmem:s3+$0x10290]  }
0x81: {  	s8 =	sor.u32 s8, s26;
	p1 =	slt.u32 s17, $0x3E;
	s26 =	sand.u32 $0x3, s19;
	[tilespmem:s18+$0x0] =	vst.add.f32.msk $0xffff, v1  }
0x82: {  	s29 =	sor.u32 $0x80, s8;
	s31 =	sor.u32 $0x100, s8;
	v1 =	vld [tilespmem:s8+$0x10010];
	s28 =	sshll.u32 s26, $0x5  }
0x83: {  	s26 =	sor.u32 $0x180, s8;
	s18 =	sor.u32 $0x200, s8;
	v3 =	vld [tilespmem:s8+$0x10000];
	s10 =	sadd.s32 s28, s10  }
0x84: {  	s30 =	sor.u32 $0x290, s3;
	s28 =	sor.u32 $0x280, s8;
	v4 =	vld [tilespmem:s8+$0x10080];
	s2 =	sadd.s32 $0x10, s10  }
0x85: {  	s22 =	sor.u32 s25, s0;
	s9 =	sor.u32 $0x300, s10;
	[tilespmem:s30+$0x0] =	vst.add.f32.msk $0xffff, v2;
	s30 =	sor.u32 $0x300, s2  }
0x86: {  	s22 =	sor.u32 $0x380, s22;
	s13 =	sor.u32 $0x10, s8;
	s10 =	smov.u32 s25;
	v2 =	vld [tilespmem:s30+$0x10000]  }
0x87: {  	[tilespmem:s13+$0x0] =	vst.add.f32.msk $0xffff, v1  }
0x88: {  	v1 =	vld [tilespmem:s8+$0x10090]  }
0x89: {  	[tilespmem:s8+$0x0] =	vst.add.f32.msk $0xffff, v3  }
0x8a: {  	[tilespmem:s29+$0x0] =	vst.add.f32.msk $0xffff, v4  }
0x8b: {  	s2 =	sor.u32 $0x380, s2;
	[tilespmem:s30+$0x0] =	vst.add.f32.msk $0xffff, v2  }
0x8c: {  	s13 =	sor.u32 $0x90, s8;
	v2 =	vld [tilespmem:s2+$0x10000]  }
0x8d: {  	[tilespmem:s13+$0x0] =	vst.add.f32.msk $0xffff, v1  }
0x8e: {  	v1 =	vld [tilespmem:s8+$0x10110]  }
0x8f: {  	v3 =	vld [tilespmem:s8+$0x10100]  }
0x90: {  	v4 =	vld [tilespmem:s3+$0x10280];
	s3 =	smov.u32 s8  }
0x91: {  	[tilespmem:s2+$0x0] =	vst.add.f32.msk $0xffff, v2  }
0x92: {  	s2 =	sor.u32 $0x110, s3;
	[tilespmem:s6+$0x0] =	vst.add.f32.msk $0xffff, v0;
	s6 =	smov.u32 s11;
	s11 =	smov.u32 s22  }
0x93: {  	[tilespmem:s2+$0x0] =	vst.add.f32.msk $0xffff, v1  }
0x94: {  	v0 =	vld [tilespmem:s3+$0x10190]  }
0x95: {  	[tilespmem:s31+$0x0] =	vst.add.f32.msk $0xffff, v3  }
0x96: {  	v1 =	vld [tilespmem:s3+$0x10180]  }
0x97: {  	[tilespmem:s12+$0x0] =	vst.add.f32.msk $0xffff, v4;
	s12 =	smov.u32 s28  }
0x98: {  	s2 =	sor.u32 $0x190, s3;
	v2 =	vld [tilespmem:s9+$0x10000]  }
0x99: {  	[tilespmem:s2+$0x0] =	vst.add.f32.msk $0xffff, v0  }
0x9a: {  	v3 =	vld [tilespmem:s3+$0x10210]  }
.Ltmp2:
0x9b: {  	[tilespmem:s26+$0x0] =	vst.add.f32.msk $0xffff, v1;
	(pc) =	sbr.rel @p1 .LBB2_3-.Ltmp2, $4  }
0x9c: {  	v1 =	vld [tilespmem:s3+$0x10200]  }
0x9d: {  	[tilespmem:s9+$0x0] =	vst.add.f32.msk $0xffff, v2  }
0x9e: {  	s2 =	sor.u32 $0x210, s3;
	v0 =	vld [tilespmem:s6+$0x10000]  }
0x9f: {  	s0 =	sadd.s32 $0x20, s0;
	s19 =	sadd.s32 $0x1, s19;
	s25 =	sadd.s32 $0x100, s25;
	[tilespmem:s2+$0x0] =	vst.add.f32.msk $0xffff, v3  }
0xa0: {  	v2 =	vld [tilespmem:s3+$0x10290]  }
0xa1: {  	s0 =	sand.u32 $0x3, s19  }
0xa2: {  	[tilespmem:s18+$0x0] =	vst.add.f32.msk $0xffff, v1;
	s0 =	sshll.u32 s0, $0x5  }
0xa3: {  	v1 =	vld [tilespmem:s3+$0x10280];
	s0 =	sadd.s32 s0, s10  }
0xa4: {  	s2 =	sor.u32 $0x290, s3;
	s17 =	sadd.s32 $0x10, s0  }
0xa5: {  	s18 =	sor.u32 $0x300, s17;
	[tilespmem:s2+$0x0] =	vst.add.f32.msk $0xffff, v2  }
0xa6: {  	v2 =	vld [tilespmem:s18+$0x10000];
	_ =	sdelay $0x1  }
0xa7: {  	s0 =	sor.u32 $0x300, s0;
	[tilespmem:s12+$0x0] =	vst.add.f32.msk $0xffff, v1  }
0xa8: {  	v1 =	vld [tilespmem:s0+$0x10000];
	_ =	sdelay $0x1  }
0xa9: {  	s19 =	sor.u32 $0x380, s17;
	[tilespmem:s18+$0x0] =	vst.add.f32.msk $0xffff, v2  }
0xaa: {  	v2 =	vld [tilespmem:s19+$0x10000];
	_ =	sdelay $0x1  }
0xab: {  	[tilespmem:s0+$0x0] =	vst.add.f32.msk $0xffff, v1  }
0xac: {  	v1 =	vld [tilespmem:s11+$0x10000]  }
0xad: {  	[tilespmem:s6+$0x0] =	vst.add.f32.msk $0xffff, v0  }
0xae: {  	[tilespmem:s19+$0x0] =	vst.add.f32.msk $0xffff, v2  }
0xaf: {  	s21 =	sshll.u32 s7, $0xB;
	s2 =	rddreg [dreg:$0x4]  }
0xb0: {  	s3 =	sadd.s32 s2, s21  }
0xb1: {  	[tilespmem:s11+$0x0] =	vst.add.f32.msk $0xffff, v1;
	s0 =	sadd.s32 s4, s3  }
0xb2: {  	[hbm4b:s0+s5] =	stream.linear.scatter [tilespmem:s5], [sflag:$0x9], $0x2000, $0x38;
	[tilespmem:$0x14000] =	vst v63  }
0xb3: {  	s0 =	simm.s32 @!p0 $0xC  }
0xb4: {  	s26 =	sor.u32 $0x80400, s24;
	_ =	swait.ge @!p0 [sflag:s0], $0x2000  }
0xb5: {  	s25 =	simm.s32 $0x6000;
	s8 =	simm.s32 $0x3;
	[sflag:s0] =	ssyncset.done @!p0 $0x0  }
0xb6: {  	s22 =	sadd.s32 s1, s26;
	[sflag:s0] =	ssyncadd.s32 @!p0 $0xFFFFE000;
	s0 =	simm.s32 $0x0  }
0xb7: {  	[tilespmem:s25], [sflag:$0x4] =	stream.linear.gather [hbm4b:s22+s0], $0x2000, $0x38;
	[tilespmem:$0x14000] =	vst v63  }
0xb8: {  	_ =	swait.ge [sflag:s8], $0x2000  }
0xb9: {  	s28 =	sand.u32 $0x60, s0;
	s30 =	sand.u32 $0x1C00, s0;
	[sflag:s8] =	ssyncset.done $0x0  }
0xba: {  	s6 =	sor.u32 s28, s30;
	[sflag:s8] =	ssyncadd.s32 $0xFFFFE000  }
0xbb: {  	v0 =	vld [tilespmem:s6+$0x10010];
	_ =	sdelay $0x1  }
0xbc: {  	v1 =	vld [tilespmem:s6+$0x10000];
	_ =	sdelay $0x1  }
0xbd: {  	s2 =	sor.u32 $0x4010, s6  }
0xbe: {  	[tilespmem:s2+$0x0] =	vst.add.f32.msk $0xffff, v0  }
0xbf: {  	s8 =	sor.u32 $0x4000, s6;
	v0 =	vld [tilespmem:s6+$0x10090]  }
0xc0: {  	[tilespmem:s8+$0x0] =	vst.add.f32.msk $0xffff, v1  }
0xc1: {  	v1 =	vld [tilespmem:s6+$0x10080];
	_ =	sdelay $0x1  }
0xc2: {  	s9 =	sor.u32 $0x4090, s6  }
0xc3: {  	[tilespmem:s9+$0x0] =	vst.add.f32.msk $0xffff, v0  }
0xc4: {  	s10 =	sor.u32 $0x4080, s6;
	v0 =	vld [tilespmem:s6+$0x10110]  }
0xc5: {  	[tilespmem:s10+$0x0] =	vst.add.f32.msk $0xffff, v1  }
0xc6: {  	v1 =	vld [tilespmem:s6+$0x10100];
	_ =	sdelay $0x1  }
0xc7: {  	s11 =	sor.u32 $0x4110, s6  }
0xc8: {  	[tilespmem:s11+$0x0] =	vst.add.f32.msk $0xffff, v0  }
0xc9: {  	s12 =	sor.u32 $0x4100, s6;
	v0 =	vld [tilespmem:s6+$0x10190]  }
0xca: {  	[tilespmem:s12+$0x0] =	vst.add.f32.msk $0xffff, v1  }
0xcb: {  	v1 =	vld [tilespmem:s6+$0x10180];
	_ =	sdelay $0x1  }
0xcc: {  	s13 =	sor.u32 $0x4190, s6  }
0xcd: {  	[tilespmem:s13+$0x0] =	vst.add.f32.msk $0xffff, v0  }
0xce: {  	s14 =	sor.u32 $0x4180, s6;
	v0 =	vld [tilespmem:s6+$0x10210]  }
0xcf: {  	s2 =	simm.s32 $0x20;
	s10 =	simm.s32 $0x100;
	[tilespmem:s14+$0x0] =	vst.add.f32.msk $0xffff, v1  }
0xd0: {  	s17 =	sand.u32 $0x60, s2;
	s9 =	sand.u32 $0x1C00, s10;
	v1 =	vld [tilespmem:s6+$0x10200]  }
0xd1: {  	s25 =	sor.u32 s17, s9  }
0xd2: {  	s15 =	sor.u32 $0x4210, s6;
	v2 =	vld [tilespmem:s25+$0x10010]  }
0xd3: {  	[tilespmem:s15+$0x0] =	vst.add.f32.msk $0xffff, v0  }
0xd4: {  	s19 =	sor.u32 $0x4200, s6;
	v0 =	vld [tilespmem:s6+$0x10290]  }
0xd5: {  	s18 =	sand.u32 $0x3, s0;
	[tilespmem:s19+$0x0] =	vst.add.f32.msk $0xffff, v1  }
0xd6: {  	s8 =	sshll.u32 s18, $0x5;
	s30 =	sor.u32 $0x4010, s25;
	v1 =	vld [tilespmem:s25+$0x10000]  }
0xd7: {  	s8 =	sadd.s32 $0x0, s8;
	[tilespmem:s30+$0x0] =	vst.add.f32.msk $0xffff, v2  }
0xd8: {  	s21 =	sor.u32 $0x4290, s6;
	s22 =	sadd.s32 $0x10, s8;
	v2 =	vld [tilespmem:s25+$0x10090]  }
0xd9: {  	s28 =	sor.u32 $0x300, s22;
	[tilespmem:s21+$0x0] =	vst.add.f32.msk $0xffff, v0  }
0xda: {  	s13 =	sor.u32 $0x4000, s25;
	v0 =	vld [tilespmem:s28+$0x10000]  }
0xdb: {  	[tilespmem:s13+$0x0] =	vst.add.f32.msk $0xffff, v1  }
0xdc: {  	s15 =	sor.u32 $0x4090, s25;
	v1 =	vld [tilespmem:s25+$0x10080]  }
0xdd: {  	[tilespmem:s15+$0x0] =	vst.add.f32.msk $0xffff, v2  }
0xde: {  	v2 =	vld [tilespmem:s25+$0x10110]  }
0xdf: {  	s14 =	sor.u32 $0x380, s22;
	[tilespmem:s28+$0x4000] =	vst.add.f32.msk $0xffff, v0  }
0xe0: {  	s17 =	sor.u32 $0x4080, s25;
	v0 =	vld [tilespmem:s14+$0x10000]  }
0xe1: {  	[tilespmem:s17+$0x0] =	vst.add.f32.msk $0xffff, v1  }
0xe2: {  	v1 =	vld [tilespmem:s25+$0x10100]  }
0xe3: {  	s18 =	sor.u32 $0x4110, s25;
	v3 =	vld [tilespmem:s6+$0x10280]  }
0xe4: {  	[tilespmem:s18+$0x0] =	vst.add.f32.msk $0xffff, v2  }
0xe5: {  	[tilespmem:s14+$0x4000] =	vst.add.f32.msk $0xffff, v0  }
0xe6: {  	s19 =	sor.u32 $0x4100, s25;
	v0 =	vld [tilespmem:s25+$0x10190]  }
0xe7: {  	[tilespmem:s19+$0x0] =	vst.add.f32.msk $0xffff, v1  }
0xe8: {  	s6 =	sor.u32 $0x4280, s6;
	v1 =	vld [tilespmem:s25+$0x10180]  }
0xe9: {  	s8 =	sor.u32 $0x300, s8;
	[tilespmem:s6+$0x0] =	vst.add.f32.msk $0xffff, v3  }
0xea: {  	s21 =	sor.u32 $0x4190, s25;
	v2 =	vld [tilespmem:s8+$0x10000]  }
0xeb: {  	[tilespmem:s21+$0x0] =	vst.add.f32.msk $0xffff, v0  }
0xec: {  	s22 =	sor.u32 $0x4180, s25;
	v3 =	vld [tilespmem:s25+$0x10210]  }
0xed: {  	[tilespmem:s22+$0x0] =	vst.add.f32.msk $0xffff, v1  }
0xee: {  	s31 =	simm.s32 $0x40;
	s0 =	sor.u32 s0, s0;
	v1 =	vld [tilespmem:s25+$0x10200]  }
0xef: {  	s29 =	sor.u32 $0x4200, s25;
	s12 =	sor.u32 $0x4280, s25;
	s6 =	sor.u32 $0x380, s0;
	[tilespmem:s8+$0x4000] =	vst.add.f32.msk $0xffff, v2  }
0xf0: {  	s30 =	sor.u32 $0x4210, s25;
	s18 =	simm.s32 $0x1;
	s28 =	sor.u32 s10, s2;
	v0 =	vld [tilespmem:s6+$0x10000]  }
0xf1: {  	s17 =	simm.s32 $0x2;
	s11 =	sor.u32 $0x380, s28;
	s19 =	simm.s32 $0x200;
	[tilespmem:s30+$0x0] =	vst.add.f32.msk $0xffff, v3  }
.LBB2_5:
0xf2: {  	s0 =	sand.u32 $0x60, s31;
	s2 =	sand.u32 $0x1C00, s19;
	s17 =	sadd.s32 $0x2, s17;
	v2 =	vld [tilespmem:s25+$0x10290]  }
0xf3: {  	s2 =	sor.u32 s0, s2;
	p1 =	slt.u32 s17, $0x3E;
	s0 =	sand.u32 $0x3, s18;
	[tilespmem:s29+$0x0] =	vst.add.f32.msk $0xffff, v1  }
0xf4: {  	s8 =	sor.u32 $0x4000, s2;
	s9 =	sor.u32 $0x4080, s2;
	v1 =	vld [tilespmem:s2+$0x10010];
	s13 =	sshll.u32 s0, $0x5  }
0xf5: {  	s22 =	sor.u32 $0x4100, s2;
	s0 =	sor.u32 $0x4180, s2;
	v3 =	vld [tilespmem:s2+$0x10000];
	s10 =	sadd.s32 s13, s10  }
0xf6: {  	s29 =	sor.u32 $0x4200, s2;
	s13 =	sor.u32 $0x4290, s25;
	v4 =	vld [tilespmem:s25+$0x10280];
	s28 =	sadd.s32 $0x10, s10  }
0xf7: {  	s30 =	sor.u32 $0x4280, s2;
	s14 =	sor.u32 $0x300, s10;
	[tilespmem:s13+$0x0] =	vst.add.f32.msk $0xffff, v2;
	s13 =	sor.u32 $0x300, s28  }
0xf8: {  	s15 =	sor.u32 $0x4010, s2;
	s10 =	sor.u32 s19, s31;
	s25 =	smov.u32 s2;
	v2 =	vld [tilespmem:s13+$0x10000]  }
0xf9: {  	s2 =	sor.u32 $0x380, s10;
	s10 =	smov.u32 s19;
	[tilespmem:s15+$0x0] =	vst.add.f32.msk $0xffff, v1  }
0xfa: {  	v1 =	vld [tilespmem:s25+$0x10090]  }
0xfb: {  	[tilespmem:s8+$0x0] =	vst.add.f32.msk $0xffff, v3  }
0xfc: {  	v3 =	vld [tilespmem:s25+$0x10080]  }
0xfd: {  	s8 =	sor.u32 $0x380, s28;
	[tilespmem:s13+$0x4000] =	vst.add.f32.msk $0xffff, v2  }
0xfe: {  	s13 =	sor.u32 $0x4090, s25;
	v2 =	vld [tilespmem:s8+$0x10000]  }
0xff: {  	[tilespmem:s13+$0x0] =	vst.add.f32.msk $0xffff, v1  }
0x100: {  	v1 =	vld [tilespmem:s25+$0x10110]  }
0x101: {  	[tilespmem:s9+$0x0] =	vst.add.f32.msk $0xffff, v3  }
0x102: {  	v3 =	vld [tilespmem:s25+$0x10100]  }
0x103: {  	[tilespmem:s8+$0x4000] =	vst.add.f32.msk $0xffff, v2  }
0x104: {  	s8 =	sor.u32 $0x4110, s25;
	[tilespmem:s12+$0x0] =	vst.add.f32.msk $0xffff, v4;
	s12 =	smov.u32 s30  }
0x105: {  	[tilespmem:s8+$0x0] =	vst.add.f32.msk $0xffff, v1  }
0x106: {  	v1 =	vld [tilespmem:s25+$0x10190]  }
0x107: {  	[tilespmem:s22+$0x0] =	vst.add.f32.msk $0xffff, v3  }
0x108: {  	v2 =	vld [tilespmem:s25+$0x10180]  }
0x109: {  	v3 =	vld [tilespmem:s14+$0x10000]  }
0x10a: {  	s8 =	sor.u32 $0x4190, s25;
	[tilespmem:s6+$0x4000] =	vst.add.f32.msk $0xffff, v0;
	s6 =	smov.u32 s11;
	s11 =	smov.u32 s2  }
0x10b: {  	[tilespmem:s8+$0x0] =	vst.add.f32.msk $0xffff, v1  }
0x10c: {  	v4 =	vld [tilespmem:s25+$0x10210]  }
.Ltmp3:
0x10d: {  	[tilespmem:s0+$0x0] =	vst.add.f32.msk $0xffff, v2;
	(pc) =	sbr.rel @p1 .LBB2_5-.Ltmp3, $4  }
0x10e: {  	v1 =	vld [tilespmem:s25+$0x10200]  }
0x10f: {  	[tilespmem:s14+$0x4000] =	vst.add.f32.msk $0xffff, v3  }
0x110: {  	s0 =	sor.u32 $0x4210, s25;
	v0 =	vld [tilespmem:s6+$0x10000]  }
0x111: {  	s18 =	sadd.s32 $0x1, s18;
	s31 =	sadd.s32 $0x20, s31;
	s19 =	sadd.s32 $0x100, s19;
	[tilespmem:s0+$0x0] =	vst.add.f32.msk $0xffff, v4  }
0x112: {  	v2 =	vld [tilespmem:s25+$0x10290]  }
0x113: {  	s0 =	sand.u32 $0x3, s18;
	[tilespmem:s29+$0x0] =	vst.add.f32.msk $0xffff, v1  }
0x114: {  	s0 =	sshll.u32 s0, $0x5;
	v1 =	vld [tilespmem:s25+$0x10280]  }
0x115: {  	s0 =	sadd.s32 s0, s10  }
0x116: {  	s2 =	sor.u32 $0x4290, s25;
	s8 =	sadd.s32 $0x10, s0  }
0x117: {  	s15 =	sor.u32 $0x300, s8;
	[tilespmem:s2+$0x0] =	vst.add.f32.msk $0xffff, v2  }
0x118: {  	v2 =	vld [tilespmem:s15+$0x10000]  }
0x119: {  	s0 =	sor.u32 $0x300, s0;
	[tilespmem:s12+$0x0] =	vst.add.f32.msk $0xffff, v1  }
0x11a: {  	v1 =	vld [tilespmem:s0+$0x10000];
	_ =	sdelay $0x2  }
0x11b: {  	s17 =	sor.u32 $0x380, s8;
	[tilespmem:s15+$0x4000] =	vst.add.f32.msk $0xffff, v2  }
0x11c: {  	v2 =	vld [tilespmem:s17+$0x10000]  }
0x11d: {  	[tilespmem:s0+$0x4000] =	vst.add.f32.msk $0xffff, v1  }
0x11e: {  	v1 =	vld [tilespmem:s11+$0x10000];
	_ =	sdelay $0x2  }
0x11f: {  	[tilespmem:s6+$0x4000] =	vst.add.f32.msk $0xffff, v0  }
0x120: {  	[tilespmem:s17+$0x4000] =	vst.add.f32.msk $0xffff, v2  }
0x121: {  	[tilespmem:s11+$0x4000] =	vst.add.f32.msk $0xffff, v1  }
0x122: {  	s0 =	rddreg [dreg:$0xe]  }
0x123: {  	s18 =	simm.s32 $0x4000;
	s0 =	sadd.s32 s3, s0  }
0x124: {  	[hbm4b:s0+s5] =	stream.linear.scatter [tilespmem:s18], [sflag:$0xB], $0x2000, $0x38;
	[tilespmem:$0x14000] =	vst v63  }
0x125: {  	s0 =	simm.s32 @!p0 $0xE  }
0x126: {  	s21 =	simm.s32 $0xA000;
	_ =	swait.ge @!p0 [sflag:s0], $0x2000  }
0x127: {  	s22 =	simm.s32 $0x5;
	s25 =	sor.u32 $0x100400, s24;
	[sflag:s0] =	ssyncset.done @!p0 $0x0  }
0x128: {  	s19 =	sadd.s32 s1, s25;
	[sflag:s0] =	ssyncadd.s32 @!p0 $0xFFFFE000;
	s0 =	simm.s32 $0x0  }
0x129: {  	[tilespmem:s21], [sflag:$0x6] =	stream.linear.gather [hbm4b:s19+s0], $0x2000, $0x38;
	[tilespmem:$0x14000] =	vst v63  }
0x12a: {  	_ =	swait.ge [sflag:s22], $0x2000  }
0x12b: {  	s28 =	sand.u32 $0x60, s0;
	s30 =	sand.u32 $0x1C00, s0;
	[sflag:s22] =	ssyncset.done $0x0  }
0x12c: {  	s11 =	sor.u32 s28, s30;
	[sflag:s22] =	ssyncadd.s32 $0xFFFFE000  }
0x12d: {  	v0 =	vld [tilespmem:s11+$0x10010];
	_ =	sdelay $0x1  }
0x12e: {  	v1 =	vld [tilespmem:s11+$0x10000];
	_ =	sdelay $0x1  }
0x12f: {  	s2 =	sor.u32 $0x8010, s11  }
0x130: {  	[tilespmem:s2+$0x0] =	vst.add.f32.msk $0xffff, v0  }
0x131: {  	s6 =	sor.u32 $0x8000, s11;
	v0 =	vld [tilespmem:s11+$0x10090]  }
0x132: {  	[tilespmem:s6+$0x0] =	vst.add.f32.msk $0xffff, v1  }
0x133: {  	v1 =	vld [tilespmem:s11+$0x10080];
	_ =	sdelay $0x1  }
0x134: {  	s8 =	sor.u32 $0x8090, s11  }
0x135: {  	[tilespmem:s8+$0x0] =	vst.add.f32.msk $0xffff, v0  }
0x136: {  	s9 =	sor.u32 $0x8080, s11;
	v0 =	vld [tilespmem:s11+$0x10110]  }
0x137: {  	[tilespmem:s9+$0x0] =	vst.add.f32.msk $0xffff, v1  }
0x138: {  	v1 =	vld [tilespmem:s11+$0x10100];
	_ =	sdelay $0x1  }
0x139: {  	s10 =	sor.u32 $0x8110, s11  }
0x13a: {  	[tilespmem:s10+$0x0] =	vst.add.f32.msk $0xffff, v0  }
0x13b: {  	s12 =	sor.u32 $0x8100, s11;
	v0 =	vld [tilespmem:s11+$0x10190]  }
0x13c: {  	[tilespmem:s12+$0x0] =	vst.add.f32.msk $0xffff, v1  }
0x13d: {  	v1 =	vld [tilespmem:s11+$0x10180];
	_ =	sdelay $0x1  }
0x13e: {  	s13 =	sor.u32 $0x8190, s11  }
0x13f: {  	[tilespmem:s13+$0x0] =	vst.add.f32.msk $0xffff, v0  }
0x140: {  	s14 =	sor.u32 $0x8180, s11;
	v0 =	vld [tilespmem:s11+$0x10210]  }
0x141: {  	s6 =	simm.s32 $0x100;
	s2 =	simm.s32 $0x20;
	[tilespmem:s14+$0x0] =	vst.add.f32.msk $0xffff, v1  }
0x142: {  	s17 =	sand.u32 $0x60, s2;
	s9 =	sand.u32 $0x1C00, s6;
	v1 =	vld [tilespmem:s11+$0x10200]  }
0x143: {  	s10 =	sor.u32 s17, s9  }
0x144: {  	s15 =	sor.u32 $0x8210, s11;
	v2 =	vld [tilespmem:s10+$0x10010]  }
0x145: {  	[tilespmem:s15+$0x0] =	vst.add.f32.msk $0xffff, v0  }
0x146: {  	s19 =	sor.u32 $0x8200, s11;
	v0 =	vld [tilespmem:s11+$0x10290]  }
0x147: {  	s18 =	sand.u32 $0x3, s0;
	[tilespmem:s19+$0x0] =	vst.add.f32.msk $0xffff, v1  }
0x148: {  	s8 =	sshll.u32 s18, $0x5;
	s13 =	sor.u32 $0x8010, s10;
	v1 =	vld [tilespmem:s10+$0x10000]  }
0x149: {  	s8 =	sadd.s32 $0x0, s8;
	[tilespmem:s13+$0x0] =	vst.add.f32.msk $0xffff, v2  }
0x14a: {  	s21 =	sor.u32 $0x8290, s11;
	s22 =	sadd.s32 $0x10, s8;
	v2 =	vld [tilespmem:s10+$0x10090]  }
0x14b: {  	s28 =	sor.u32 $0x300, s22;
	[tilespmem:s21+$0x0] =	vst.add.f32.msk $0xffff, v0  }
0x14c: {  	s30 =	sor.u32 $0x8000, s10;
	v0 =	vld [tilespmem:s28+$0x10000]  }
0x14d: {  	[tilespmem:s30+$0x0] =	vst.add.f32.msk $0xffff, v1  }
0x14e: {  	s14 =	sor.u32 $0x8090, s10;
	v1 =	vld [tilespmem:s10+$0x10080]  }
0x14f: {  	[tilespmem:s14+$0x0] =	vst.add.f32.msk $0xffff, v2  }
0x150: {  	v2 =	vld [tilespmem:s10+$0x10110]  }
0x151: {  	s13 =	sor.u32 $0x380, s22;
	[tilespmem:s28+$0x8000] =	vst.add.f32.msk $0xffff, v0  }
0x152: {  	s15 =	sor.u32 $0x8080, s10;
	v0 =	vld [tilespmem:s13+$0x10000]  }
0x153: {  	[tilespmem:s15+$0x0] =	vst.add.f32.msk $0xffff, v1  }
0x154: {  	v1 =	vld [tilespmem:s10+$0x10100]  }
0x155: {  	s17 =	sor.u32 $0x8110, s10;
	v3 =	vld [tilespmem:s11+$0x10280]  }
0x156: {  	[tilespmem:s17+$0x0] =	vst.add.f32.msk $0xffff, v2  }
0x157: {  	[tilespmem:s13+$0x8000] =	vst.add.f32.msk $0xffff, v0  }
0x158: {  	s18 =	sor.u32 $0x8100, s10;
	v0 =	vld [tilespmem:s10+$0x10190]  }
0x159: {  	[tilespmem:s18+$0x0] =	vst.add.f32.msk $0xffff, v1  }
0x15a: {  	s19 =	sor.u32 $0x8280, s11;
	v1 =	vld [tilespmem:s10+$0x10180]  }
0x15b: {  	s8 =	sor.u32 $0x300, s8;
	[tilespmem:s19+$0x0] =	vst.add.f32.msk $0xffff, v3  }
0x15c: {  	s21 =	sor.u32 $0x8190, s10;
	v2 =	vld [tilespmem:s8+$0x10000]  }
0x15d: {  	[tilespmem:s21+$0x0] =	vst.add.f32.msk $0xffff, v0  }
0x15e: {  	s22 =	sor.u32 $0x8180, s10;
	v3 =	vld [tilespmem:s10+$0x10210]  }
0x15f: {  	[tilespmem:s22+$0x0] =	vst.add.f32.msk $0xffff, v1  }
0x160: {  	s29 =	simm.s32 $0x200;
	s0 =	sor.u32 s0, s0;
	v1 =	vld [tilespmem:s10+$0x10200]  }
0x161: {  	s31 =	sor.u32 $0x8200, s10;
	s11 =	sor.u32 $0x380, s0;
	s0 =	simm.s32 $0x40;
	[tilespmem:s8+$0x8000] =	vst.add.f32.msk $0xffff, v2  }
0x162: {  	s30 =	sor.u32 $0x8210, s10;
	s19 =	simm.s32 $0x1;
	s28 =	sor.u32 s6, s2;
	v0 =	vld [tilespmem:s11+$0x10000]  }
0x163: {  	s17 =	sor.u32 $0x8280, s10;
	s12 =	sor.u32 $0x380, s28;
	s18 =	simm.s32 $0x2;
	[tilespmem:s30+$0x0] =	vst.add.f32.msk $0xffff, v3  }
.LBB2_7:
0x164: {  	s2 =	sand.u32 $0x60, s0;
	s8 =	sand.u32 $0x1C00, s29;
	s18 =	sadd.s32 $0x2, s18;
	v2 =	vld [tilespmem:s10+$0x10290]  }
0x165: {  	s2 =	sor.u32 s2, s8;
	p1 =	slt.u32 s18, $0x3E;
	s8 =	sand.u32 $0x3, s19;
	[tilespmem:s31+$0x0] =	vst.add.f32.msk $0xffff, v1  }
0x166: {  	s9 =	sor.u32 $0x8000, s2;
	s13 =	sor.u32 $0x8080, s2;
	v1 =	vld [tilespmem:s2+$0x10010];
	s14 =	sshll.u32 s8, $0x5  }
0x167: {  	s15 =	sor.u32 $0x8100, s2;
	s8 =	sor.u32 $0x8180, s2;
	v3 =	vld [tilespmem:s2+$0x10000];
	s6 =	sadd.s32 s14, s6  }
0x168: {  	s31 =	sor.u32 $0x8200, s2;
	v4 =	vld [tilespmem:s10+$0x10280];
	s10 =	sor.u32 $0x8290, s10;
	s14 =	sadd.s32 $0x10, s6  }
0x169: {  	s22 =	sor.u32 $0x8280, s2;
	s28 =	sor.u32 $0x300, s6;
	[tilespmem:s10+$0x0] =	vst.add.f32.msk $0xffff, v2;
	s30 =	sor.u32 $0x300, s14  }
0x16a: {  	s21 =	sor.u32 $0x8010, s2;
	s6 =	sor.u32 s29, s0;
	s10 =	smov.u32 s2;
	v2 =	vld [tilespmem:s30+$0x10000]  }
0x16b: {  	s2 =	sor.u32 $0x380, s6;
	s6 =	smov.u32 s29;
	[tilespmem:s21+$0x0] =	vst.add.f32.msk $0xffff, v1  }
0x16c: {  	v1 =	vld [tilespmem:s10+$0x10090]  }
0x16d: {  	[tilespmem:s9+$0x0] =	vst.add.f32.msk $0xffff, v3  }
0x16e: {  	v3 =	vld [tilespmem:s10+$0x10080]  }
0x16f: {  	s9 =	sor.u32 $0x380, s14;
	[tilespmem:s30+$0x8000] =	vst.add.f32.msk $0xffff, v2  }
0x170: {  	s14 =	sor.u32 $0x8090, s10;
	v2 =	vld [tilespmem:s9+$0x10000]  }
0x171: {  	[tilespmem:s14+$0x0] =	vst.add.f32.msk $0xffff, v1  }
0x172: {  	v1 =	vld [tilespmem:s10+$0x10110]  }
0x173: {  	[tilespmem:s13+$0x0] =	vst.add.f32.msk $0xffff, v3  }
0x174: {  	v3 =	vld [tilespmem:s10+$0x10100]  }
0x175: {  	[tilespmem:s9+$0x8000] =	vst.add.f32.msk $0xffff, v2  }
0x176: {  	s9 =	sor.u32 $0x8110, s10;
	[tilespmem:s17+$0x0] =	vst.add.f32.msk $0xffff, v4;
	s17 =	smov.u32 s22  }
0x177: {  	[tilespmem:s9+$0x0] =	vst.add.f32.msk $0xffff, v1  }
0x178: {  	v1 =	vld [tilespmem:s10+$0x10190]  }
0x179: {  	[tilespmem:s15+$0x0] =	vst.add.f32.msk $0xffff, v3  }
0x17a: {  	v2 =	vld [tilespmem:s10+$0x10180]  }
0x17b: {  	v3 =	vld [tilespmem:s28+$0x10000]  }
0x17c: {  	s9 =	sor.u32 $0x8190, s10;
	[tilespmem:s11+$0x8000] =	vst.add.f32.msk $0xffff, v0;
	s11 =	smov.u32 s12;
	s12 =	smov.u32 s2  }
0x17d: {  	[tilespmem:s9+$0x0] =	vst.add.f32.msk $0xffff, v1  }
0x17e: {  	v4 =	vld [tilespmem:s10+$0x10210]  }
.Ltmp4:
0x17f: {  	[tilespmem:s8+$0x0] =	vst.add.f32.msk $0xffff, v2;
	(pc) =	sbr.rel @p1 .LBB2_7-.Ltmp4, $4  }
0x180: {  	v1 =	vld [tilespmem:s10+$0x10200]  }
0x181: {  	[tilespmem:s28+$0x8000] =	vst.add.f32.msk $0xffff, v3  }
0x182: {  	s2 =	sor.u32 $0x8210, s10;
	v0 =	vld [tilespmem:s11+$0x10000]  }
0x183: {  	s19 =	sadd.s32 $0x1, s19;
	s0 =	sadd.s32 $0x20, s0;
	s29 =	sadd.s32 $0x100, s29;
	[tilespmem:s2+$0x0] =	vst.add.f32.msk $0xffff, v4  }
0x184: {  	v2 =	vld [tilespmem:s10+$0x10290]  }
0x185: {  	s0 =	sand.u32 $0x3, s19;
	[tilespmem:s31+$0x0] =	vst.add.f32.msk $0xffff, v1  }
0x186: {  	s0 =	sshll.u32 s0, $0x5;
	v1 =	vld [tilespmem:s10+$0x10280]  }
0x187: {  	s0 =	sadd.s32 s0, s6  }
0x188: {  	s2 =	sor.u32 $0x8290, s10;
	s6 =	sadd.s32 $0x10, s0  }
0x189: {  	s15 =	sor.u32 $0x300, s6;
	[tilespmem:s2+$0x0] =	vst.add.f32.msk $0xffff, v2  }
0x18a: {  	v2 =	vld [tilespmem:s15+$0x10000]  }
0x18b: {  	s0 =	sor.u32 $0x300, s0;
	[tilespmem:s17+$0x0] =	vst.add.f32.msk $0xffff, v1  }
0x18c: {  	v1 =	vld [tilespmem:s0+$0x10000];
	_ =	sdelay $0x2  }
0x18d: {  	s18 =	sor.u32 $0x380, s6;
	[tilespmem:s15+$0x8000] =	vst.add.f32.msk $0xffff, v2  }
0x18e: {  	v2 =	vld [tilespmem:s18+$0x10000]  }
0x18f: {  	[tilespmem:s0+$0x8000] =	vst.add.f32.msk $0xffff, v1  }
0x190: {  	v1 =	vld [tilespmem:s12+$0x10000];
	_ =	sdelay $0x2  }
0x191: {  	[tilespmem:s11+$0x8000] =	vst.add.f32.msk $0xffff, v0  }
0x192: {  	[tilespmem:s18+$0x8000] =	vst.add.f32.msk $0xffff, v2  }
0x193: {  	[tilespmem:s12+$0x8000] =	vst.add.f32.msk $0xffff, v1  }
0x194: {  	s0 =	rddreg [dreg:$0xf]  }
0x195: {  	s19 =	simm.s32 $0x8000;
	s0 =	sadd.s32 s3, s0  }
0x196: {  	[hbm4b:s0+s5] =	stream.linear.scatter [tilespmem:s19], [sflag:$0xD], $0x2000, $0x38;
	[tilespmem:$0x14000] =	vst v63  }
0x197: {  	s0 =	simm.s32 @!p0 $0x10  }
0x198: {  	s24 =	sor.u32 $0x180400, s24;
	_ =	swait.ge @!p0 [sflag:s0], $0x2000  }
0x199: {  	s22 =	simm.s32 $0xE000;
	s8 =	simm.s32 $0x7;
	[sflag:s0] =	ssyncset.done @!p0 $0x0  }
0x19a: {  	s21 =	sadd.s32 s1, s24;
	[sflag:s0] =	ssyncadd.s32 @!p0 $0xFFFFE000;
	s0 =	simm.s32 $0x0  }
0x19b: {  	[tilespmem:s22], [sflag:$0x8] =	stream.linear.gather [hbm4b:s21+s0], $0x2000, $0x38;
	[tilespmem:$0x14000] =	vst v63  }
0x19c: {  	_ =	swait.ge [sflag:s8], $0x2000  }
0x19d: {  	s28 =	sand.u32 $0x60, s0;
	s30 =	sand.u32 $0x1C00, s0;
	[sflag:s8] =	ssyncset.done $0x0  }
0x19e: {  	s11 =	sor.u32 s28, s30;
	[sflag:s8] =	ssyncadd.s32 $0xFFFFE000  }
0x19f: {  	v0 =	vld [tilespmem:s11+$0x10010];
	_ =	sdelay $0x1  }
0x1a0: {  	v1 =	vld [tilespmem:s11+$0x10000];
	_ =	sdelay $0x1  }
0x1a1: {  	s2 =	sor.u32 $0xC010, s11  }
0x1a2: {  	[tilespmem:s2+$0x0] =	vst.add.f32.msk $0xffff, v0  }
0x1a3: {  	s6 =	sor.u32 $0xC000, s11;
	v0 =	vld [tilespmem:s11+$0x10090]  }
0x1a4: {  	[tilespmem:s6+$0x0] =	vst.add.f32.msk $0xffff, v1  }
0x1a5: {  	v1 =	vld [tilespmem:s11+$0x10080];
	_ =	sdelay $0x1  }
0x1a6: {  	s8 =	sor.u32 $0xC090, s11  }
0x1a7: {  	[tilespmem:s8+$0x0] =	vst.add.f32.msk $0xffff, v0  }
0x1a8: {  	s9 =	sor.u32 $0xC080, s11;
	v0 =	vld [tilespmem:s11+$0x10110]  }
0x1a9: {  	[tilespmem:s9+$0x0] =	vst.add.f32.msk $0xffff, v1  }
0x1aa: {  	v1 =	vld [tilespmem:s11+$0x10100];
	_ =	sdelay $0x1  }
0x1ab: {  	s10 =	sor.u32 $0xC110, s11  }
0x1ac: {  	[tilespmem:s10+$0x0] =	vst.add.f32.msk $0xffff, v0  }
0x1ad: {  	s12 =	sor.u32 $0xC100, s11;
	v0 =	vld [tilespmem:s11+$0x10190]  }
0x1ae: {  	[tilespmem:s12+$0x0] =	vst.add.f32.msk $0xffff, v1  }
0x1af: {  	v1 =	vld [tilespmem:s11+$0x10180];
	_ =	sdelay $0x1  }
0x1b0: {  	s13 =	sor.u32 $0xC190, s11  }
0x1b1: {  	[tilespmem:s13+$0x0] =	vst.add.f32.msk $0xffff, v0  }
0x1b2: {  	s14 =	sor.u32 $0xC180, s11;
	v0 =	vld [tilespmem:s11+$0x10210]  }
0x1b3: {  	s6 =	simm.s32 $0x100;
	s2 =	simm.s32 $0x20;
	[tilespmem:s14+$0x0] =	vst.add.f32.msk $0xffff, v1  }
0x1b4: {  	s17 =	sand.u32 $0x60, s2;
	s9 =	sand.u32 $0x1C00, s6;
	v1 =	vld [tilespmem:s11+$0x10200]  }
0x1b5: {  	s10 =	sor.u32 s17, s9  }
0x1b6: {  	s15 =	sor.u32 $0xC210, s11;
	v2 =	vld [tilespmem:s10+$0x10010]  }
0x1b7: {  	[tilespmem:s15+$0x0] =	vst.add.f32.msk $0xffff, v0  }
0x1b8: {  	s19 =	sor.u32 $0xC200, s11;
	v0 =	vld [tilespmem:s11+$0x10290]  }
0x1b9: {  	s18 =	sand.u32 $0x3, s0;
	[tilespmem:s19+$0x0] =	vst.add.f32.msk $0xffff, v1  }
0x1ba: {  	s8 =	sshll.u32 s18, $0x5;
	s13 =	sor.u32 $0xC010, s10;
	v1 =	vld [tilespmem:s10+$0x10000]  }
0x1bb: {  	s8 =	sadd.s32 $0x0, s8;
	[tilespmem:s13+$0x0] =	vst.add.f32.msk $0xffff, v2  }
0x1bc: {  	s21 =	sor.u32 $0xC290, s11;
	s22 =	sadd.s32 $0x10, s8;
	v2 =	vld [tilespmem:s10+$0x10090]  }
0x1bd: {  	s28 =	sor.u32 $0x300, s22;
	[tilespmem:s21+$0x0] =	vst.add.f32.msk $0xffff, v0  }
0x1be: {  	s30 =	sor.u32 $0xC000, s10;
	v0 =	vld [tilespmem:s28+$0x10000]  }
0x1bf: {  	[tilespmem:s30+$0x0] =	vst.add.f32.msk $0xffff, v1  }
0x1c0: {  	s14 =	sor.u32 $0xC090, s10;
	v1 =	vld [tilespmem:s10+$0x10080]  }
0x1c1: {  	[tilespmem:s14+$0x0] =	vst.add.f32.msk $0xffff, v2  }
0x1c2: {  	v2 =	vld [tilespmem:s10+$0x10110]  }
0x1c3: {  	s13 =	sor.u32 $0x380, s22;
	[tilespmem:s28+$0xC000] =	vst.add.f32.msk $0xffff, v0  }
0x1c4: {  	s15 =	sor.u32 $0xC080, s10;
	v0 =	vld [tilespmem:s13+$0x10000]  }
0x1c5: {  	[tilespmem:s15+$0x0] =	vst.add.f32.msk $0xffff, v1  }
0x1c6: {  	v1 =	vld [tilespmem:s10+$0x10100]  }
0x1c7: {  	s17 =	sor.u32 $0xC110, s10;
	v3 =	vld [tilespmem:s11+$0x10280]  }
0x1c8: {  	[tilespmem:s17+$0x0] =	vst.add.f32.msk $0xffff, v2  }
0x1c9: {  	[tilespmem:s13+$0xC000] =	vst.add.f32.msk $0xffff, v0  }
0x1ca: {  	s18 =	sor.u32 $0xC100, s10;
	v0 =	vld [tilespmem:s10+$0x10190]  }
0x1cb: {  	[tilespmem:s18+$0x0] =	vst.add.f32.msk $0xffff, v1  }
0x1cc: {  	s19 =	sor.u32 $0xC280, s11;
	v1 =	vld [tilespmem:s10+$0x10180]  }
0x1cd: {  	s8 =	sor.u32 $0x300, s8;
	[tilespmem:s19+$0x0] =	vst.add.f32.msk $0xffff, v3  }
0x1ce: {  	s21 =	sor.u32 $0xC190, s10;
	v2 =	vld [tilespmem:s8+$0x10000]  }
0x1cf: {  	[tilespmem:s21+$0x0] =	vst.add.f32.msk $0xffff, v0  }
0x1d0: {  	s22 =	sor.u32 $0xC180, s10;
	v3 =	vld [tilespmem:s10+$0x10210]  }
0x1d1: {  	[tilespmem:s22+$0x0] =	vst.add.f32.msk $0xffff, v1  }
0x1d2: {  	s29 =	simm.s32 $0x200;
	s0 =	sor.u32 s0, s0;
	v1 =	vld [tilespmem:s10+$0x10200]  }
0x1d3: {  	s31 =	sor.u32 $0xC200, s10;
	s11 =	sor.u32 $0x380, s0;
	s0 =	simm.s32 $0x40;
	[tilespmem:s8+$0xC000] =	vst.add.f32.msk $0xffff, v2  }
0x1d4: {  	s30 =	sor.u32 $0xC210, s10;
	s19 =	simm.s32 $0x1;
	s28 =	sor.u32 s6, s2;
	v0 =	vld [tilespmem:s11+$0x10000]  }
0x1d5: {  	s17 =	sor.u32 $0xC280, s10;
	s12 =	sor.u32 $0x380, s28;
	s18 =	simm.s32 $0x2;
	[tilespmem:s30+$0x0] =	vst.add.f32.msk $0xffff, v3  }
.LBB2_9:
0x1d6: {  	s2 =	sand.u32 $0x60, s0;
	s8 =	sand.u32 $0x1C00, s29;
	s18 =	sadd.s32 $0x2, s18;
	v2 =	vld [tilespmem:s10+$0x10290]  }
0x1d7: {  	s2 =	sor.u32 s2, s8;
	p0 =	slt.u32 s18, $0x3E;
	s8 =	sand.u32 $0x3, s19;
	[tilespmem:s31+$0x0] =	vst.add.f32.msk $0xffff, v1  }
0x1d8: {  	s9 =	sor.u32 $0xC000, s2;
	s13 =	sor.u32 $0xC080, s2;
	v1 =	vld [tilespmem:s2+$0x10010];
	s14 =	sshll.u32 s8, $0x5  }
0x1d9: {  	s15 =	sor.u32 $0xC100, s2;
	s8 =	sor.u32 $0xC180, s2;
	v3 =	vld [tilespmem:s2+$0x10000];
	s6 =	sadd.s32 s14, s6  }
0x1da: {  	s31 =	sor.u32 $0xC200, s2;
	v4 =	vld [tilespmem:s10+$0x10280];
	s10 =	sor.u32 $0xC290, s10;
	s14 =	sadd.s32 $0x10, s6  }
0x1db: {  	s21 =	sor.u32 $0xC280, s2;
	s22 =	sor.u32 $0x300, s6;
	[tilespmem:s10+$0x0] =	vst.add.f32.msk $0xffff, v2;
	s28 =	sor.u32 $0x300, s14  }
0x1dc: {  	s30 =	sor.u32 $0xC010, s2;
	s6 =	sor.u32 s29, s0;
	s10 =	smov.u32 s2;
	v2 =	vld [tilespmem:s28+$0x10000]  }
0x1dd: {  	s2 =	sor.u32 $0x380, s6;
	s6 =	smov.u32 s29;
	[tilespmem:s30+$0x0] =	vst.add.f32.msk $0xffff, v1  }
0x1de: {  	v1 =	vld [tilespmem:s10+$0x10090]  }
0x1df: {  	[tilespmem:s9+$0x0] =	vst.add.f32.msk $0xffff, v3  }
0x1e0: {  	v3 =	vld [tilespmem:s10+$0x10080]  }
0x1e1: {  	s9 =	sor.u32 $0x380, s14;
	[tilespmem:s28+$0xC000] =	vst.add.f32.msk $0xffff, v2  }
0x1e2: {  	s14 =	sor.u32 $0xC090, s10;
	v2 =	vld [tilespmem:s9+$0x10000]  }
0x1e3: {  	[tilespmem:s14+$0x0] =	vst.add.f32.msk $0xffff, v1  }
0x1e4: {  	v1 =	vld [tilespmem:s10+$0x10110]  }
0x1e5: {  	[tilespmem:s13+$0x0] =	vst.add.f32.msk $0xffff, v3  }
0x1e6: {  	v3 =	vld [tilespmem:s10+$0x10100]  }
0x1e7: {  	[tilespmem:s9+$0xC000] =	vst.add.f32.msk $0xffff, v2  }
0x1e8: {  	s9 =	sor.u32 $0xC110, s10;
	[tilespmem:s17+$0x0] =	vst.add.f32.msk $0xffff, v4;
	s17 =	smov.u32 s21  }
0x1e9: {  	[tilespmem:s9+$0x0] =	vst.add.f32.msk $0xffff, v1  }
0x1ea: {  	v1 =	vld [tilespmem:s10+$0x10190]  }
0x1eb: {  	[tilespmem:s15+$0x0] =	vst.add.f32.msk $0xffff, v3  }
0x1ec: {  	v2 =	vld [tilespmem:s10+$0x10180]  }
0x1ed: {  	v3 =	vld [tilespmem:s22+$0x10000]  }
0x1ee: {  	s9 =	sor.u32 $0xC190, s10;
	[tilespmem:s11+$0xC000] =	vst.add.f32.msk $0xffff, v0;
	s11 =	smov.u32 s12;
	s12 =	smov.u32 s2  }
0x1ef: {  	[tilespmem:s9+$0x0] =	vst.add.f32.msk $0xffff, v1  }
0x1f0: {  	v4 =	vld [tilespmem:s10+$0x10210]  }
.Ltmp5:
0x1f1: {  	[tilespmem:s8+$0x0] =	vst.add.f32.msk $0xffff, v2;
	(pc) =	sbr.rel @p0 .LBB2_9-.Ltmp5, $4  }
0x1f2: {  	v1 =	vld [tilespmem:s10+$0x10200]  }
0x1f3: {  	[tilespmem:s22+$0xC000] =	vst.add.f32.msk $0xffff, v3  }
0x1f4: {  	s2 =	sor.u32 $0xC210, s10;
	v0 =	vld [tilespmem:s11+$0x10000]  }
0x1f5: {  	s19 =	sadd.s32 $0x1, s19;
	s0 =	sadd.s32 $0x20, s0;
	s29 =	sadd.s32 $0x100, s29;
	[tilespmem:s2+$0x0] =	vst.add.f32.msk $0xffff, v4  }
0x1f6: {  	v2 =	vld [tilespmem:s10+$0x10290]  }
0x1f7: {  	s0 =	sand.u32 $0x3, s19;
	[tilespmem:s31+$0x0] =	vst.add.f32.msk $0xffff, v1  }
0x1f8: {  	s0 =	sshll.u32 s0, $0x5;
	v1 =	vld [tilespmem:s10+$0x10280]  }
0x1f9: {  	s0 =	sadd.s32 s0, s6  }
0x1fa: {  	s2 =	sor.u32 $0xC290, s10;
	s6 =	sadd.s32 $0x10, s0  }
0x1fb: {  	s18 =	sor.u32 $0x300, s6;
	[tilespmem:s2+$0x0] =	vst.add.f32.msk $0xffff, v2  }
0x1fc: {  	v2 =	vld [tilespmem:s18+$0x10000]  }
0x1fd: {  	s0 =	sor.u32 $0x300, s0;
	[tilespmem:s17+$0x0] =	vst.add.f32.msk $0xffff, v1  }
0x1fe: {  	v1 =	vld [tilespmem:s0+$0x10000];
	_ =	sdelay $0x2  }
0x1ff: {  	s19 =	sor.u32 $0x380, s6;
	[tilespmem:s18+$0xC000] =	vst.add.f32.msk $0xffff, v2  }
0x200: {  	v2 =	vld [tilespmem:s19+$0x10000]  }
0x201: {  	[tilespmem:s0+$0xC000] =	vst.add.f32.msk $0xffff, v1  }
0x202: {  	v1 =	vld [tilespmem:s12+$0x10000];
	_ =	sdelay $0x2  }
0x203: {  	[tilespmem:s11+$0xC000] =	vst.add.f32.msk $0xffff, v0  }
0x204: {  	[tilespmem:s19+$0xC000] =	vst.add.f32.msk $0xffff, v2  }
0x205: {  	[tilespmem:s12+$0xC000] =	vst.add.f32.msk $0xffff, v1  }
0x206: {  	p0 =	seq.s32 s7, $0x7;
	s0 =	rddreg [dreg:$0x10]  }
0x207: {  	s21 =	simm.s32 $0xC000;
	s2 =	simm.s32 @p0 $0x12;
	s0 =	sadd.s32 s3, s0  }
0x208: {  	[hbm4b:s0+s5] =	stream.linear.scatter [tilespmem:s21], [sflag:$0xF], $0x2000, $0x38;
	[tilespmem:$0x14000] =	vst v63  }
0x209: {  	s0 =	sadd.s32 $0x2, s23;
	_ =	swait.ge @p0 [sflag:s2], $0x2000  }
0x20a: {  	s0 =	sadd.s32 @!p0 s16, s0;
	[sflag:s2] =	ssyncset.done @p0 $0x0  }
0x20b: {  	s3 =	sshll.u32 @!p0 s0, $0xA;
	[sflag:s2] =	ssyncadd.s32 @p0 $0xFFFFE000  }
0x20c: {  	s0 =	sand.u32 @!p0 $0x1FFFF800, s3;
	s2 =	rddreg [dreg:$0x1]  }
0x20d: {  	s8 =	simm.s32 @!p0 $0x10000;
	s6 =	simm.s32 @!p0 $0x0;
	s2 =	sadd.s32 @!p0 s2, s0  }
0x20e: {  	[tilespmem:s8], [sflag:$0x11] =	stream.linear.gather @!p0 [hbm4b:s2+s6], $0x2000, $0x38;
	[tilespmem:$0x14000] =	vst v63  }
0x20f: {  	s2 =	simm.s32 @!p0 $0x12  }
0x210: {  	_ =	swait.ge @!p0 [sflag:s2], $0x2000  }
0x211: {  	[sflag:s2] =	ssyncset.done @!p0 $0x0  }
0x212: {  	[sflag:s2] =	ssyncadd.s32 @!p0 $0xFFFFE000;
	s2 =	simm.s32 @!p0 $0x9  }
0x213: {  	_ =	swait.ge @!p0 [sflag:s2], $0x2000  }
0x214: {  	[sflag:s2] =	ssyncset.done @!p0 $0x0  }
0x215: {  	s22 =	simm.s32 $0x2;
	s0 =	sadd.s32 @!p0 s1, s0;
	[sflag:s2] =	ssyncadd.s32 @!p0 $0xFFFFE000  }
0x216: {  	[tilespmem:s6], [sflag:$0x1] =	stream.linear.gather @!p0 [hbm4b:s0+s6], $0x2000, $0x38;
	[tilespmem:$0x14000] =	vst v63  }
0x217: {  	s0 =	simm.s32 $0x0;
	_ =	swait.ge [sflag:s22], $0x2000  }
0x218: {  	s28 =	sand.u32 $0x60, s0;
	s30 =	sand.u32 $0x1C00, s0;
	[sflag:s22] =	ssyncset.done $0x0  }
0x219: {  	s11 =	sor.u32 s28, s30;
	[sflag:s22] =	ssyncadd.s32 $0xFFFFE000  }
0x21a: {  	v0 =	vld [tilespmem:s11+$0x12010];
	_ =	sdelay $0x1  }
0x21b: {  	v1 =	vld [tilespmem:s11+$0x12000];
	_ =	sdelay $0x1  }
0x21c: {  	s2 =	sor.u32 $0x2010, s11  }
0x21d: {  	[tilespmem:s2+$0x0] =	vst.add.f32.msk $0xffff, v0  }
0x21e: {  	s6 =	sor.u32 $0x2000, s11;
	v0 =	vld [tilespmem:s11+$0x12090]  }
0x21f: {  	[tilespmem:s6+$0x0] =	vst.add.f32.msk $0xffff, v1  }
0x220: {  	v1 =	vld [tilespmem:s11+$0x12080];
	_ =	sdelay $0x1  }
0x221: {  	s8 =	sor.u32 $0x2090, s11  }
0x222: {  	[tilespmem:s8+$0x0] =	vst.add.f32.msk $0xffff, v0  }
0x223: {  	s9 =	sor.u32 $0x2080, s11;
	v0 =	vld [tilespmem:s11+$0x12110]  }
0x224: {  	[tilespmem:s9+$0x0] =	vst.add.f32.msk $0xffff, v1  }
0x225: {  	v1 =	vld [tilespmem:s11+$0x12100];
	_ =	sdelay $0x1  }
0x226: {  	s10 =	sor.u32 $0x2110, s11  }
0x227: {  	[tilespmem:s10+$0x0] =	vst.add.f32.msk $0xffff, v0  }
0x228: {  	s12 =	sor.u32 $0x2100, s11;
	v0 =	vld [tilespmem:s11+$0x12190]  }
0x229: {  	[tilespmem:s12+$0x0] =	vst.add.f32.msk $0xffff, v1  }
0x22a: {  	v1 =	vld [tilespmem:s11+$0x12180];
	_ =	sdelay $0x1  }
0x22b: {  	s13 =	sor.u32 $0x2190, s11  }
0x22c: {  	[tilespmem:s13+$0x0] =	vst.add.f32.msk $0xffff, v0  }
0x22d: {  	s14 =	sor.u32 $0x2180, s11;
	v0 =	vld [tilespmem:s11+$0x12210]  }
0x22e: {  	s6 =	simm.s32 $0x100;
	s2 =	simm.s32 $0x20;
	[tilespmem:s14+$0x0] =	vst.add.f32.msk $0xffff, v1  }
0x22f: {  	s17 =	sand.u32 $0x60, s2;
	s9 =	sand.u32 $0x1C00, s6;
	v1 =	vld [tilespmem:s11+$0x12200]  }
0x230: {  	s10 =	sor.u32 s17, s9  }
0x231: {  	s15 =	sor.u32 $0x2210, s11;
	v2 =	vld [tilespmem:s10+$0x12010]  }
0x232: {  	[tilespmem:s15+$0x0] =	vst.add.f32.msk $0xffff, v0  }
0x233: {  	s19 =	sor.u32 $0x2200, s11;
	v0 =	vld [tilespmem:s11+$0x12290]  }
0x234: {  	s18 =	sand.u32 $0x3, s0;
	[tilespmem:s19+$0x0] =	vst.add.f32.msk $0xffff, v1  }
0x235: {  	s8 =	sshll.u32 s18, $0x5;
	s13 =	sor.u32 $0x2010, s10;
	v1 =	vld [tilespmem:s10+$0x12000]  }
0x236: {  	s8 =	sadd.s32 $0x0, s8;
	[tilespmem:s13+$0x0] =	vst.add.f32.msk $0xffff, v2  }
0x237: {  	s21 =	sor.u32 $0x2290, s11;
	s22 =	sadd.s32 $0x10, s8;
	v2 =	vld [tilespmem:s10+$0x12090]  }
0x238: {  	s28 =	sor.u32 $0x300, s22;
	[tilespmem:s21+$0x0] =	vst.add.f32.msk $0xffff, v0  }
0x239: {  	s30 =	sor.u32 $0x2000, s10;
	v0 =	vld [tilespmem:s28+$0x12000]  }
0x23a: {  	[tilespmem:s30+$0x0] =	vst.add.f32.msk $0xffff, v1  }
0x23b: {  	s14 =	sor.u32 $0x2090, s10;
	v1 =	vld [tilespmem:s10+$0x12080]  }
0x23c: {  	[tilespmem:s14+$0x0] =	vst.add.f32.msk $0xffff, v2  }
0x23d: {  	v2 =	vld [tilespmem:s10+$0x12110]  }
0x23e: {  	s13 =	sor.u32 $0x380, s22;
	[tilespmem:s28+$0x2000] =	vst.add.f32.msk $0xffff, v0  }
0x23f: {  	s15 =	sor.u32 $0x2080, s10;
	v0 =	vld [tilespmem:s13+$0x12000]  }
0x240: {  	[tilespmem:s15+$0x0] =	vst.add.f32.msk $0xffff, v1  }
0x241: {  	v1 =	vld [tilespmem:s10+$0x12100]  }
0x242: {  	s17 =	sor.u32 $0x2110, s10;
	v3 =	vld [tilespmem:s11+$0x12280]  }
0x243: {  	[tilespmem:s17+$0x0] =	vst.add.f32.msk $0xffff, v2  }
0x244: {  	[tilespmem:s13+$0x2000] =	vst.add.f32.msk $0xffff, v0  }
0x245: {  	s18 =	sor.u32 $0x2100, s10;
	v0 =	vld [tilespmem:s10+$0x12190]  }
0x246: {  	[tilespmem:s18+$0x0] =	vst.add.f32.msk $0xffff, v1  }
0x247: {  	s19 =	sor.u32 $0x2280, s11;
	v1 =	vld [tilespmem:s10+$0x12180]  }
0x248: {  	s8 =	sor.u32 $0x300, s8;
	[tilespmem:s19+$0x0] =	vst.add.f32.msk $0xffff, v3  }
0x249: {  	s21 =	sor.u32 $0x2190, s10;
	v2 =	vld [tilespmem:s8+$0x12000]  }
0x24a: {  	[tilespmem:s21+$0x0] =	vst.add.f32.msk $0xffff, v0  }
0x24b: {  	s22 =	sor.u32 $0x2180, s10;
	v3 =	vld [tilespmem:s10+$0x12210]  }
0x24c: {  	[tilespmem:s22+$0x0] =	vst.add.f32.msk $0xffff, v1  }
0x24d: {  	s29 =	simm.s32 $0x200;
	s0 =	sor.u32 s0, s0;
	v1 =	vld [tilespmem:s10+$0x12200]  }
0x24e: {  	s31 =	sor.u32 $0x2200, s10;
	s11 =	sor.u32 $0x380, s0;
	s0 =	simm.s32 $0x40;
	[tilespmem:s8+$0x2000] =	vst.add.f32.msk $0xffff, v2  }
0x24f: {  	s30 =	sor.u32 $0x2210, s10;
	s19 =	simm.s32 $0x1;
	s28 =	sor.u32 s6, s2;
	v0 =	vld [tilespmem:s11+$0x12000]  }
0x250: {  	s17 =	sor.u32 $0x2280, s10;
	s12 =	sor.u32 $0x380, s28;
	s18 =	simm.s32 $0x2;
	[tilespmem:s30+$0x0] =	vst.add.f32.msk $0xffff, v3  }
.LBB2_11:
0x251: {  	s2 =	sand.u32 $0x60, s0;
	s8 =	sand.u32 $0x1C00, s29;
	s18 =	sadd.s32 $0x2, s18;
	v2 =	vld [tilespmem:s10+$0x12290]  }
0x252: {  	s2 =	sor.u32 s2, s8;
	p1 =	slt.u32 s18, $0x3E;
	s8 =	sand.u32 $0x3, s19;
	[tilespmem:s31+$0x0] =	vst.add.f32.msk $0xffff, v1  }
0x253: {  	s9 =	sor.u32 $0x2000, s2;
	s13 =	sor.u32 $0x2080, s2;
	v1 =	vld [tilespmem:s2+$0x12010];
	s14 =	sshll.u32 s8, $0x5  }
0x254: {  	s15 =	sor.u32 $0x2100, s2;
	s8 =	sor.u32 $0x2180, s2;
	v3 =	vld [tilespmem:s2+$0x12000];
	s6 =	sadd.s32 s14, s6  }
0x255: {  	s31 =	sor.u32 $0x2200, s2;
	v4 =	vld [tilespmem:s10+$0x12280];
	s10 =	sor.u32 $0x2290, s10;
	s14 =	sadd.s32 $0x10, s6  }
0x256: {  	s21 =	sor.u32 $0x2280, s2;
	s22 =	sor.u32 $0x300, s6;
	[tilespmem:s10+$0x0] =	vst.add.f32.msk $0xffff, v2;
	s28 =	sor.u32 $0x300, s14  }
0x257: {  	s30 =	sor.u32 $0x2010, s2;
	s6 =	sor.u32 s29, s0;
	s10 =	smov.u32 s2;
	v2 =	vld [tilespmem:s28+$0x12000]  }
0x258: {  	s2 =	sor.u32 $0x380, s6;
	s6 =	smov.u32 s29;
	[tilespmem:s30+$0x0] =	vst.add.f32.msk $0xffff, v1  }
0x259: {  	v1 =	vld [tilespmem:s10+$0x12090]  }
0x25a: {  	[tilespmem:s9+$0x0] =	vst.add.f32.msk $0xffff, v3  }
0x25b: {  	v3 =	vld [tilespmem:s10+$0x12080]  }
0x25c: {  	s9 =	sor.u32 $0x380, s14;
	[tilespmem:s28+$0x2000] =	vst.add.f32.msk $0xffff, v2  }
0x25d: {  	s14 =	sor.u32 $0x2090, s10;
	v2 =	vld [tilespmem:s9+$0x12000]  }
0x25e: {  	[tilespmem:s14+$0x0] =	vst.add.f32.msk $0xffff, v1  }
0x25f: {  	v1 =	vld [tilespmem:s10+$0x12110]  }
0x260: {  	[tilespmem:s13+$0x0] =	vst.add.f32.msk $0xffff, v3  }
0x261: {  	v3 =	vld [tilespmem:s10+$0x12100]  }
0x262: {  	[tilespmem:s9+$0x2000] =	vst.add.f32.msk $0xffff, v2  }
0x263: {  	s9 =	sor.u32 $0x2110, s10;
	[tilespmem:s17+$0x0] =	vst.add.f32.msk $0xffff, v4;
	s17 =	smov.u32 s21  }
0x264: {  	[tilespmem:s9+$0x0] =	vst.add.f32.msk $0xffff, v1  }
0x265: {  	v1 =	vld [tilespmem:s10+$0x12190]  }
0x266: {  	[tilespmem:s15+$0x0] =	vst.add.f32.msk $0xffff, v3  }
0x267: {  	v2 =	vld [tilespmem:s10+$0x12180]  }
0x268: {  	v3 =	vld [tilespmem:s22+$0x12000]  }
0x269: {  	s9 =	sor.u32 $0x2190, s10;
	[tilespmem:s11+$0x2000] =	vst.add.f32.msk $0xffff, v0;
	s11 =	smov.u32 s12;
	s12 =	smov.u32 s2  }
0x26a: {  	[tilespmem:s9+$0x0] =	vst.add.f32.msk $0xffff, v1  }
0x26b: {  	v4 =	vld [tilespmem:s10+$0x12210]  }
.Ltmp6:
0x26c: {  	[tilespmem:s8+$0x0] =	vst.add.f32.msk $0xffff, v2;
	(pc) =	sbr.rel @p1 .LBB2_11-.Ltmp6, $4  }
0x26d: {  	v1 =	vld [tilespmem:s10+$0x12200]  }
0x26e: {  	[tilespmem:s22+$0x2000] =	vst.add.f32.msk $0xffff, v3  }
0x26f: {  	s2 =	sor.u32 $0x2210, s10;
	v0 =	vld [tilespmem:s11+$0x12000]  }
0x270: {  	s19 =	sadd.s32 $0x1, s19;
	s0 =	sadd.s32 $0x20, s0;
	s29 =	sadd.s32 $0x100, s29;
	[tilespmem:s2+$0x0] =	vst.add.f32.msk $0xffff, v4  }
0x271: {  	v2 =	vld [tilespmem:s10+$0x12290]  }
0x272: {  	s0 =	sand.u32 $0x3, s19;
	[tilespmem:s31+$0x0] =	vst.add.f32.msk $0xffff, v1  }
0x273: {  	s0 =	sshll.u32 s0, $0x5;
	v1 =	vld [tilespmem:s10+$0x12280]  }
0x274: {  	s0 =	sadd.s32 s0, s6  }
0x275: {  	s2 =	sor.u32 $0x2290, s10;
	s6 =	sadd.s32 $0x10, s0  }
0x276: {  	s19 =	sor.u32 $0x300, s6;
	[tilespmem:s2+$0x0] =	vst.add.f32.msk $0xffff, v2  }
0x277: {  	v2 =	vld [tilespmem:s19+$0x12000]  }
0x278: {  	s0 =	sor.u32 $0x300, s0;
	[tilespmem:s17+$0x0] =	vst.add.f32.msk $0xffff, v1  }
0x279: {  	v1 =	vld [tilespmem:s0+$0x12000];
	_ =	sdelay $0x2  }
0x27a: {  	s21 =	sor.u32 $0x380, s6;
	[tilespmem:s19+$0x2000] =	vst.add.f32.msk $0xffff, v2  }
0x27b: {  	v2 =	vld [tilespmem:s21+$0x12000]  }
0x27c: {  	[tilespmem:s0+$0x2000] =	vst.add.f32.msk $0xffff, v1  }
0x27d: {  	v1 =	vld [tilespmem:s12+$0x12000];
	_ =	sdelay $0x2  }
0x27e: {  	[tilespmem:s11+$0x2000] =	vst.add.f32.msk $0xffff, v0  }
0x27f: {  	[tilespmem:s21+$0x2000] =	vst.add.f32.msk $0xffff, v2  }
0x280: {  	s22 =	sadd.s32 s4, s20;
	s31 =	simm.s32 $0x2000;
	s0 =	simm.s32 @!p0 $0xB;
	[tilespmem:s12+$0x2000] =	vst.add.f32.msk $0xffff, v1  }
0x281: {  	[hbm4b:s22+s5] =	stream.linear.scatter [tilespmem:s31], [sflag:$0xA], $0x2000, $0x38;
	[tilespmem:$0x14000] =	vst v63  }
0x282: {  	_ =	swait.ge @!p0 [sflag:s0], $0x2000  }
0x283: {  	[sflag:s0] =	ssyncset.done @!p0 $0x0  }
0x284: {  	s8 =	simm.s32 $0x4;
	[sflag:s0] =	ssyncadd.s32 @!p0 $0xFFFFE000;
	s0 =	rddreg [dreg:$0x8]  }
0x285: {  	s6 =	simm.s32 @!p0 $0x4000;
	s2 =	simm.s32 @!p0 $0x0;
	s0 =	sadd.s32 @!p0 s3, s0  }
0x286: {  	[tilespmem:s6], [sflag:$0x3] =	stream.linear.gather @!p0 [hbm4b:s0+s2], $0x2000, $0x38;
	[tilespmem:$0x14000] =	vst v63  }
0x287: {  	s0 =	simm.s32 $0x0;
	_ =	swait.ge [sflag:s8], $0x2000  }
0x288: {  	s28 =	sand.u32 $0x60, s0;
	s30 =	sand.u32 $0x1C00, s0;
	[sflag:s8] =	ssyncset.done $0x0  }
0x289: {  	s11 =	sor.u32 s28, s30;
	[sflag:s8] =	ssyncadd.s32 $0xFFFFE000  }
0x28a: {  	v0 =	vld [tilespmem:s11+$0x12010];
	_ =	sdelay $0x1  }
0x28b: {  	v1 =	vld [tilespmem:s11+$0x12000];
	_ =	sdelay $0x1  }
0x28c: {  	s2 =	sor.u32 $0x6010, s11  }
0x28d: {  	[tilespmem:s2+$0x0] =	vst.add.f32.msk $0xffff, v0  }
0x28e: {  	s8 =	sor.u32 $0x6000, s11;
	v0 =	vld [tilespmem:s11+$0x12090]  }
0x28f: {  	[tilespmem:s8+$0x0] =	vst.add.f32.msk $0xffff, v1  }
0x290: {  	v1 =	vld [tilespmem:s11+$0x12080];
	_ =	sdelay $0x1  }
0x291: {  	s9 =	sor.u32 $0x6090, s11  }
0x292: {  	[tilespmem:s9+$0x0] =	vst.add.f32.msk $0xffff, v0  }
0x293: {  	s10 =	sor.u32 $0x6080, s11;
	v0 =	vld [tilespmem:s11+$0x12110]  }
0x294: {  	[tilespmem:s10+$0x0] =	vst.add.f32.msk $0xffff, v1  }
0x295: {  	v1 =	vld [tilespmem:s11+$0x12100];
	_ =	sdelay $0x1  }
0x296: {  	s12 =	sor.u32 $0x6110, s11  }
0x297: {  	[tilespmem:s12+$0x0] =	vst.add.f32.msk $0xffff, v0  }
0x298: {  	s13 =	sor.u32 $0x6100, s11;
	v0 =	vld [tilespmem:s11+$0x12190]  }
0x299: {  	[tilespmem:s13+$0x0] =	vst.add.f32.msk $0xffff, v1  }
0x29a: {  	v1 =	vld [tilespmem:s11+$0x12180];
	_ =	sdelay $0x1  }
0x29b: {  	s14 =	sor.u32 $0x6190, s11  }
0x29c: {  	[tilespmem:s14+$0x0] =	vst.add.f32.msk $0xffff, v0  }
0x29d: {  	s15 =	sor.u32 $0x6180, s11;
	v0 =	vld [tilespmem:s11+$0x12210]  }
0x29e: {  	s6 =	simm.s32 $0x100;
	s2 =	simm.s32 $0x20;
	[tilespmem:s15+$0x0] =	vst.add.f32.msk $0xffff, v1  }
0x29f: {  	s18 =	sand.u32 $0x60, s2;
	s9 =	sand.u32 $0x1C00, s6;
	v1 =	vld [tilespmem:s11+$0x12200]  }
0x2a0: {  	s10 =	sor.u32 s18, s9  }
0x2a1: {  	s17 =	sor.u32 $0x6210, s11;
	v2 =	vld [tilespmem:s10+$0x12010]  }
0x2a2: {  	[tilespmem:s17+$0x0] =	vst.add.f32.msk $0xffff, v0  }
0x2a3: {  	s20 =	sor.u32 $0x6200, s11;
	v0 =	vld [tilespmem:s11+$0x12290]  }
0x2a4: {  	s19 =	sand.u32 $0x3, s0;
	[tilespmem:s20+$0x0] =	vst.add.f32.msk $0xffff, v1  }
0x2a5: {  	s8 =	sshll.u32 s19, $0x5;
	s13 =	sor.u32 $0x6010, s10;
	v1 =	vld [tilespmem:s10+$0x12000]  }
0x2a6: {  	s8 =	sadd.s32 $0x0, s8;
	[tilespmem:s13+$0x0] =	vst.add.f32.msk $0xffff, v2  }
0x2a7: {  	s21 =	sor.u32 $0x6290, s11;
	s22 =	sadd.s32 $0x10, s8;
	v2 =	vld [tilespmem:s10+$0x12090]  }
0x2a8: {  	s28 =	sor.u32 $0x300, s22;
	[tilespmem:s21+$0x0] =	vst.add.f32.msk $0xffff, v0  }
0x2a9: {  	s30 =	sor.u32 $0x6000, s10;
	v0 =	vld [tilespmem:s28+$0x12000]  }
0x2aa: {  	[tilespmem:s30+$0x0] =	vst.add.f32.msk $0xffff, v1  }
0x2ab: {  	s15 =	sor.u32 $0x6090, s10;
	v1 =	vld [tilespmem:s10+$0x12080]  }
0x2ac: {  	[tilespmem:s15+$0x0] =	vst.add.f32.msk $0xffff, v2  }
0x2ad: {  	v2 =	vld [tilespmem:s10+$0x12110]  }
0x2ae: {  	s14 =	sor.u32 $0x380, s22;
	[tilespmem:s28+$0x6000] =	vst.add.f32.msk $0xffff, v0  }
0x2af: {  	s17 =	sor.u32 $0x6080, s10;
	v0 =	vld [tilespmem:s14+$0x12000]  }
0x2b0: {  	[tilespmem:s17+$0x0] =	vst.add.f32.msk $0xffff, v1  }
0x2b1: {  	v1 =	vld [tilespmem:s10+$0x12100]  }
0x2b2: {  	s18 =	sor.u32 $0x6110, s10;
	v3 =	vld [tilespmem:s11+$0x12280]  }
0x2b3: {  	[tilespmem:s18+$0x0] =	vst.add.f32.msk $0xffff, v2  }
0x2b4: {  	[tilespmem:s14+$0x6000] =	vst.add.f32.msk $0xffff, v0  }
0x2b5: {  	s19 =	sor.u32 $0x6100, s10;
	v0 =	vld [tilespmem:s10+$0x12190]  }
0x2b6: {  	[tilespmem:s19+$0x0] =	vst.add.f32.msk $0xffff, v1  }
0x2b7: {  	s20 =	sor.u32 $0x6280, s11;
	v1 =	vld [tilespmem:s10+$0x12180]  }
0x2b8: {  	s8 =	sor.u32 $0x300, s8;
	[tilespmem:s20+$0x0] =	vst.add.f32.msk $0xffff, v3  }
0x2b9: {  	s21 =	sor.u32 $0x6190, s10;
	v2 =	vld [tilespmem:s8+$0x12000]  }
0x2ba: {  	[tilespmem:s21+$0x0] =	vst.add.f32.msk $0xffff, v0  }
0x2bb: {  	s22 =	sor.u32 $0x6180, s10;
	v3 =	vld [tilespmem:s10+$0x12210]  }
0x2bc: {  	[tilespmem:s22+$0x0] =	vst.add.f32.msk $0xffff, v1  }
0x2bd: {  	s0 =	sor.u32 s0, s0;
	s29 =	sor.u32 $0x6200, s10;
	v1 =	vld [tilespmem:s10+$0x12200]  }
0x2be: {  	s11 =	sor.u32 $0x380, s0;
	s18 =	simm.s32 $0x2;
	s0 =	simm.s32 $0x40;
	[tilespmem:s8+$0x6000] =	vst.add.f32.msk $0xffff, v2  }
0x2bf: {  	s30 =	sor.u32 $0x6210, s10;
	s20 =	simm.s32 $0x200;
	s28 =	sor.u32 s6, s2;
	v0 =	vld [tilespmem:s11+$0x12000]  }
0x2c0: {  	s17 =	sor.u32 $0x6280, s10;
	s12 =	sor.u32 $0x380, s28;
	s19 =	simm.s32 $0x1;
	[tilespmem:s30+$0x0] =	vst.add.f32.msk $0xffff, v3  }
.LBB2_13:
0x2c1: {  	s2 =	sand.u32 $0x60, s0;
	s8 =	sand.u32 $0x1C00, s20;
	s18 =	sadd.s32 $0x2, s18;
	v2 =	vld [tilespmem:s10+$0x12290]  }
0x2c2: {  	s2 =	sor.u32 s2, s8;
	p1 =	slt.u32 s18, $0x3E;
	s8 =	sand.u32 $0x3, s19;
	[tilespmem:s29+$0x0] =	vst.add.f32.msk $0xffff, v1  }
0x2c3: {  	s9 =	sor.u32 $0x6000, s2;
	s13 =	sor.u32 $0x6080, s2;
	v1 =	vld [tilespmem:s2+$0x12010];
	s14 =	sshll.u32 s8, $0x5  }
0x2c4: {  	s15 =	sor.u32 $0x6100, s2;
	s8 =	sor.u32 $0x6180, s2;
	v3 =	vld [tilespmem:s2+$0x12000];
	s6 =	sadd.s32 s14, s6  }
0x2c5: {  	s29 =	sor.u32 $0x6200, s2;
	v4 =	vld [tilespmem:s10+$0x12280];
	s10 =	sor.u32 $0x6290, s10;
	s14 =	sadd.s32 $0x10, s6  }
0x2c6: {  	s21 =	sor.u32 $0x6280, s2;
	s22 =	sor.u32 $0x300, s6;
	[tilespmem:s10+$0x0] =	vst.add.f32.msk $0xffff, v2;
	s28 =	sor.u32 $0x300, s14  }
0x2c7: {  	s30 =	sor.u32 $0x6010, s2;
	s6 =	sor.u32 s20, s0;
	s10 =	smov.u32 s2;
	v2 =	vld [tilespmem:s28+$0x12000]  }
0x2c8: {  	s2 =	sor.u32 $0x380, s6;
	s6 =	smov.u32 s20;
	[tilespmem:s30+$0x0] =	vst.add.f32.msk $0xffff, v1  }
0x2c9: {  	v1 =	vld [tilespmem:s10+$0x12090]  }
0x2ca: {  	[tilespmem:s9+$0x0] =	vst.add.f32.msk $0xffff, v3  }
0x2cb: {  	v3 =	vld [tilespmem:s10+$0x12080]  }
0x2cc: {  	s9 =	sor.u32 $0x380, s14;
	[tilespmem:s28+$0x6000] =	vst.add.f32.msk $0xffff, v2  }
0x2cd: {  	s14 =	sor.u32 $0x6090, s10;
	v2 =	vld [tilespmem:s9+$0x12000]  }
0x2ce: {  	[tilespmem:s14+$0x0] =	vst.add.f32.msk $0xffff, v1  }
0x2cf: {  	v1 =	vld [tilespmem:s10+$0x12110]  }
0x2d0: {  	[tilespmem:s13+$0x0] =	vst.add.f32.msk $0xffff, v3  }
0x2d1: {  	v3 =	vld [tilespmem:s10+$0x12100]  }
0x2d2: {  	[tilespmem:s9+$0x6000] =	vst.add.f32.msk $0xffff, v2  }
0x2d3: {  	s9 =	sor.u32 $0x6110, s10;
	[tilespmem:s17+$0x0] =	vst.add.f32.msk $0xffff, v4;
	s17 =	smov.u32 s21  }
0x2d4: {  	[tilespmem:s9+$0x0] =	vst.add.f32.msk $0xffff, v1  }
0x2d5: {  	v1 =	vld [tilespmem:s10+$0x12190]  }
0x2d6: {  	[tilespmem:s15+$0x0] =	vst.add.f32.msk $0xffff, v3  }
0x2d7: {  	v2 =	vld [tilespmem:s10+$0x12180]  }
0x2d8: {  	v3 =	vld [tilespmem:s22+$0x12000]  }
0x2d9: {  	s9 =	sor.u32 $0x6190, s10;
	[tilespmem:s11+$0x6000] =	vst.add.f32.msk $0xffff, v0;
	s11 =	smov.u32 s12;
	s12 =	smov.u32 s2  }
0x2da: {  	[tilespmem:s9+$0x0] =	vst.add.f32.msk $0xffff, v1  }
0x2db: {  	v4 =	vld [tilespmem:s10+$0x12210]  }
.Ltmp7:
0x2dc: {  	[tilespmem:s8+$0x0] =	vst.add.f32.msk $0xffff, v2;
	(pc) =	sbr.rel @p1 .LBB2_13-.Ltmp7, $4  }
0x2dd: {  	v1 =	vld [tilespmem:s10+$0x12200]  }
0x2de: {  	[tilespmem:s22+$0x6000] =	vst.add.f32.msk $0xffff, v3  }
0x2df: {  	s2 =	sor.u32 $0x6210, s10;
	v0 =	vld [tilespmem:s11+$0x12000]  }
0x2e0: {  	s19 =	sadd.s32 $0x1, s19;
	s0 =	sadd.s32 $0x20, s0;
	s20 =	sadd.s32 $0x100, s20;
	[tilespmem:s2+$0x0] =	vst.add.f32.msk $0xffff, v4  }
0x2e1: {  	v2 =	vld [tilespmem:s10+$0x12290]  }
0x2e2: {  	s0 =	sand.u32 $0x3, s19;
	[tilespmem:s29+$0x0] =	vst.add.f32.msk $0xffff, v1  }
0x2e3: {  	s0 =	sshll.u32 s0, $0x5;
	v1 =	vld [tilespmem:s10+$0x12280]  }
0x2e4: {  	s0 =	sadd.s32 s0, s6  }
0x2e5: {  	s2 =	sor.u32 $0x6290, s10;
	s6 =	sadd.s32 $0x10, s0  }
0x2e6: {  	s30 =	sor.u32 $0x300, s6;
	[tilespmem:s2+$0x0] =	vst.add.f32.msk $0xffff, v2  }
0x2e7: {  	v2 =	vld [tilespmem:s30+$0x12000]  }
0x2e8: {  	s0 =	sor.u32 $0x300, s0;
	[tilespmem:s17+$0x0] =	vst.add.f32.msk $0xffff, v1  }
0x2e9: {  	v1 =	vld [tilespmem:s0+$0x12000];
	_ =	sdelay $0x2  }
0x2ea: {  	s8 =	sor.u32 $0x380, s6;
	[tilespmem:s30+$0x6000] =	vst.add.f32.msk $0xffff, v2  }
0x2eb: {  	v2 =	vld [tilespmem:s8+$0x12000]  }
0x2ec: {  	[tilespmem:s0+$0x6000] =	vst.add.f32.msk $0xffff, v1  }
0x2ed: {  	v1 =	vld [tilespmem:s12+$0x12000];
	_ =	sdelay $0x2  }
0x2ee: {  	[tilespmem:s11+$0x6000] =	vst.add.f32.msk $0xffff, v0  }
0x2ef: {  	[tilespmem:s8+$0x6000] =	vst.add.f32.msk $0xffff, v2  }
0x2f0: {  	s9 =	sadd.s32 s4, s26;
	s10 =	simm.s32 $0x6000;
	s0 =	simm.s32 @!p0 $0xD;
	[tilespmem:s12+$0x6000] =	vst.add.f32.msk $0xffff, v1  }
0x2f1: {  	[hbm4b:s9+s5] =	stream.linear.scatter [tilespmem:s10], [sflag:$0xC], $0x2000, $0x38;
	[tilespmem:$0x14000] =	vst v63  }
0x2f2: {  	_ =	swait.ge @!p0 [sflag:s0], $0x2000  }
0x2f3: {  	[sflag:s0] =	ssyncset.done @!p0 $0x0  }
0x2f4: {  	s6 =	simm.s32 @!p0 $0x8000;
	[sflag:s0] =	ssyncadd.s32 @!p0 $0xFFFFE000;
	s0 =	rddreg [dreg:$0x9]  }
0x2f5: {  	s2 =	simm.s32 @!p0 $0x0;
	s8 =	simm.s32 $0x6;
	s0 =	sadd.s32 @!p0 s3, s0  }
0x2f6: {  	[tilespmem:s6], [sflag:$0x5] =	stream.linear.gather @!p0 [hbm4b:s0+s2], $0x2000, $0x38;
	[tilespmem:$0x14000] =	vst v63  }
0x2f7: {  	s0 =	simm.s32 $0x0;
	_ =	swait.ge [sflag:s8], $0x2000  }
0x2f8: {  	s11 =	sand.u32 $0x60, s0;
	s12 =	sand.u32 $0x1C00, s0;
	[sflag:s8] =	ssyncset.done $0x0  }
0x2f9: {  	s11 =	sor.u32 s11, s12;
	[sflag:s8] =	ssyncadd.s32 $0xFFFFE000  }
0x2fa: {  	v0 =	vld [tilespmem:s11+$0x12010];
	_ =	sdelay $0x1  }
0x2fb: {  	v1 =	vld [tilespmem:s11+$0x12000];
	_ =	sdelay $0x1  }
0x2fc: {  	s2 =	sor.u32 $0xA010, s11  }
0x2fd: {  	[tilespmem:s2+$0x0] =	vst.add.f32.msk $0xffff, v0  }
0x2fe: {  	s13 =	sor.u32 $0xA000, s11;
	v0 =	vld [tilespmem:s11+$0x12090]  }
0x2ff: {  	[tilespmem:s13+$0x0] =	vst.add.f32.msk $0xffff, v1  }
0x300: {  	v1 =	vld [tilespmem:s11+$0x12080];
	_ =	sdelay $0x1  }
0x301: {  	s14 =	sor.u32 $0xA090, s11  }
0x302: {  	[tilespmem:s14+$0x0] =	vst.add.f32.msk $0xffff, v0  }
0x303: {  	s15 =	sor.u32 $0xA080, s11;
	v0 =	vld [tilespmem:s11+$0x12110]  }
0x304: {  	[tilespmem:s15+$0x0] =	vst.add.f32.msk $0xffff, v1  }
0x305: {  	v1 =	vld [tilespmem:s11+$0x12100];
	_ =	sdelay $0x1  }
0x306: {  	s17 =	sor.u32 $0xA110, s11  }
0x307: {  	[tilespmem:s17+$0x0] =	vst.add.f32.msk $0xffff, v0  }
0x308: {  	s18 =	sor.u32 $0xA100, s11;
	v0 =	vld [tilespmem:s11+$0x12190]  }
0x309: {  	[tilespmem:s18+$0x0] =	vst.add.f32.msk $0xffff, v1  }
0x30a: {  	v1 =	vld [tilespmem:s11+$0x12180];
	_ =	sdelay $0x1  }
0x30b: {  	s19 =	sor.u32 $0xA190, s11  }
0x30c: {  	[tilespmem:s19+$0x0] =	vst.add.f32.msk $0xffff, v0  }
0x30d: {  	s20 =	sor.u32 $0xA180, s11;
	v0 =	vld [tilespmem:s11+$0x12210]  }
0x30e: {  	s6 =	simm.s32 $0x100;
	s2 =	simm.s32 $0x20;
	[tilespmem:s20+$0x0] =	vst.add.f32.msk $0xffff, v1  }
0x30f: {  	s9 =	sand.u32 $0x1C00, s6;
	s22 =	sand.u32 $0x60, s2;
	v1 =	vld [tilespmem:s11+$0x12200]  }
0x310: {  	s10 =	sor.u32 s22, s9  }
0x311: {  	s21 =	sor.u32 $0xA210, s11;
	v2 =	vld [tilespmem:s10+$0x12010]  }
0x312: {  	[tilespmem:s21+$0x0] =	vst.add.f32.msk $0xffff, v0  }
0x313: {  	s28 =	sor.u32 $0xA200, s11;
	v0 =	vld [tilespmem:s11+$0x12290]  }
0x314: {  	s26 =	sand.u32 $0x3, s0;
	[tilespmem:s28+$0x0] =	vst.add.f32.msk $0xffff, v1  }
0x315: {  	s8 =	sshll.u32 s26, $0x5;
	s13 =	sor.u32 $0xA010, s10;
	v1 =	vld [tilespmem:s10+$0x12000]  }
0x316: {  	s8 =	sadd.s32 $0x0, s8;
	[tilespmem:s13+$0x0] =	vst.add.f32.msk $0xffff, v2  }
0x317: {  	s29 =	sor.u32 $0xA290, s11;
	s30 =	sadd.s32 $0x10, s8;
	v2 =	vld [tilespmem:s10+$0x12090]  }
0x318: {  	s14 =	sor.u32 $0x300, s30;
	[tilespmem:s29+$0x0] =	vst.add.f32.msk $0xffff, v0  }
0x319: {  	s15 =	sor.u32 $0xA000, s10;
	v0 =	vld [tilespmem:s14+$0x12000]  }
0x31a: {  	[tilespmem:s15+$0x0] =	vst.add.f32.msk $0xffff, v1  }
0x31b: {  	s18 =	sor.u32 $0xA090, s10;
	v1 =	vld [tilespmem:s10+$0x12080]  }
0x31c: {  	[tilespmem:s18+$0x0] =	vst.add.f32.msk $0xffff, v2  }
0x31d: {  	v2 =	vld [tilespmem:s10+$0x12110]  }
0x31e: {  	s17 =	sor.u32 $0x380, s30;
	[tilespmem:s14+$0xA000] =	vst.add.f32.msk $0xffff, v0  }
0x31f: {  	s19 =	sor.u32 $0xA080, s10;
	v0 =	vld [tilespmem:s17+$0x12000]  }
0x320: {  	[tilespmem:s19+$0x0] =	vst.add.f32.msk $0xffff, v1  }
0x321: {  	s20 =	sor.u32 $0xA110, s10;
	v1 =	vld [tilespmem:s10+$0x12100]  }
0x322: {  	[tilespmem:s20+$0x0] =	vst.add.f32.msk $0xffff, v2  }
0x323: {  	v3 =	vld [tilespmem:s11+$0x12280]  }
0x324: {  	[tilespmem:s17+$0xA000] =	vst.add.f32.msk $0xffff, v0  }
0x325: {  	s21 =	sor.u32 $0xA100, s10;
	v0 =	vld [tilespmem:s10+$0x12190]  }
0x326: {  	[tilespmem:s21+$0x0] =	vst.add.f32.msk $0xffff, v1  }
0x327: {  	s22 =	sor.u32 $0xA280, s11;
	v1 =	vld [tilespmem:s10+$0x12180]  }
0x328: {  	s8 =	sor.u32 $0x300, s8;
	[tilespmem:s22+$0x0] =	vst.add.f32.msk $0xffff, v3  }
0x329: {  	s26 =	sor.u32 $0xA190, s10;
	v2 =	vld [tilespmem:s8+$0x12000]  }
0x32a: {  	[tilespmem:s26+$0x0] =	vst.add.f32.msk $0xffff, v0  }
0x32b: {  	s28 =	sor.u32 $0xA180, s10;
	v3 =	vld [tilespmem:s10+$0x12210]  }
0x32c: {  	[tilespmem:s28+$0x0] =	vst.add.f32.msk $0xffff, v1  }
0x32d: {  	s0 =	sor.u32 s0, s0;
	s30 =	sor.u32 $0xA210, s10;
	v1 =	vld [tilespmem:s10+$0x12200]  }
0x32e: {  	s18 =	simm.s32 $0x2;
	s11 =	sor.u32 $0x380, s0;
	s29 =	sor.u32 s6, s2;
	[tilespmem:s8+$0xA000] =	vst.add.f32.msk $0xffff, v2  }
0x32f: {  	s20 =	simm.s32 $0x200;
	s0 =	simm.s32 $0x40;
	s12 =	sor.u32 $0x380, s29;
	v0 =	vld [tilespmem:s11+$0x12000]  }
0x330: {  	s19 =	simm.s32 $0x1;
	s17 =	sor.u32 $0xA280, s10;
	s26 =	sor.u32 $0xA200, s10;
	[tilespmem:s30+$0x0] =	vst.add.f32.msk $0xffff, v3  }
.LBB2_15:
0x331: {  	s2 =	sand.u32 $0x60, s0;
	s8 =	sand.u32 $0x1C00, s20;
	s18 =	sadd.s32 $0x2, s18;
	v2 =	vld [tilespmem:s10+$0x12290]  }
0x332: {  	s2 =	sor.u32 s2, s8;
	p1 =	slt.u32 s18, $0x3E;
	s8 =	sand.u32 $0x3, s19;
	[tilespmem:s26+$0x0] =	vst.add.f32.msk $0xffff, v1  }
0x333: {  	s9 =	sor.u32 $0xA000, s2;
	s13 =	sor.u32 $0xA080, s2;
	v1 =	vld [tilespmem:s2+$0x12010];
	s14 =	sshll.u32 s8, $0x5  }
0x334: {  	s15 =	sor.u32 $0xA100, s2;
	s8 =	sor.u32 $0xA180, s2;
	v3 =	vld [tilespmem:s2+$0x12000];
	s6 =	sadd.s32 s14, s6  }
0x335: {  	s26 =	sor.u32 $0xA200, s2;
	v4 =	vld [tilespmem:s10+$0x12280];
	s10 =	sor.u32 $0xA290, s10;
	s14 =	sadd.s32 $0x10, s6  }
0x336: {  	s21 =	sor.u32 $0xA280, s2;
	s22 =	sor.u32 $0x300, s6;
	[tilespmem:s10+$0x0] =	vst.add.f32.msk $0xffff, v2;
	s28 =	sor.u32 $0x300, s14  }
0x337: {  	s29 =	sor.u32 $0xA010, s2;
	s6 =	sor.u32 s20, s0;
	s10 =	smov.u32 s2;
	v2 =	vld [tilespmem:s28+$0x12000]  }
0x338: {  	s2 =	sor.u32 $0x380, s6;
	s6 =	smov.u32 s20;
	[tilespmem:s29+$0x0] =	vst.add.f32.msk $0xffff, v1  }
0x339: {  	v1 =	vld [tilespmem:s10+$0x12090]  }
0x33a: {  	[tilespmem:s9+$0x0] =	vst.add.f32.msk $0xffff, v3  }
0x33b: {  	v3 =	vld [tilespmem:s10+$0x12080]  }
0x33c: {  	s9 =	sor.u32 $0x380, s14;
	[tilespmem:s28+$0xA000] =	vst.add.f32.msk $0xffff, v2  }
0x33d: {  	s14 =	sor.u32 $0xA090, s10;
	v2 =	vld [tilespmem:s9+$0x12000]  }
0x33e: {  	[tilespmem:s14+$0x0] =	vst.add.f32.msk $0xffff, v1  }
0x33f: {  	v1 =	vld [tilespmem:s10+$0x12110]  }
0x340: {  	[tilespmem:s13+$0x0] =	vst.add.f32.msk $0xffff, v3  }
0x341: {  	v3 =	vld [tilespmem:s10+$0x12100]  }
0x342: {  	[tilespmem:s9+$0xA000] =	vst.add.f32.msk $0xffff, v2  }
0x343: {  	s9 =	sor.u32 $0xA110, s10;
	[tilespmem:s17+$0x0] =	vst.add.f32.msk $0xffff, v4;
	s17 =	smov.u32 s21  }
0x344: {  	[tilespmem:s9+$0x0] =	vst.add.f32.msk $0xffff, v1  }
0x345: {  	v1 =	vld [tilespmem:s10+$0x12190]  }
0x346: {  	[tilespmem:s15+$0x0] =	vst.add.f32.msk $0xffff, v3  }
0x347: {  	v2 =	vld [tilespmem:s10+$0x12180]  }
0x348: {  	v3 =	vld [tilespmem:s22+$0x12000]  }
0x349: {  	s9 =	sor.u32 $0xA190, s10;
	[tilespmem:s11+$0xA000] =	vst.add.f32.msk $0xffff, v0;
	s11 =	smov.u32 s12;
	s12 =	smov.u32 s2  }
0x34a: {  	[tilespmem:s9+$0x0] =	vst.add.f32.msk $0xffff, v1  }
0x34b: {  	v4 =	vld [tilespmem:s10+$0x12210]  }
.Ltmp8:
0x34c: {  	[tilespmem:s8+$0x0] =	vst.add.f32.msk $0xffff, v2;
	(pc) =	sbr.rel @p1 .LBB2_15-.Ltmp8, $4  }
0x34d: {  	v1 =	vld [tilespmem:s10+$0x12200]  }
0x34e: {  	[tilespmem:s22+$0xA000] =	vst.add.f32.msk $0xffff, v3  }
0x34f: {  	s2 =	sor.u32 $0xA210, s10;
	v0 =	vld [tilespmem:s11+$0x12000]  }
0x350: {  	s19 =	sadd.s32 $0x1, s19;
	s0 =	sadd.s32 $0x20, s0;
	s20 =	sadd.s32 $0x100, s20;
	[tilespmem:s2+$0x0] =	vst.add.f32.msk $0xffff, v4  }
0x351: {  	v2 =	vld [tilespmem:s10+$0x12290]  }
0x352: {  	s0 =	sand.u32 $0x3, s19;
	[tilespmem:s26+$0x0] =	vst.add.f32.msk $0xffff, v1  }
0x353: {  	s0 =	sshll.u32 s0, $0x5;
	v1 =	vld [tilespmem:s10+$0x12280]  }
0x354: {  	s0 =	sadd.s32 s0, s6  }
0x355: {  	s2 =	sor.u32 $0xA290, s10;
	s6 =	sadd.s32 $0x10, s0  }
0x356: {  	s9 =	sor.u32 $0x300, s6;
	[tilespmem:s2+$0x0] =	vst.add.f32.msk $0xffff, v2  }
0x357: {  	v2 =	vld [tilespmem:s9+$0x12000]  }
0x358: {  	s0 =	sor.u32 $0x300, s0;
	[tilespmem:s17+$0x0] =	vst.add.f32.msk $0xffff, v1  }
0x359: {  	v1 =	vld [tilespmem:s0+$0x12000];
	_ =	sdelay $0x2  }
0x35a: {  	s10 =	sor.u32 $0x380, s6;
	[tilespmem:s9+$0xA000] =	vst.add.f32.msk $0xffff, v2  }
0x35b: {  	v2 =	vld [tilespmem:s10+$0x12000]  }
0x35c: {  	[tilespmem:s0+$0xA000] =	vst.add.f32.msk $0xffff, v1  }
0x35d: {  	v1 =	vld [tilespmem:s12+$0x12000];
	_ =	sdelay $0x2  }
0x35e: {  	[tilespmem:s11+$0xA000] =	vst.add.f32.msk $0xffff, v0  }
0x35f: {  	[tilespmem:s10+$0xA000] =	vst.add.f32.msk $0xffff, v2  }
0x360: {  	s13 =	sadd.s32 s4, s25;
	s14 =	simm.s32 $0xA000;
	s0 =	simm.s32 @!p0 $0xF;
	[tilespmem:s12+$0xA000] =	vst.add.f32.msk $0xffff, v1  }
0x361: {  	[hbm4b:s13+s5] =	stream.linear.scatter [tilespmem:s14], [sflag:$0xE], $0x2000, $0x38;
	[tilespmem:$0x14000] =	vst v63  }
0x362: {  	_ =	swait.ge @!p0 [sflag:s0], $0x2000  }
0x363: {  	[sflag:s0] =	ssyncset.done @!p0 $0x0  }
0x364: {  	s15 =	simm.s32 $0x8;
	[sflag:s0] =	ssyncadd.s32 @!p0 $0xFFFFE000;
	s0 =	rddreg [dreg:$0xa]  }
0x365: {  	s2 =	simm.s32 @!p0 $0x0;
	s0 =	sadd.s32 @!p0 s3, s0;
	s3 =	simm.s32 @!p0 $0xC000  }
0x366: {  	[tilespmem:s3], [sflag:$0x7] =	stream.linear.gather @!p0 [hbm4b:s0+s2], $0x2000, $0x38;
	[tilespmem:$0x14000] =	vst v63  }
0x367: {  	s0 =	simm.s32 $0x0;
	_ =	swait.ge [sflag:s15], $0x2000  }
0x368: {  	s17 =	sand.u32 $0x60, s0;
	s18 =	sand.u32 $0x1C00, s0;
	[sflag:s15] =	ssyncset.done $0x0  }
0x369: {  	s10 =	sor.u32 s17, s18;
	[sflag:s15] =	ssyncadd.s32 $0xFFFFE000  }
0x36a: {  	v0 =	vld [tilespmem:s10+$0x12010];
	_ =	sdelay $0x1  }
0x36b: {  	v1 =	vld [tilespmem:s10+$0x12000];
	_ =	sdelay $0x1  }
0x36c: {  	s2 =	sor.u32 $0xE010, s10  }
0x36d: {  	[tilespmem:s2+$0x0] =	vst.add.f32.msk $0xffff, v0  }
0x36e: {  	s19 =	sor.u32 $0xE000, s10;
	v0 =	vld [tilespmem:s10+$0x12090]  }
0x36f: {  	[tilespmem:s19+$0x0] =	vst.add.f32.msk $0xffff, v1  }
0x370: {  	v1 =	vld [tilespmem:s10+$0x12080];
	_ =	sdelay $0x1  }
0x371: {  	s20 =	sor.u32 $0xE090, s10  }
0x372: {  	[tilespmem:s20+$0x0] =	vst.add.f32.msk $0xffff, v0  }
0x373: {  	s21 =	sor.u32 $0xE080, s10;
	v0 =	vld [tilespmem:s10+$0x12110]  }
0x374: {  	[tilespmem:s21+$0x0] =	vst.add.f32.msk $0xffff, v1  }
0x375: {  	v1 =	vld [tilespmem:s10+$0x12100];
	_ =	sdelay $0x1  }
0x376: {  	s22 =	sor.u32 $0xE110, s10  }
0x377: {  	[tilespmem:s22+$0x0] =	vst.add.f32.msk $0xffff, v0  }
0x378: {  	s25 =	sor.u32 $0xE100, s10;
	v0 =	vld [tilespmem:s10+$0x12190]  }
0x379: {  	[tilespmem:s25+$0x0] =	vst.add.f32.msk $0xffff, v1  }
0x37a: {  	v1 =	vld [tilespmem:s10+$0x12180];
	_ =	sdelay $0x1  }
0x37b: {  	s26 =	sor.u32 $0xE190, s10  }
0x37c: {  	[tilespmem:s26+$0x0] =	vst.add.f32.msk $0xffff, v0  }
0x37d: {  	s28 =	sor.u32 $0xE180, s10;
	v0 =	vld [tilespmem:s10+$0x12210]  }
0x37e: {  	s30 =	simm.s32 $0x20;
	s6 =	simm.s32 $0x100;
	[tilespmem:s28+$0x0] =	vst.add.f32.msk $0xffff, v1  }
0x37f: {  	s8 =	sand.u32 $0x1C00, s6;
	s9 =	sand.u32 $0x60, s30;
	v1 =	vld [tilespmem:s10+$0x12200]  }
0x380: {  	s3 =	sor.u32 s9, s8  }
0x381: {  	s29 =	sor.u32 $0xE210, s10;
	v2 =	vld [tilespmem:s3+$0x12010]  }
0x382: {  	[tilespmem:s29+$0x0] =	vst.add.f32.msk $0xffff, v0  }
0x383: {  	s9 =	sor.u32 $0xE200, s10;
	v0 =	vld [tilespmem:s10+$0x12290]  }
0x384: {  	s11 =	sand.u32 $0x3, s0;
	[tilespmem:s9+$0x0] =	vst.add.f32.msk $0xffff, v1  }
0x385: {  	s8 =	sshll.u32 s11, $0x5;
	s15 =	sor.u32 $0xE010, s3;
	v1 =	vld [tilespmem:s3+$0x12000]  }
0x386: {  	s8 =	sadd.s32 $0x0, s8;
	[tilespmem:s15+$0x0] =	vst.add.f32.msk $0xffff, v2  }
0x387: {  	s12 =	sor.u32 $0xE290, s10;
	s13 =	sadd.s32 $0x10, s8;
	v2 =	vld [tilespmem:s3+$0x12090]  }
0x388: {  	s14 =	sor.u32 $0x300, s13;
	[tilespmem:s12+$0x0] =	vst.add.f32.msk $0xffff, v0  }
0x389: {  	s17 =	sor.u32 $0xE000, s3;
	v0 =	vld [tilespmem:s14+$0x12000]  }
0x38a: {  	[tilespmem:s17+$0x0] =	vst.add.f32.msk $0xffff, v1  }
0x38b: {  	s19 =	sor.u32 $0xE090, s3;
	v1 =	vld [tilespmem:s3+$0x12080]  }
0x38c: {  	[tilespmem:s19+$0x0] =	vst.add.f32.msk $0xffff, v2  }
0x38d: {  	v2 =	vld [tilespmem:s3+$0x12110]  }
0x38e: {  	s18 =	sor.u32 $0x380, s13;
	[tilespmem:s14+$0xE000] =	vst.add.f32.msk $0xffff, v0  }
0x38f: {  	s20 =	sor.u32 $0xE080, s3;
	v0 =	vld [tilespmem:s18+$0x12000]  }
0x390: {  	[tilespmem:s20+$0x0] =	vst.add.f32.msk $0xffff, v1  }
0x391: {  	s21 =	sor.u32 $0xE110, s3;
	v1 =	vld [tilespmem:s3+$0x12100]  }
0x392: {  	[tilespmem:s21+$0x0] =	vst.add.f32.msk $0xffff, v2  }
0x393: {  	v3 =	vld [tilespmem:s10+$0x12280]  }
0x394: {  	[tilespmem:s18+$0xE000] =	vst.add.f32.msk $0xffff, v0  }
0x395: {  	s22 =	sor.u32 $0xE100, s3;
	v0 =	vld [tilespmem:s3+$0x12190]  }
0x396: {  	[tilespmem:s22+$0x0] =	vst.add.f32.msk $0xffff, v1  }
0x397: {  	s25 =	sor.u32 $0xE280, s10;
	v1 =	vld [tilespmem:s3+$0x12180]  }
0x398: {  	s8 =	sor.u32 $0x300, s8;
	[tilespmem:s25+$0x0] =	vst.add.f32.msk $0xffff, v3  }
0x399: {  	s26 =	sor.u32 $0xE190, s3;
	v2 =	vld [tilespmem:s8+$0x12000]  }
0x39a: {  	[tilespmem:s26+$0x0] =	vst.add.f32.msk $0xffff, v0  }
0x39b: {  	s28 =	sor.u32 $0xE180, s3;
	v3 =	vld [tilespmem:s3+$0x12210]  }
0x39c: {  	[tilespmem:s28+$0x0] =	vst.add.f32.msk $0xffff, v1  }
0x39d: {  	s0 =	sor.u32 s0, s0;
	s19 =	simm.s32 $0x200;
	v1 =	vld [tilespmem:s3+$0x12200]  }
0x39e: {  	s29 =	sor.u32 s6, s30;
	s30 =	sor.u32 $0xE210, s3;
	s10 =	sor.u32 $0x380, s0;
	[tilespmem:s8+$0xE000] =	vst.add.f32.msk $0xffff, v2  }
0x39f: {  	s11 =	sor.u32 $0x380, s29;
	s0 =	simm.s32 $0x40;
	s17 =	simm.s32 $0x2;
	v0 =	vld [tilespmem:s10+$0x12000]  }
0x3a0: {  	s12 =	sor.u32 $0xE280, s3;
	s20 =	sor.u32 $0xE200, s3;
	s18 =	simm.s32 $0x1;
	[tilespmem:s30+$0x0] =	vst.add.f32.msk $0xffff, v3  }
.LBB2_17:
0x3a1: {  	s2 =	sand.u32 $0x60, s0;
	s8 =	sand.u32 $0x1C00, s19;
	s17 =	sadd.s32 $0x2, s17;
	v2 =	vld [tilespmem:s3+$0x12290]  }
0x3a2: {  	s2 =	sor.u32 s2, s8;
	p1 =	slt.u32 s17, $0x3E;
	s8 =	sand.u32 $0x3, s18;
	[tilespmem:s20+$0x0] =	vst.add.f32.msk $0xffff, v1  }
0x3a3: {  	s9 =	sor.u32 $0xE000, s2;
	s13 =	sor.u32 $0xE080, s2;
	v1 =	vld [tilespmem:s2+$0x12010];
	s14 =	sshll.u32 s8, $0x5  }
0x3a4: {  	s15 =	sor.u32 $0xE100, s2;
	s8 =	sor.u32 $0xE180, s2;
	v3 =	vld [tilespmem:s2+$0x12000];
	s6 =	sadd.s32 s14, s6  }
0x3a5: {  	s20 =	sor.u32 $0xE200, s2;
	v4 =	vld [tilespmem:s3+$0x12280];
	s3 =	sor.u32 $0xE290, s3;
	s14 =	sadd.s32 $0x10, s6  }
0x3a6: {  	s21 =	sor.u32 $0xE280, s2;
	s22 =	sor.u32 $0x300, s6;
	[tilespmem:s3+$0x0] =	vst.add.f32.msk $0xffff, v2;
	s25 =	sor.u32 $0x300, s14  }
0x3a7: {  	s26 =	sor.u32 $0xE010, s2;
	s6 =	sor.u32 s19, s0;
	s3 =	smov.u32 s2;
	v2 =	vld [tilespmem:s25+$0x12000]  }
0x3a8: {  	s2 =	sor.u32 $0x380, s6;
	s6 =	smov.u32 s19;
	[tilespmem:s26+$0x0] =	vst.add.f32.msk $0xffff, v1  }
0x3a9: {  	v1 =	vld [tilespmem:s3+$0x12090]  }
0x3aa: {  	[tilespmem:s9+$0x0] =	vst.add.f32.msk $0xffff, v3  }
0x3ab: {  	v3 =	vld [tilespmem:s3+$0x12080]  }
0x3ac: {  	s9 =	sor.u32 $0x380, s14;
	[tilespmem:s25+$0xE000] =	vst.add.f32.msk $0xffff, v2  }
0x3ad: {  	s14 =	sor.u32 $0xE090, s3;
	v2 =	vld [tilespmem:s9+$0x12000]  }
0x3ae: {  	[tilespmem:s14+$0x0] =	vst.add.f32.msk $0xffff, v1  }
0x3af: {  	v1 =	vld [tilespmem:s3+$0x12110]  }
0x3b0: {  	[tilespmem:s13+$0x0] =	vst.add.f32.msk $0xffff, v3  }
0x3b1: {  	v3 =	vld [tilespmem:s3+$0x12100]  }
0x3b2: {  	[tilespmem:s9+$0xE000] =	vst.add.f32.msk $0xffff, v2  }
0x3b3: {  	s9 =	sor.u32 $0xE110, s3;
	[tilespmem:s12+$0x0] =	vst.add.f32.msk $0xffff, v4;
	s12 =	smov.u32 s21  }
0x3b4: {  	[tilespmem:s9+$0x0] =	vst.add.f32.msk $0xffff, v1  }
0x3b5: {  	v1 =	vld [tilespmem:s3+$0x12190]  }
0x3b6: {  	[tilespmem:s15+$0x0] =	vst.add.f32.msk $0xffff, v3  }
0x3b7: {  	v2 =	vld [tilespmem:s3+$0x12180]  }
0x3b8: {  	v3 =	vld [tilespmem:s22+$0x12000]  }
0x3b9: {  	s9 =	sor.u32 $0xE190, s3;
	[tilespmem:s10+$0xE000] =	vst.add.f32.msk $0xffff, v0;
	s10 =	smov.u32 s11;
	s11 =	smov.u32 s2  }
0x3ba: {  	[tilespmem:s9+$0x0] =	vst.add.f32.msk $0xffff, v1  }
0x3bb: {  	v4 =	vld [tilespmem:s3+$0x12210]  }
.Ltmp9:
0x3bc: {  	[tilespmem:s8+$0x0] =	vst.add.f32.msk $0xffff, v2;
	(pc) =	sbr.rel @p1 .LBB2_17-.Ltmp9, $4  }
0x3bd: {  	v1 =	vld [tilespmem:s3+$0x12200]  }
0x3be: {  	[tilespmem:s22+$0xE000] =	vst.add.f32.msk $0xffff, v3  }
0x3bf: {  	s2 =	sor.u32 $0xE210, s3;
	v0 =	vld [tilespmem:s10+$0x12000]  }
0x3c0: {  	s18 =	sadd.s32 $0x1, s18;
	s0 =	sadd.s32 $0x20, s0;
	s19 =	sadd.s32 $0x100, s19;
	[tilespmem:s2+$0x0] =	vst.add.f32.msk $0xffff, v4  }
0x3c1: {  	v2 =	vld [tilespmem:s3+$0x12290]  }
0x3c2: {  	s0 =	sand.u32 $0x3, s18;
	[tilespmem:s20+$0x0] =	vst.add.f32.msk $0xffff, v1  }
0x3c3: {  	s0 =	sshll.u32 s0, $0x5;
	v1 =	vld [tilespmem:s3+$0x12280]  }
0x3c4: {  	s0 =	sadd.s32 s0, s6  }
0x3c5: {  	s2 =	sor.u32 $0xE290, s3;
	s25 =	sadd.s32 $0x10, s0  }
0x3c6: {  	s26 =	sor.u32 $0x300, s25;
	[tilespmem:s2+$0x0] =	vst.add.f32.msk $0xffff, v2  }
0x3c7: {  	v2 =	vld [tilespmem:s26+$0x12000]  }
0x3c8: {  	s0 =	sor.u32 $0x300, s0;
	[tilespmem:s12+$0x0] =	vst.add.f32.msk $0xffff, v1  }
0x3c9: {  	v1 =	vld [tilespmem:s0+$0x12000];
	_ =	sdelay $0x2  }
0x3ca: {  	s28 =	sor.u32 $0x380, s25;
	[tilespmem:s26+$0xE000] =	vst.add.f32.msk $0xffff, v2  }
0x3cb: {  	v2 =	vld [tilespmem:s28+$0x12000]  }
0x3cc: {  	[tilespmem:s0+$0xE000] =	vst.add.f32.msk $0xffff, v1  }
0x3cd: {  	v1 =	vld [tilespmem:s11+$0x12000];
	_ =	sdelay $0x1  }
.Ltmp10:
0x3ce: {  	_ = 	snop;
	(pc) =	sbr.rel @p0 .LBB2_20-.Ltmp10, $4  }
0x3cf: {  	[tilespmem:s10+$0xE000] =	vst.add.f32.msk $0xffff, v0  }
0x3d0: {  	[tilespmem:s28+$0xE000] =	vst.add.f32.msk $0xffff, v2  }
0x3d1: {  	s29 =	sadd.s32 s4, s24;
	s30 =	simm.s32 $0xE000;
	[tilespmem:s11+$0xE000] =	vst.add.f32.msk $0xffff, v1  }
0x3d2: {  	[hbm4b:s29+s5] =	stream.linear.scatter [tilespmem:s30], [sflag:$0x10], $0x2000, $0x38;
	[tilespmem:$0x14000] =	vst v63  }
.Ltmp11:
0x3d3: {  	s0 =	rddreg [dreg:$0x11];
	(pc) =	sbr.rel .LBB2_2-.Ltmp11, $4  }
0x3d4: {  	s0 =	sadd.s32 s23, s0  }
0x3d5: {  	s2 =	rddreg [dreg:$0x1];
	s0 =	sshll.u32 s0, $0xA  }
0x3d6: {  	s30 =	simm.s32 $0x12000;
	s7 =	sadd.s32 $0x1, s7;
	s0 =	sadd.s32 s2, s0  }
0x3d7: {  	[tilespmem:s30], [sflag:$0x12] =	stream.linear.gather [hbm4b:s0+s5], $0x2000, $0x38;
	[tilespmem:$0x14000] =	vst v63  }
.LBB2_21:
0x3d8: {  	_ =	sfence.sel $0x180000  }
0x3d9: {  	[bflag:$0x0] =	sbarrier.arrive $0xFFFF  }
0x3da: {  	_ =	strace $0x90000047  }
0x3db: {  	s0 =	stileid.u32;
	[bflag:$0x2] =	sbarrier.arrive $0xFFFF  }
0x3dc: {  	p0 =	sne.s32 s0, $0x0;
	s0 =	rddreg [dreg:$0x3]  }
0x3dd: {  	s0 =	sadd.s32 @!p0 $0x100000, s0  }
0x3de: {  	[sflag:s0] =	ssyncadd.tile.s32 @!p0 $0x1;
	_ =	shalt  }
.Lfunc_end2:
_tile_overlayer_lowered:
.L_overlay_start_2:
0x3df: {  	(tag) =	ssettag $0x2  }
0x3e0: {  	s0 =	rddreg [dreg:$0x0];
	s2 =	stileid.u32  }
0x3e1: {  	s1 =	rddreg [dreg:$0x1];
	p0 =	sne.s32 s2, $0x0  }
0x3e2: {  	s3 =	rddreg [dreg:$0x2];
	[bflag:$0x3] =	sbarrier.arrive $0xFFFF;
	s2 =	simm.s32 @!p0 $0x1C13  }
0x3e3: {  	[timem:s3], [sflag:s2] =	dma.local @!p0 [hbm:s0], s1  }
0x3e4: {  	s0 =	simm.s32 @!p0 $0x13  }
0x3e5: {  	_ =	swait.ge @!p0 [sflag:s0], s1  }
0x3e6: {  	s1 =	ssub.s32 @!p0 $0x0, s1;
	[sflag:s0] =	ssyncset.done @!p0 $0x0  }
0x3e7: {  	[sflag:s0] =	ssyncadd.s32 @!p0 s1  }
0x3e8: {  	[bflag:$0x3] =	sbarrier.arrive $0xFFFF  }
0x3e9: {  	_ =	shalt  }

</sc_bundles>
